<compile_context>
chip_gen: v7x
topology: tpu7x:2x2x1
jax: 0.10.2.dev20260603
libtpu: 0.0.44.dev20260713+nightly
codegen_flags: <defaults>
</compile_context>

<pallas_src>
import jax
import jax.numpy as jnp
from jax import lax
from jax.experimental import pallas as pl
from jax.experimental.pallas import tpu as pltpu
from jax.experimental.pallas import tpu_sc as plsc

N_NODES = 100000
N_EDGES = 6400000
SIGMA = 1.0
EPSILON = 5.0
ALPHA = 5.0
CUTOFF = 2.5

NPAD = 100096
RT = NPAD // 16
SCHUNK = 2048
SREM = RT - 3 * SCHUNK

C = 4000
CH = 50
EPT = C * CH


def _rsqrt(d2):
    i = lax.bitcast_convert_type(d2, jnp.int32)
    y = lax.bitcast_convert_type(jnp.int32(0x5F3759DF) - (i >> 1), jnp.float32)
    for _ in range(2):
        y = y * (1.5 - 0.5 * d2 * y * y)
    return y


def _sc_kernel(px_hbm, py_hbm, pz_hbm, src_hbm, dst_hbm, zeros_hbm,
               out_ae, out_fx, out_fy, out_fz, out_ep,
               px_sh, py_sh, pz_sh, ae_sh, fx_sh, fy_sh, fz_sh,
               is1d, id1d, gsx, gsy, gsz, gdx, gdy, gdz,
               heb, fxb, fyb, fzb, nfxb, nfyb, nfzb,
               stage, ebuf, semg, sems):
    cid = lax.axis_index("c")
    sid = lax.axis_index("s")
    tl = cid * 16 + sid
    iota = lax.iota(jnp.int32, 16)
    base = sid * RT

    pltpu.sync_copy(zeros_hbm, stage)
    for acc in (ae_sh, fx_sh, fy_sh, fz_sh):
        for k in range(3):
            pltpu.sync_copy(stage, acc.at[pl.ds(base + k * SCHUNK, SCHUNK)])
        pltpu.sync_copy(stage.at[pl.ds(0, SREM)],
                        acc.at[pl.ds(base + 3 * SCHUNK, SREM)])
    for src, dstt in ((px_hbm, px_sh), (py_hbm, py_sh), (pz_hbm, pz_sh)):
        for k in range(4):
            r0 = base + k * SCHUNK
            cnt = SCHUNK if k < 3 else SREM
            pltpu.sync_copy(src.at[pl.ds(r0, cnt)], stage.at[pl.ds(0, cnt)])
            pltpu.sync_copy(stage.at[pl.ds(0, cnt)], dstt.at[pl.ds(r0, cnt)])
    plsc.subcore_barrier()

    def chunk_body(c, evec):
        e0 = tl * EPT + c * C
        pltpu.sync_copy(src_hbm.at[pl.ds(e0, C)], is1d)
        pltpu.sync_copy(dst_hbm.at[pl.ds(e0, C)], id1d)
        gds = [
            pltpu.async_copy(px_sh.at[is1d], gsx, semg),
            pltpu.async_copy(py_sh.at[is1d], gsy, semg),
            pltpu.async_copy(pz_sh.at[is1d], gsz, semg),
            pltpu.async_copy(px_sh.at[id1d], gdx, semg),
            pltpu.async_copy(py_sh.at[id1d], gdy, semg),
            pltpu.async_copy(pz_sh.at[id1d], gdz, semg),
        ]
        for d in gds:
            d.wait()

        def step(s, ev):
            w = pl.ds(s * 16, 16)
            dx = gdx[w] - gsx[w]
            dy = gdy[w] - gsy[w]
            dz = gdz[w] - gsz[w]
            d2 = dx * dx + dy * dy + dz * dz
            y = _rsqrt(d2)
            dr = d2 * y
            mask = (d2 > 0.0) & (d2 < CUTOFF * CUTOFF)
            ex = jnp.exp(-ALPHA * (dr - SIGMA))
            om = 1.0 - ex
            pe = jnp.where(mask, EPSILON * om * om - EPSILON, 0.0)
            fs = jnp.where(mask, (-2.0 * ALPHA * EPSILON) * ex * om, 0.0) * y
            fvx = fs * dx
            fvy = fs * dy
            fvz = fs * dz
            heb[w] = 0.5 * pe
            fxb[w] = fvx
            fyb[w] = fvy
            fzb[w] = fvz
            nfxb[w] = -fvx
            nfyb[w] = -fvy
            nfzb[w] = -fvz
            return ev + pe

        evec = lax.fori_loop(0, C // 16, step, evec)
        sds = [
            pltpu.async_copy(heb, ae_sh.at[is1d], sems, add=True),
            pltpu.async_copy(heb, ae_sh.at[id1d], sems, add=True),
            pltpu.async_copy(nfxb, fx_sh.at[is1d], sems, add=True),
            pltpu.async_copy(fxb, fx_sh.at[id1d], sems, add=True),
            pltpu.async_copy(nfyb, fy_sh.at[is1d], sems, add=True),
            pltpu.async_copy(fyb, fy_sh.at[id1d], sems, add=True),
            pltpu.async_copy(nfzb, fz_sh.at[is1d], sems, add=True),
            pltpu.async_copy(fzb, fz_sh.at[id1d], sems, add=True),
        ]
        for d in sds:
            d.wait()
        return evec

    evec = lax.fori_loop(0, CH, chunk_body, jnp.zeros((16,), jnp.float32))
    ebuf[...] = evec
    pltpu.sync_copy(ebuf, out_ep.at[pl.ds(tl * 16, 16)])
    plsc.subcore_barrier()

    for acc, out in ((ae_sh, out_ae), (fx_sh, out_fx),
                     (fy_sh, out_fy), (fz_sh, out_fz)):
        for k in range(4):
            r0 = base + k * SCHUNK
            cnt = SCHUNK if k < 3 else SREM
            pltpu.sync_copy(acc.at[pl.ds(r0, cnt)], stage.at[pl.ds(0, cnt)])
            pltpu.sync_copy(stage.at[pl.ds(0, cnt)],
                            out.at[pl.ds(cid * NPAD + r0, cnt)])


def _combine_body(ae_ref, fx_ref, fy_ref, fz_ref, ep_ref,
                  ae_out, f_out, e_out):
    ae_out[0, :] = ae_ref[pl.ds(0, NPAD)] + ae_ref[pl.ds(NPAD, NPAD)]
    f_out[0, :] = fx_ref[pl.ds(0, NPAD)] + fx_ref[pl.ds(NPAD, NPAD)]
    f_out[1, :] = fy_ref[pl.ds(0, NPAD)] + fy_ref[pl.ds(NPAD, NPAD)]
    f_out[2, :] = fz_ref[pl.ds(0, NPAD)] + fz_ref[pl.ds(NPAD, NPAD)]
    e_out[...] = (0.5 * jnp.sum(ep_ref[...])).reshape(1, 1)


@jax.jit
def kernel(positions, mapping):
    f32 = jnp.float32
    pad = jnp.zeros((NPAD - N_NODES,), f32)
    px = jnp.concatenate([positions[:, 0], pad])
    py = jnp.concatenate([positions[:, 1], pad])
    pz = jnp.concatenate([positions[:, 2], pad])

    src = mapping[0]
    dst = mapping[1]
    zeros = jnp.zeros((SCHUNK,), f32)

    mesh = plsc.VectorSubcoreMesh(core_axis_name="c", subcore_axis_name="s")
    sc = pl.kernel(
        _sc_kernel,
        out_type=[
            jax.ShapeDtypeStruct((2 * NPAD,), f32),
            jax.ShapeDtypeStruct((2 * NPAD,), f32),
            jax.ShapeDtypeStruct((2 * NPAD,), f32),
            jax.ShapeDtypeStruct((2 * NPAD,), f32),
            jax.ShapeDtypeStruct((512,), f32),
        ],
        mesh=mesh,
        scratch_types=[
            pltpu.VMEM_SHARED((NPAD,), f32),
            pltpu.VMEM_SHARED((NPAD,), f32),
            pltpu.VMEM_SHARED((NPAD,), f32),
            pltpu.VMEM_SHARED((NPAD,), f32),
            pltpu.VMEM_SHARED((NPAD,), f32),
            pltpu.VMEM_SHARED((NPAD,), f32),
            pltpu.VMEM_SHARED((NPAD,), f32),
            pltpu.VMEM((C,), jnp.int32),
            pltpu.VMEM((C,), jnp.int32),
            pltpu.VMEM((C,), f32),
            pltpu.VMEM((C,), f32),
            pltpu.VMEM((C,), f32),
            pltpu.VMEM((C,), f32),
            pltpu.VMEM((C,), f32),
            pltpu.VMEM((C,), f32),
            pltpu.VMEM((C,), f32),
            pltpu.VMEM((C,), f32),
            pltpu.VMEM((C,), f32),
            pltpu.VMEM((C,), f32),
            pltpu.VMEM((C,), f32),
            pltpu.VMEM((C,), f32),
            pltpu.VMEM((C,), f32),
            pltpu.VMEM((SCHUNK,), f32),
            pltpu.VMEM((16,), f32),
            pltpu.SemaphoreType.DMA,
            pltpu.SemaphoreType.DMA,
        ],
    )
    ae2, fx2, fy2, fz2, ep = sc(px, py, pz, src, dst, zeros)

    ae_c, f_c, e_c = pl.pallas_call(
        _combine_body,
        out_shape=[
            jax.ShapeDtypeStruct((1, NPAD), f32),
            jax.ShapeDtypeStruct((3, NPAD), f32),
            jax.ShapeDtypeStruct((1, 1), f32),
        ],
    )(ae2, fx2, fy2, fz2, ep)

    energy = e_c[0, 0]
    atom_energies = ae_c[0, :N_NODES]
    forces = f_c[:, :N_NODES].T
    return energy, atom_energies, forces

# --- scband reference (transcript-rebuilt; emitter-appended) ---
"""Pipeline reference for scband-unbatched-morse-model-30176440222234 (READ-ONLY COPY).

The authoritative reference and input builder live on the scoring server;
editing this copy changes nothing except your own understanding.
"""

import jax, jax.numpy as jnp
import numpy as np

N_NODES = 100000
N_EDGES = 6400000
SIGMA = 1.0
EPSILON = 5.0
ALPHA = 5.0
CUTOFF = 2.5


def setup_inputs(seed: int = 0) -> dict:
    key = jax.random.key(seed)
    k1, k2 = jax.random.split(key, 2)
    positions = jax.random.normal(k1, (N_NODES, 3), dtype=jnp.float32)
    mapping = jax.random.randint(k2, (2, N_EDGES), 0, N_NODES, dtype=jnp.int32)
    return {"positions": positions, "mapping": mapping}


def _morse_pair(dr):
    e = EPSILON * (1.0 - jnp.exp(-ALPHA * (dr - SIGMA))) ** 2 - EPSILON
    return jnp.where(dr > 0, e, jnp.zeros_like(e))


def _morse_pair_force(dr):
    exp_term = jnp.exp(-ALPHA * (dr - SIGMA))
    f = -2.0 * ALPHA * EPSILON * exp_term * (1.0 - exp_term)
    return jnp.where(dr > 0, f, jnp.zeros_like(f))


def reference(positions, mapping):
    src = mapping[0]
    dst = mapping[1]
    # get_pair_displacements (no PBC shifts): dr_vec = pos[j] - pos[i]
    dr_vec = positions[dst] - positions[src]
    d2 = jnp.sum(dr_vec * dr_vec, axis=-1)
    safe_d2 = jnp.where(d2 > 0.0, d2, 1.0)
    distances = jnp.where(d2 > 0.0, jnp.sqrt(safe_d2), 0.0)

    pair_energies = _morse_pair(distances)
    mask = distances < CUTOFF
    pair_energies = jnp.where(mask, pair_energies, jnp.zeros_like(pair_energies))
    energy = 0.5 * jnp.sum(pair_energies)

    # per-atom energies via scatter-add (index_add_)
    atom_energies = jnp.zeros((positions.shape[0],), dtype=positions.dtype)
    atom_energies = atom_energies.at[src].add(0.5 * pair_energies)
    atom_energies = atom_energies.at[dst].add(0.5 * pair_energies)

    # forces
    pair_forces = _morse_pair_force(distances)
    pair_forces = jnp.where(mask, pair_forces, jnp.zeros_like(pair_forces))
    safe_d = jnp.where(distances > 0, distances, jnp.ones_like(distances))
    force_vectors = (pair_forces / safe_d)[:, None] * dr_vec
    forces = jnp.zeros_like(positions)
    forces = forces.at[src].add(-force_vectors)
    forces = forces.at[dst].add(force_vectors)

    return energy, atom_energies, forces

if __name__ == "__main__":
    import jax
    _d = setup_inputs()
    print(jax.jit(kernel)(*tuple(_d.values())))

</pallas_src>

<mosaic_0001>
#map = affine_map<(d0, d1) -> (0)>
module attributes {stable_mosaic.version = 14 : i64} {
  func.func @_sc_kernel(%arg0: i32, %arg1: i32, %arg2: memref<100096xf32, #tpu.memory_space<hbm>>, %arg3: memref<100096xf32, #tpu.memory_space<hbm>>, %arg4: memref<100096xf32, #tpu.memory_space<hbm>>, %arg5: memref<6400000xi32, #tpu.memory_space<hbm>>, %arg6: memref<6400000xi32, #tpu.memory_space<hbm>>, %arg7: memref<2048xf32, #tpu.memory_space<hbm>>, %arg8: memref<200192xf32, #tpu.memory_space<hbm>>, %arg9: memref<200192xf32, #tpu.memory_space<hbm>>, %arg10: memref<200192xf32, #tpu.memory_space<hbm>>, %arg11: memref<200192xf32, #tpu.memory_space<hbm>>, %arg12: memref<512xf32, #tpu.memory_space<hbm>>, %arg13: memref<100096xf32, #tpu.memory_space<vmem_shared>>, %arg14: memref<100096xf32, #tpu.memory_space<vmem_shared>>, %arg15: memref<100096xf32, #tpu.memory_space<vmem_shared>>, %arg16: memref<100096xf32, #tpu.memory_space<vmem_shared>>, %arg17: memref<100096xf32, #tpu.memory_space<vmem_shared>>, %arg18: memref<100096xf32, #tpu.memory_space<vmem_shared>>, %arg19: memref<100096xf32, #tpu.memory_space<vmem_shared>>, %arg20: memref<4000xi32, #tpu.memory_space<vmem>>, %arg21: memref<4000xi32, #tpu.memory_space<vmem>>, %arg22: memref<4000xf32, #tpu.memory_space<vmem>>, %arg23: memref<4000xf32, #tpu.memory_space<vmem>>, %arg24: memref<4000xf32, #tpu.memory_space<vmem>>, %arg25: memref<4000xf32, #tpu.memory_space<vmem>>, %arg26: memref<4000xf32, #tpu.memory_space<vmem>>, %arg27: memref<4000xf32, #tpu.memory_space<vmem>>, %arg28: memref<4000xf32, #tpu.memory_space<vmem>>, %arg29: memref<4000xf32, #tpu.memory_space<vmem>>, %arg30: memref<4000xf32, #tpu.memory_space<vmem>>, %arg31: memref<4000xf32, #tpu.memory_space<vmem>>, %arg32: memref<4000xf32, #tpu.memory_space<vmem>>, %arg33: memref<4000xf32, #tpu.memory_space<vmem>>, %arg34: memref<4000xf32, #tpu.memory_space<vmem>>, %arg35: memref<2048xf32, #tpu.memory_space<vmem>>, %arg36: memref<16xf32, #tpu.memory_space<vmem>>, %arg37: memref<!tpu.dma_semaphore, #tpu.memory_space<semaphore_mem>>, %arg38: memref<!tpu.dma_semaphore, #tpu.memory_space<semaphore_mem>>) attributes {dimension_semantics = [#tpu.dimension_semantics<core_parallel>, #tpu.dimension_semantics<subcore_parallel>], iteration_bounds = array<i64: 2, 16>, scalar_prefetch = 0 : i64, scratch_operands = 26 : i64, tpu.core_type = #tpu.core_type<sc_vector_subcore>, window_params = [{transform_indices = #map}, {transform_indices = #map}, {transform_indices = #map}, {transform_indices = #map}, {transform_indices = #map}, {transform_indices = #map}, {transform_indices = #map}, {transform_indices = #map}, {transform_indices = #map}, {transform_indices = #map}, {transform_indices = #map}]} {
    %mul3A = arith.constant 16 : i32
    %mul3A_0 = arith.muli %arg0, %mul3A : i32
    %add3A = arith.addi %mul3A_0, %arg1 : i32
    %iota3A = tpu.iota {dimensions = array<i32: 0>} : vector<16xi32>
    %mul3A_1 = arith.constant 6256 : i32
    %mul3A_2 = arith.muli %arg1, %mul3A_1 : i32
    "tpu.region"() ({
      %run_scoped3A = tpu.sem_alloc : memref<!tpu.dma_semaphore, #tpu.memory_space<semaphore_mem>>
      tpu.enqueue_dma source(%arg7 : memref<2048xf32, #tpu.memory_space<hbm>>) target(%arg35 : memref<2048xf32, #tpu.memory_space<vmem>>) target_semaphore(%run_scoped3A : memref<!tpu.dma_semaphore, #tpu.memory_space<semaphore_mem>>)
      tpu.wait_dma2 semaphore(%run_scoped3A : memref<!tpu.dma_semaphore, #tpu.memory_space<semaphore_mem>>) src(%arg7 : memref<2048xf32, #tpu.memory_space<hbm>>) dst(%arg35 : memref<2048xf32, #tpu.memory_space<vmem>>)
      tpu.yield
    }) : () -> ()
    %add3A_3 = arith.constant 0 : i32
    %add3A_4 = arith.addi %mul3A_2, %add3A_3 : i32
    "tpu.region"() ({
      %run_scoped3A = tpu.sem_alloc : memref<!tpu.dma_semaphore, #tpu.memory_space<semaphore_mem>>
      %dma_start3A = tpu.memref_slice %arg16[%add3A_4] : memref<100096xf32, #tpu.memory_space<vmem_shared>> -> memref<2048xf32, #tpu.memory_space<vmem_shared>>
      %dma_start3A_151 = tpu.memref_slice %arg16[%add3A_4] : memref<100096xf32, #tpu.memory_space<vmem_shared>> -> memref<2048xf32, #tpu.memory_space<vmem_shared>>
      tpu.enqueue_dma source(%arg35 : memref<2048xf32, #tpu.memory_space<vmem>>) target(%dma_start3A_151 : memref<2048xf32, #tpu.memory_space<vmem_shared>>) target_semaphore(%run_scoped3A : memref<!tpu.dma_semaphore, #tpu.memory_space<semaphore_mem>>)
      %dma_wait3A = tpu.memref_slice %arg16[%add3A_4] : memref<100096xf32, #tpu.memory_space<vmem_shared>> -> memref<2048xf32, #tpu.memory_space<vmem_shared>>
      %dma_wait3A_152 = tpu.memref_slice %arg16[%add3A_4] : memref<100096xf32, #tpu.memory_space<vmem_shared>> -> memref<2048xf32, #tpu.memory_space<vmem_shared>>
      tpu.wait_dma2 semaphore(%run_scoped3A : memref<!tpu.dma_semaphore, #tpu.memory_space<semaphore_mem>>) src(%arg35 : memref<2048xf32, #tpu.memory_space<vmem>>) dst(%dma_wait3A_152 : memref<2048xf32, #tpu.memory_space<vmem_shared>>)
      tpu.yield
    }) : () -> ()
    %add3A_5 = arith.constant 2048 : i32
    %add3A_6 = arith.addi %mul3A_2, %add3A_5 : i32
    "tpu.region"() ({
      %run_scoped3A = tpu.sem_alloc : memref<!tpu.dma_semaphore, #tpu.memory_space<semaphore_mem>>
      %dma_start3A = tpu.memref_slice %arg16[%add3A_6] : memref<100096xf32, #tpu.memory_space<vmem_shared>> -> memref<2048xf32, #tpu.memory_space<vmem_shared>>
      %dma_start3A_151 = tpu.memref_slice %arg16[%add3A_6] : memref<100096xf32, #tpu.memory_space<vmem_shared>> -> memref<2048xf32, #tpu.memory_space<vmem_shared>>
      tpu.enqueue_dma source(%arg35 : memref<2048xf32, #tpu.memory_space<vmem>>) target(%dma_start3A_151 : memref<2048xf32, #tpu.memory_space<vmem_shared>>) target_semaphore(%run_scoped3A : memref<!tpu.dma_semaphore, #tpu.memory_space<semaphore_mem>>)
      %dma_wait3A = tpu.memref_slice %arg16[%add3A_6] : memref<100096xf32, #tpu.memory_space<vmem_shared>> -> memref<2048xf32, #tpu.memory_space<vmem_shared>>
      %dma_wait3A_152 = tpu.memref_slice %arg16[%add3A_6] : memref<100096xf32, #tpu.memory_space<vmem_shared>> -> memref<2048xf32, #tpu.memory_space<vmem_shared>>
      tpu.wait_dma2 semaphore(%run_scoped3A : memref<!tpu.dma_semaphore, #tpu.memory_space<semaphore_mem>>) src(%arg35 : memref<2048xf32, #tpu.memory_space<vmem>>) dst(%dma_wait3A_152 : memref<2048xf32, #tpu.memory_space<vmem_shared>>)
      tpu.yield
    }) : () -> ()
    %add3A_7 = arith.constant 4096 : i32
    %add3A_8 = arith.addi %mul3A_2, %add3A_7 : i32
    "tpu.region"() ({
      %run_scoped3A = tpu.sem_alloc : memref<!tpu.dma_semaphore, #tpu.memory_space<semaphore_mem>>
      %dma_start3A = tpu.memref_slice %arg16[%add3A_8] : memref<100096xf32, #tpu.memory_space<vmem_shared>> -> memref<2048xf32, #tpu.memory_space<vmem_shared>>
      %dma_start3A_151 = tpu.memref_slice %arg16[%add3A_8] : memref<100096xf32, #tpu.memory_space<vmem_shared>> -> memref<2048xf32, #tpu.memory_space<vmem_shared>>
      tpu.enqueue_dma source(%arg35 : memref<2048xf32, #tpu.memory_space<vmem>>) target(%dma_start3A_151 : memref<2048xf32, #tpu.memory_space<vmem_shared>>) target_semaphore(%run_scoped3A : memref<!tpu.dma_semaphore, #tpu.memory_space<semaphore_mem>>)
      %dma_wait3A = tpu.memref_slice %arg16[%add3A_8] : memref<100096xf32, #tpu.memory_space<vmem_shared>> -> memref<2048xf32, #tpu.memory_space<vmem_shared>>
      %dma_wait3A_152 = tpu.memref_slice %arg16[%add3A_8] : memref<100096xf32, #tpu.memory_space<vmem_shared>> -> memref<2048xf32, #tpu.memory_space<vmem_shared>>
      tpu.wait_dma2 semaphore(%run_scoped3A : memref<!tpu.dma_semaphore, #tpu.memory_space<semaphore_mem>>) src(%arg35 : memref<2048xf32, #tpu.memory_space<vmem>>) dst(%dma_wait3A_152 : memref<2048xf32, #tpu.memory_space<vmem_shared>>)
      tpu.yield
    }) : () -> ()
    %add3A_9 = arith.constant 6144 : i32
    %add3A_10 = arith.addi %mul3A_2, %add3A_9 : i32
    "tpu.region"() ({
      %run_scoped3A = tpu.sem_alloc : memref<!tpu.dma_semaphore, #tpu.memory_space<semaphore_mem>>
      %dma_start3A = arith.constant 0 : i32
      %dma_start3A_151 = tpu.memref_slice %arg35[%dma_start3A] : memref<2048xf32, #tpu.memory_space<vmem>> -> memref<112xf32, #tpu.memory_space<vmem>>
      %dma_start3A_152 = tpu.memref_slice %arg16[%add3A_10] : memref<100096xf32, #tpu.memory_space<vmem_shared>> -> memref<112xf32, #tpu.memory_space<vmem_shared>>
      %dma_start3A_153 = tpu.memref_slice %arg16[%add3A_10] : memref<100096xf32, #tpu.memory_space<vmem_shared>> -> memref<112xf32, #tpu.memory_space<vmem_shared>>
      %dma_start3A_154 = arith.constant 0 : i32
      %dma_start3A_155 = tpu.memref_slice %arg35[%dma_start3A_154] : memref<2048xf32, #tpu.memory_space<vmem>> -> memref<112xf32, #tpu.memory_space<vmem>>
      tpu.enqueue_dma source(%dma_start3A_155 : memref<112xf32, #tpu.memory_space<vmem>>) target(%dma_start3A_153 : memref<112xf32, #tpu.memory_space<vmem_shared>>) target_semaphore(%run_scoped3A : memref<!tpu.dma_semaphore, #tpu.memory_space<semaphore_mem>>)
      %dma_wait3A = arith.constant 0 : i32
      %dma_wait3A_156 = tpu.memref_slice %arg35[%dma_wait3A] : memref<2048xf32, #tpu.memory_space<vmem>> -> memref<112xf32, #tpu.memory_space<vmem>>
      %dma_wait3A_157 = tpu.memref_slice %arg16[%add3A_10] : memref<100096xf32, #tpu.memory_space<vmem_shared>> -> memref<112xf32, #tpu.memory_space<vmem_shared>>
      %dma_wait3A_158 = tpu.memref_slice %arg16[%add3A_10] : memref<100096xf32, #tpu.memory_space<vmem_shared>> -> memref<112xf32, #tpu.memory_space<vmem_shared>>
      %dma_wait3A_159 = arith.constant 0 : i32
      %dma_wait3A_160 = tpu.memref_slice %arg35[%dma_wait3A_159] : memref<2048xf32, #tpu.memory_space<vmem>> -> memref<112xf32, #tpu.memory_space<vmem>>
      tpu.wait_dma2 semaphore(%run_scoped3A : memref<!tpu.dma_semaphore, #tpu.memory_space<semaphore_mem>>) src(%dma_wait3A_160 : memref<112xf32, #tpu.memory_space<vmem>>) dst(%dma_wait3A_158 : memref<112xf32, #tpu.memory_space<vmem_shared>>)
      tpu.yield
    }) : () -> ()
    %add3A_11 = arith.constant 0 : i32
    %add3A_12 = arith.addi %mul3A_2, %add3A_11 : i32
    "tpu.region"() ({
      %run_scoped3A = tpu.sem_alloc : memref<!tpu.dma_semaphore, #tpu.memory_space<semaphore_mem>>
      %dma_start3A = tpu.memref_slice %arg17[%add3A_12] : memref<100096xf32, #tpu.memory_space<vmem_shared>> -> memref<2048xf32, #tpu.memory_space<vmem_shared>>
      %dma_start3A_151 = tpu.memref_slice %arg17[%add3A_12] : memref<100096xf32, #tpu.memory_space<vmem_shared>> -> memref<2048xf32, #tpu.memory_space<vmem_shared>>
      tpu.enqueue_dma source(%arg35 : memref<2048xf32, #tpu.memory_space<vmem>>) target(%dma_start3A_151 : memref<2048xf32, #tpu.memory_space<vmem_shared>>) target_semaphore(%run_scoped3A : memref<!tpu.dma_semaphore, #tpu.memory_space<semaphore_mem>>)
      %dma_wait3A = tpu.memref_slice %arg17[%add3A_12] : memref<100096xf32, #tpu.memory_space<vmem_shared>> -> memref<2048xf32, #tpu.memory_space<vmem_shared>>
      %dma_wait3A_152 = tpu.memref_slice %arg17[%add3A_12] : memref<100096xf32, #tpu.memory_space<vmem_shared>> -> memref<2048xf32, #tpu.memory_space<vmem_shared>>
      tpu.wait_dma2 semaphore(%run_scoped3A : memref<!tpu.dma_semaphore, #tpu.memory_space<semaphore_mem>>) src(%arg35 : memref<2048xf32, #tpu.memory_space<vmem>>) dst(%dma_wait3A_152 : memref<2048xf32, #tpu.memory_space<vmem_shared>>)
      tpu.yield
    }) : () -> ()
    %add3A_13 = arith.constant 2048 : i32
    %add3A_14 = arith.addi %mul3A_2, %add3A_13 : i32
    "tpu.region"() ({
      %run_scoped3A = tpu.sem_alloc : memref<!tpu.dma_semaphore, #tpu.memory_space<semaphore_mem>>
      %dma_start3A = tpu.memref_slice %arg17[%add3A_14] : memref<100096xf32, #tpu.memory_space<vmem_shared>> -> memref<2048xf32, #tpu.memory_space<vmem_shared>>
      %dma_start3A_151 = tpu.memref_slice %arg17[%add3A_14] : memref<100096xf32, #tpu.memory_space<vmem_shared>> -> memref<2048xf32, #tpu.memory_space<vmem_shared>>
      tpu.enqueue_dma source(%arg35 : memref<2048xf32, #tpu.memory_space<vmem>>) target(%dma_start3A_151 : memref<2048xf32, #tpu.memory_space<vmem_shared>>) target_semaphore(%run_scoped3A : memref<!tpu.dma_semaphore, #tpu.memory_space<semaphore_mem>>)
      %dma_wait3A = tpu.memref_slice %arg17[%add3A_14] : memref<100096xf32, #tpu.memory_space<vmem_shared>> -> memref<2048xf32, #tpu.memory_space<vmem_shared>>
      %dma_wait3A_152 = tpu.memref_slice %arg17[%add3A_14] : memref<100096xf32, #tpu.memory_space<vmem_shared>> -> memref<2048xf32, #tpu.memory_space<vmem_shared>>
      tpu.wait_dma2 semaphore(%run_scoped3A : memref<!tpu.dma_semaphore, #tpu.memory_space<semaphore_mem>>) src(%arg35 : memref<2048xf32, #tpu.memory_space<vmem>>) dst(%dma_wait3A_152 : memref<2048xf32, #tpu.memory_space<vmem_shared>>)
      tpu.yield
    }) : () -> ()
    %add3A_15 = arith.constant 4096 : i32
    %add3A_16 = arith.addi %mul3A_2, %add3A_15 : i32
    "tpu.region"() ({
      %run_scoped3A = tpu.sem_alloc : memref<!tpu.dma_semaphore, #tpu.memory_space<semaphore_mem>>
      %dma_start3A = tpu.memref_slice %arg17[%add3A_16] : memref<100096xf32, #tpu.memory_space<vmem_shared>> -> memref<2048xf32, #tpu.memory_space<vmem_shared>>
      %dma_start3A_151 = tpu.memref_slice %arg17[%add3A_16] : memref<100096xf32, #tpu.memory_space<vmem_shared>> -> memref<2048xf32, #tpu.memory_space<vmem_shared>>
      tpu.enqueue_dma source(%arg35 : memref<2048xf32, #tpu.memory_space<vmem>>) target(%dma_start3A_151 : memref<2048xf32, #tpu.memory_space<vmem_shared>>) target_semaphore(%run_scoped3A : memref<!tpu.dma_semaphore, #tpu.memory_space<semaphore_mem>>)
      %dma_wait3A = tpu.memref_slice %arg17[%add3A_16] : memref<100096xf32, #tpu.memory_space<vmem_shared>> -> memref<2048xf32, #tpu.memory_space<vmem_shared>>
      %dma_wait3A_152 = tpu.memref_slice %arg17[%add3A_16] : memref<100096xf32, #tpu.memory_space<vmem_shared>> -> memref<2048xf32, #tpu.memory_space<vmem_shared>>
      tpu.wait_dma2 semaphore(%run_scoped3A : memref<!tpu.dma_semaphore, #tpu.memory_space<semaphore_mem>>) src(%arg35 : memref<2048xf32, #tpu.memory_space<vmem>>) dst(%dma_wait3A_152 : memref<2048xf32, #tpu.memory_space<vmem_shared>>)
      tpu.yield
    }) : () -> ()
    %add3A_17 = arith.constant 6144 : i32
    %add3A_18 = arith.addi %mul3A_2, %add3A_17 : i32
    "tpu.region"() ({
      %run_scoped3A = tpu.sem_alloc : memref<!tpu.dma_semaphore, #tpu.memory_space<semaphore_mem>>
      %dma_start3A = arith.constant 0 : i32
      %dma_start3A_151 = tpu.memref_slice %arg35[%dma_start3A] : memref<2048xf32, #tpu.memory_space<vmem>> -> memref<112xf32, #tpu.memory_space<vmem>>
      %dma_start3A_152 = tpu.memref_slice %arg17[%add3A_18] : memref<100096xf32, #tpu.memory_space<vmem_shared>> -> memref<112xf32, #tpu.memory_space<vmem_shared>>
      %dma_start3A_153 = tpu.memref_slice %arg17[%add3A_18] : memref<100096xf32, #tpu.memory_space<vmem_shared>> -> memref<112xf32, #tpu.memory_space<vmem_shared>>
      %dma_start3A_154 = arith.constant 0 : i32
      %dma_start3A_155 = tpu.memref_slice %arg35[%dma_start3A_154] : memref<2048xf32, #tpu.memory_space<vmem>> -> memref<112xf32, #tpu.memory_space<vmem>>
      tpu.enqueue_dma source(%dma_start3A_155 : memref<112xf32, #tpu.memory_space<vmem>>) target(%dma_start3A_153 : memref<112xf32, #tpu.memory_space<vmem_shared>>) target_semaphore(%run_scoped3A : memref<!tpu.dma_semaphore, #tpu.memory_space<semaphore_mem>>)
      %dma_wait3A = arith.constant 0 : i32
      %dma_wait3A_156 = tpu.memref_slice %arg35[%dma_wait3A] : memref<2048xf32, #tpu.memory_space<vmem>> -> memref<112xf32, #tpu.memory_space<vmem>>
      %dma_wait3A_157 = tpu.memref_slice %arg17[%add3A_18] : memref<100096xf32, #tpu.memory_space<vmem_shared>> -> memref<112xf32, #tpu.memory_space<vmem_shared>>
      %dma_wait3A_158 = tpu.memref_slice %arg17[%add3A_18] : memref<100096xf32, #tpu.memory_space<vmem_shared>> -> memref<112xf32, #tpu.memory_space<vmem_shared>>
      %dma_wait3A_159 = arith.constant 0 : i32
      %dma_wait3A_160 = tpu.memref_slice %arg35[%dma_wait3A_159] : memref<2048xf32, #tpu.memory_space<vmem>> -> memref<112xf32, #tpu.memory_space<vmem>>
      tpu.wait_dma2 semaphore(%run_scoped3A : memref<!tpu.dma_semaphore, #tpu.memory_space<semaphore_mem>>) src(%dma_wait3A_160 : memref<112xf32, #tpu.memory_space<vmem>>) dst(%dma_wait3A_158 : memref<112xf32, #tpu.memory_space<vmem_shared>>)
      tpu.yield
    }) : () -> ()
    %add3A_19 = arith.constant 0 : i32
    %add3A_20 = arith.addi %mul3A_2, %add3A_19 : i32
    "tpu.region"() ({
      %run_scoped3A = tpu.sem_alloc : memref<!tpu.dma_semaphore, #tpu.memory_space<semaphore_mem>>
      %dma_start3A = tpu.memref_slice %arg18[%add3A_20] : memref<100096xf32, #tpu.memory_space<vmem_shared>> -> memref<2048xf32, #tpu.memory_space<vmem_shared>>
      %dma_start3A_151 = tpu.memref_slice %arg18[%add3A_20] : memref<100096xf32, #tpu.memory_space<vmem_shared>> -> memref<2048xf32, #tpu.memory_space<vmem_shared>>
      tpu.enqueue_dma source(%arg35 : memref<2048xf32, #tpu.memory_space<vmem>>) target(%dma_start3A_151 : memref<2048xf32, #tpu.memory_space<vmem_shared>>) target_semaphore(%run_scoped3A : memref<!tpu.dma_semaphore, #tpu.memory_space<semaphore_mem>>)
      %dma_wait3A = tpu.memref_slice %arg18[%add3A_20] : memref<100096xf32, #tpu.memory_space<vmem_shared>> -> memref<2048xf32, #tpu.memory_space<vmem_shared>>
      %dma_wait3A_152 = tpu.memref_slice %arg18[%add3A_20] : memref<100096xf32, #tpu.memory_space<vmem_shared>> -> memref<2048xf32, #tpu.memory_space<vmem_shared>>
      tpu.wait_dma2 semaphore(%run_scoped3A : memref<!tpu.dma_semaphore, #tpu.memory_space<semaphore_mem>>) src(%arg35 : memref<2048xf32, #tpu.memory_space<vmem>>) dst(%dma_wait3A_152 : memref<2048xf32, #tpu.memory_space<vmem_shared>>)
      tpu.yield
    }) : () -> ()
    %add3A_21 = arith.constant 2048 : i32
    %add3A_22 = arith.addi %mul3A_2, %add3A_21 : i32
    "tpu.region"() ({
      %run_scoped3A = tpu.sem_alloc : memref<!tpu.dma_semaphore, #tpu.memory_space<semaphore_mem>>
      %dma_start3A = tpu.memref_slice %arg18[%add3A_22] : memref<100096xf32, #tpu.memory_space<vmem_shared>> -> memref<2048xf32, #tpu.memory_space<vmem_shared>>
      %dma_start3A_151 = tpu.memref_slice %arg18[%add3A_22] : memref<100096xf32, #tpu.memory_space<vmem_shared>> -> memref<2048xf32, #tpu.memory_space<vmem_shared>>
      tpu.enqueue_dma source(%arg35 : memref<2048xf32, #tpu.memory_space<vmem>>) target(%dma_start3A_151 : memref<2048xf32, #tpu.memory_space<vmem_shared>>) target_semaphore(%run_scoped3A : memref<!tpu.dma_semaphore, #tpu.memory_space<semaphore_mem>>)
      %dma_wait3A = tpu.memref_slice %arg18[%add3A_22] : memref<100096xf32, #tpu.memory_space<vmem_shared>> -> memref<2048xf32, #tpu.memory_space<vmem_shared>>
      %dma_wait3A_152 = tpu.memref_slice %arg18[%add3A_22] : memref<100096xf32, #tpu.memory_space<vmem_shared>> -> memref<2048xf32, #tpu.memory_space<vmem_shared>>
      tpu.wait_dma2 semaphore(%run_scoped3A : memref<!tpu.dma_semaphore, #tpu.memory_space<semaphore_mem>>) src(%arg35 : memref<2048xf32, #tpu.memory_space<vmem>>) dst(%dma_wait3A_152 : memref<2048xf32, #tpu.memory_space<vmem_shared>>)
      tpu.yield
    }) : () -> ()
    %add3A_23 = arith.constant 4096 : i32
    %add3A_24 = arith.addi %mul3A_2, %add3A_23 : i32
    "tpu.region"() ({
      %run_scoped3A = tpu.sem_alloc : memref<!tpu.dma_semaphore, #tpu.memory_space<semaphore_mem>>
      %dma_start3A = tpu.memref_slice %arg18[%add3A_24] : memref<100096xf32, #tpu.memory_space<vmem_shared>> -> memref<2048xf32, #tpu.memory_space<vmem_shared>>
      %dma_start3A_151 = tpu.memref_slice %arg18[%add3A_24] : memref<100096xf32, #tpu.memory_space<vmem_shared>> -> memref<2048xf32, #tpu.memory_space<vmem_shared>>
      tpu.enqueue_dma source(%arg35 : memref<2048xf32, #tpu.memory_space<vmem>>) target(%dma_start3A_151 : memref<2048xf32, #tpu.memory_space<vmem_shared>>) target_semaphore(%run_scoped3A : memref<!tpu.dma_semaphore, #tpu.memory_space<semaphore_mem>>)
      %dma_wait3A = tpu.memref_slice %arg18[%add3A_24] : memref<100096xf32, #tpu.memory_space<vmem_shared>> -> memref<2048xf32, #tpu.memory_space<vmem_shared>>
      %dma_wait3A_152 = tpu.memref_slice %arg18[%add3A_24] : memref<100096xf32, #tpu.memory_space<vmem_shared>> -> memref<2048xf32, #tpu.memory_space<vmem_shared>>
      tpu.wait_dma2 semaphore(%run_scoped3A : memref<!tpu.dma_semaphore, #tpu.memory_space<semaphore_mem>>) src(%arg35 : memref<2048xf32, #tpu.memory_space<vmem>>) dst(%dma_wait3A_152 : memref<2048xf32, #tpu.memory_space<vmem_shared>>)
      tpu.yield
    }) : () -> ()
    %add3A_25 = arith.constant 6144 : i32
    %add3A_26 = arith.addi %mul3A_2, %add3A_25 : i32
    "tpu.region"() ({
      %run_scoped3A = tpu.sem_alloc : memref<!tpu.dma_semaphore, #tpu.memory_space<semaphore_mem>>
      %dma_start3A = arith.constant 0 : i32
      %dma_start3A_151 = tpu.memref_slice %arg35[%dma_start3A] : memref<2048xf32, #tpu.memory_space<vmem>> -> memref<112xf32, #tpu.memory_space<vmem>>
      %dma_start3A_152 = tpu.memref_slice %arg18[%add3A_26] : memref<100096xf32, #tpu.memory_space<vmem_shared>> -> memref<112xf32, #tpu.memory_space<vmem_shared>>
      %dma_start3A_153 = tpu.memref_slice %arg18[%add3A_26] : memref<100096xf32, #tpu.memory_space<vmem_shared>> -> memref<112xf32, #tpu.memory_space<vmem_shared>>
      %dma_start3A_154 = arith.constant 0 : i32
      %dma_start3A_155 = tpu.memref_slice %arg35[%dma_start3A_154] : memref<2048xf32, #tpu.memory_space<vmem>> -> memref<112xf32, #tpu.memory_space<vmem>>
      tpu.enqueue_dma source(%dma_start3A_155 : memref<112xf32, #tpu.memory_space<vmem>>) target(%dma_start3A_153 : memref<112xf32, #tpu.memory_space<vmem_shared>>) target_semaphore(%run_scoped3A : memref<!tpu.dma_semaphore, #tpu.memory_space<semaphore_mem>>)
      %dma_wait3A = arith.constant 0 : i32
      %dma_wait3A_156 = tpu.memref_slice %arg35[%dma_wait3A] : memref<2048xf32, #tpu.memory_space<vmem>> -> memref<112xf32, #tpu.memory_space<vmem>>
      %dma_wait3A_157 = tpu.memref_slice %arg18[%add3A_26] : memref<100096xf32, #tpu.memory_space<vmem_shared>> -> memref<112xf32, #tpu.memory_space<vmem_shared>>
      %dma_wait3A_158 = tpu.memref_slice %arg18[%add3A_26] : memref<100096xf32, #tpu.memory_space<vmem_shared>> -> memref<112xf32, #tpu.memory_space<vmem_shared>>
      %dma_wait3A_159 = arith.constant 0 : i32
      %dma_wait3A_160 = tpu.memref_slice %arg35[%dma_wait3A_159] : memref<2048xf32, #tpu.memory_space<vmem>> -> memref<112xf32, #tpu.memory_space<vmem>>
      tpu.wait_dma2 semaphore(%run_scoped3A : memref<!tpu.dma_semaphore, #tpu.memory_space<semaphore_mem>>) src(%dma_wait3A_160 : memref<112xf32, #tpu.memory_space<vmem>>) dst(%dma_wait3A_158 : memref<112xf32, #tpu.memory_space<vmem_shared>>)
      tpu.yield
    }) : () -> ()
    %add3A_27 = arith.constant 0 : i32
    %add3A_28 = arith.addi %mul3A_2, %add3A_27 : i32
    "tpu.region"() ({
      %run_scoped3A = tpu.sem_alloc : memref<!tpu.dma_semaphore, #tpu.memory_space<semaphore_mem>>
      %dma_start3A = tpu.memref_slice %arg19[%add3A_28] : memref<100096xf32, #tpu.memory_space<vmem_shared>> -> memref<2048xf32, #tpu.memory_space<vmem_shared>>
      %dma_start3A_151 = tpu.memref_slice %arg19[%add3A_28] : memref<100096xf32, #tpu.memory_space<vmem_shared>> -> memref<2048xf32, #tpu.memory_space<vmem_shared>>
      tpu.enqueue_dma source(%arg35 : memref<2048xf32, #tpu.memory_space<vmem>>) target(%dma_start3A_151 : memref<2048xf32, #tpu.memory_space<vmem_shared>>) target_semaphore(%run_scoped3A : memref<!tpu.dma_semaphore, #tpu.memory_space<semaphore_mem>>)
      %dma_wait3A = tpu.memref_slice %arg19[%add3A_28] : memref<100096xf32, #tpu.memory_space<vmem_shared>> -> memref<2048xf32, #tpu.memory_space<vmem_shared>>
      %dma_wait3A_152 = tpu.memref_slice %arg19[%add3A_28] : memref<100096xf32, #tpu.memory_space<vmem_shared>> -> memref<2048xf32, #tpu.memory_space<vmem_shared>>
      tpu.wait_dma2 semaphore(%run_scoped3A : memref<!tpu.dma_semaphore, #tpu.memory_space<semaphore_mem>>) src(%arg35 : memref<2048xf32, #tpu.memory_space<vmem>>) dst(%dma_wait3A_152 : memref<2048xf32, #tpu.memory_space<vmem_shared>>)
      tpu.yield
    }) : () -> ()
    %add3A_29 = arith.constant 2048 : i32
    %add3A_30 = arith.addi %mul3A_2, %add3A_29 : i32
    "tpu.region"() ({
      %run_scoped3A = tpu.sem_alloc : memref<!tpu.dma_semaphore, #tpu.memory_space<semaphore_mem>>
      %dma_start3A = tpu.memref_slice %arg19[%add3A_30] : memref<100096xf32, #tpu.memory_space<vmem_shared>> -> memref<2048xf32, #tpu.memory_space<vmem_shared>>
      %dma_start3A_151 = tpu.memref_slice %arg19[%add3A_30] : memref<100096xf32, #tpu.memory_space<vmem_shared>> -> memref<2048xf32, #tpu.memory_space<vmem_shared>>
      tpu.enqueue_dma source(%arg35 : memref<2048xf32, #tpu.memory_space<vmem>>) target(%dma_start3A_151 : memref<2048xf32, #tpu.memory_space<vmem_shared>>) target_semaphore(%run_scoped3A : memref<!tpu.dma_semaphore, #tpu.memory_space<semaphore_mem>>)
      %dma_wait3A = tpu.memref_slice %arg19[%add3A_30] : memref<100096xf32, #tpu.memory_space<vmem_shared>> -> memref<2048xf32, #tpu.memory_space<vmem_shared>>
      %dma_wait3A_152 = tpu.memref_slice %arg19[%add3A_30] : memref<100096xf32, #tpu.memory_space<vmem_shared>> -> memref<2048xf32, #tpu.memory_space<vmem_shared>>
      tpu.wait_dma2 semaphore(%run_scoped3A : memref<!tpu.dma_semaphore, #tpu.memory_space<semaphore_mem>>) src(%arg35 : memref<2048xf32, #tpu.memory_space<vmem>>) dst(%dma_wait3A_152 : memref<2048xf32, #tpu.memory_space<vmem_shared>>)
      tpu.yield
    }) : () -> ()
    %add3A_31 = arith.constant 4096 : i32
    %add3A_32 = arith.addi %mul3A_2, %add3A_31 : i32
    "tpu.region"() ({
      %run_scoped3A = tpu.sem_alloc : memref<!tpu.dma_semaphore, #tpu.memory_space<semaphore_mem>>
      %dma_start3A = tpu.memref_slice %arg19[%add3A_32] : memref<100096xf32, #tpu.memory_space<vmem_shared>> -> memref<2048xf32, #tpu.memory_space<vmem_shared>>
      %dma_start3A_151 = tpu.memref_slice %arg19[%add3A_32] : memref<100096xf32, #tpu.memory_space<vmem_shared>> -> memref<2048xf32, #tpu.memory_space<vmem_shared>>
      tpu.enqueue_dma source(%arg35 : memref<2048xf32, #tpu.memory_space<vmem>>) target(%dma_start3A_151 : memref<2048xf32, #tpu.memory_space<vmem_shared>>) target_semaphore(%run_scoped3A : memref<!tpu.dma_semaphore, #tpu.memory_space<semaphore_mem>>)
      %dma_wait3A = tpu.memref_slice %arg19[%add3A_32] : memref<100096xf32, #tpu.memory_space<vmem_shared>> -> memref<2048xf32, #tpu.memory_space<vmem_shared>>
      %dma_wait3A_152 = tpu.memref_slice %arg19[%add3A_32] : memref<100096xf32, #tpu.memory_space<vmem_shared>> -> memref<2048xf32, #tpu.memory_space<vmem_shared>>
      tpu.wait_dma2 semaphore(%run_scoped3A : memref<!tpu.dma_semaphore, #tpu.memory_space<semaphore_mem>>) src(%arg35 : memref<2048xf32, #tpu.memory_space<vmem>>) dst(%dma_wait3A_152 : memref<2048xf32, #tpu.memory_space<vmem_shared>>)
      tpu.yield
    }) : () -> ()
    %add3A_33 = arith.constant 6144 : i32
    %add3A_34 = arith.addi %mul3A_2, %add3A_33 : i32
    "tpu.region"() ({
      %run_scoped3A = tpu.sem_alloc : memref<!tpu.dma_semaphore, #tpu.memory_space<semaphore_mem>>
      %dma_start3A = arith.constant 0 : i32
      %dma_start3A_151 = tpu.memref_slice %arg35[%dma_start3A] : memref<2048xf32, #tpu.memory_space<vmem>> -> memref<112xf32, #tpu.memory_space<vmem>>
      %dma_start3A_152 = tpu.memref_slice %arg19[%add3A_34] : memref<100096xf32, #tpu.memory_space<vmem_shared>> -> memref<112xf32, #tpu.memory_space<vmem_shared>>
      %dma_start3A_153 = tpu.memref_slice %arg19[%add3A_34] : memref<100096xf32, #tpu.memory_space<vmem_shared>> -> memref<112xf32, #tpu.memory_space<vmem_shared>>
      %dma_start3A_154 = arith.constant 0 : i32
      %dma_start3A_155 = tpu.memref_slice %arg35[%dma_start3A_154] : memref<2048xf32, #tpu.memory_space<vmem>> -> memref<112xf32, #tpu.memory_space<vmem>>
      tpu.enqueue_dma source(%dma_start3A_155 : memref<112xf32, #tpu.memory_space<vmem>>) target(%dma_start3A_153 : memref<112xf32, #tpu.memory_space<vmem_shared>>) target_semaphore(%run_scoped3A : memref<!tpu.dma_semaphore, #tpu.memory_space<semaphore_mem>>)
      %dma_wait3A = arith.constant 0 : i32
      %dma_wait3A_156 = tpu.memref_slice %arg35[%dma_wait3A] : memref<2048xf32, #tpu.memory_space<vmem>> -> memref<112xf32, #tpu.memory_space<vmem>>
      %dma_wait3A_157 = tpu.memref_slice %arg19[%add3A_34] : memref<100096xf32, #tpu.memory_space<vmem_shared>> -> memref<112xf32, #tpu.memory_space<vmem_shared>>
      %dma_wait3A_158 = tpu.memref_slice %arg19[%add3A_34] : memref<100096xf32, #tpu.memory_space<vmem_shared>> -> memref<112xf32, #tpu.memory_space<vmem_shared>>
      %dma_wait3A_159 = arith.constant 0 : i32
      %dma_wait3A_160 = tpu.memref_slice %arg35[%dma_wait3A_159] : memref<2048xf32, #tpu.memory_space<vmem>> -> memref<112xf32, #tpu.memory_space<vmem>>
      tpu.wait_dma2 semaphore(%run_scoped3A : memref<!tpu.dma_semaphore, #tpu.memory_space<semaphore_mem>>) src(%dma_wait3A_160 : memref<112xf32, #tpu.memory_space<vmem>>) dst(%dma_wait3A_158 : memref<112xf32, #tpu.memory_space<vmem_shared>>)
      tpu.yield
    }) : () -> ()
    %add3A_35 = arith.constant 0 : i32
    %add3A_36 = arith.addi %mul3A_2, %add3A_35 : i32
    "tpu.region"() ({
      %run_scoped3A = tpu.sem_alloc : memref<!tpu.dma_semaphore, #tpu.memory_space<semaphore_mem>>
      %dma_start3A = arith.constant 0 : i32
      %dma_start3A_151 = tpu.memref_slice %arg35[%dma_start3A] : memref<2048xf32, #tpu.memory_space<vmem>> -> memref<2048xf32, #tpu.memory_space<vmem>>
      %dma_start3A_152 = tpu.memref_slice %arg2[%add3A_36] : memref<100096xf32, #tpu.memory_space<hbm>> -> memref<2048xf32, #tpu.memory_space<hbm>>
      %dma_start3A_153 = arith.constant 0 : i32
      %dma_start3A_154 = tpu.memref_slice %arg35[%dma_start3A_153] : memref<2048xf32, #tpu.memory_space<vmem>> -> memref<2048xf32, #tpu.memory_space<vmem>>
      %dma_start3A_155 = tpu.memref_slice %arg2[%add3A_36] : memref<100096xf32, #tpu.memory_space<hbm>> -> memref<2048xf32, #tpu.memory_space<hbm>>
      tpu.enqueue_dma source(%dma_start3A_155 : memref<2048xf32, #tpu.memory_space<hbm>>) target(%dma_start3A_154 : memref<2048xf32, #tpu.memory_space<vmem>>) target_semaphore(%run_scoped3A : memref<!tpu.dma_semaphore, #tpu.memory_space<semaphore_mem>>)
      %dma_wait3A = arith.constant 0 : i32
      %dma_wait3A_156 = tpu.memref_slice %arg35[%dma_wait3A] : memref<2048xf32, #tpu.memory_space<vmem>> -> memref<2048xf32, #tpu.memory_space<vmem>>
      %dma_wait3A_157 = tpu.memref_slice %arg2[%add3A_36] : memref<100096xf32, #tpu.memory_space<hbm>> -> memref<2048xf32, #tpu.memory_space<hbm>>
      %dma_wait3A_158 = arith.constant 0 : i32
      %dma_wait3A_159 = tpu.memref_slice %arg35[%dma_wait3A_158] : memref<2048xf32, #tpu.memory_space<vmem>> -> memref<2048xf32, #tpu.memory_space<vmem>>
      %dma_wait3A_160 = tpu.memref_slice %arg2[%add3A_36] : memref<100096xf32, #tpu.memory_space<hbm>> -> memref<2048xf32, #tpu.memory_space<hbm>>
      tpu.wait_dma2 semaphore(%run_scoped3A : memref<!tpu.dma_semaphore, #tpu.memory_space<semaphore_mem>>) src(%dma_wait3A_160 : memref<2048xf32, #tpu.memory_space<hbm>>) dst(%dma_wait3A_159 : memref<2048xf32, #tpu.memory_space<vmem>>)
      tpu.yield
    }) : () -> ()
    "tpu.region"() ({
      %run_scoped3A = tpu.sem_alloc : memref<!tpu.dma_semaphore, #tpu.memory_space<semaphore_mem>>
      %dma_start3A = arith.constant 0 : i32
      %dma_start3A_151 = tpu.memref_slice %arg35[%dma_start3A] : memref<2048xf32, #tpu.memory_space<vmem>> -> memref<2048xf32, #tpu.memory_space<vmem>>
      %dma_start3A_152 = tpu.memref_slice %arg13[%add3A_36] : memref<100096xf32, #tpu.memory_space<vmem_shared>> -> memref<2048xf32, #tpu.memory_space<vmem_shared>>
      %dma_start3A_153 = tpu.memref_slice %arg13[%add3A_36] : memref<100096xf32, #tpu.memory_space<vmem_shared>> -> memref<2048xf32, #tpu.memory_space<vmem_shared>>
      %dma_start3A_154 = arith.constant 0 : i32
      %dma_start3A_155 = tpu.memref_slice %arg35[%dma_start3A_154] : memref<2048xf32, #tpu.memory_space<vmem>> -> memref<2048xf32, #tpu.memory_space<vmem>>
      tpu.enqueue_dma source(%dma_start3A_155 : memref<2048xf32, #tpu.memory_space<vmem>>) target(%dma_start3A_153 : memref<2048xf32, #tpu.memory_space<vmem_shared>>) target_semaphore(%run_scoped3A : memref<!tpu.dma_semaphore, #tpu.memory_space<semaphore_mem>>)
      %dma_wait3A = arith.constant 0 : i32
      %dma_wait3A_156 = tpu.memref_slice %arg35[%dma_wait3A] : memref<2048xf32, #tpu.memory_space<vmem>> -> memref<2048xf32, #tpu.memory_space<vmem>>
      %dma_wait3A_157 = tpu.memref_slice %arg13[%add3A_36] : memref<100096xf32, #tpu.memory_space<vmem_shared>> -> memref<2048xf32, #tpu.memory_space<vmem_shared>>
      %dma_wait3A_158 = tpu.memref_slice %arg13[%add3A_36] : memref<100096xf32, #tpu.memory_space<vmem_shared>> -> memref<2048xf32, #tpu.memory_space<vmem_shared>>
      %dma_wait3A_159 = arith.constant 0 : i32
      %dma_wait3A_160 = tpu.memref_slice %arg35[%dma_wait3A_159] : memref<2048xf32, #tpu.memory_space<vmem>> -> memref<2048xf32, #tpu.memory_space<vmem>>
      tpu.wait_dma2 semaphore(%run_scoped3A : memref<!tpu.dma_semaphore, #tpu.memory_space<semaphore_mem>>) src(%dma_wait3A_160 : memref<2048xf32, #tpu.memory_space<vmem>>) dst(%dma_wait3A_158 : memref<2048xf32, #tpu.memory_space<vmem_shared>>)
      tpu.yield
    }) : () -> ()
    %add3A_37 = arith.constant 2048 : i32
    %add3A_38 = arith.addi %mul3A_2, %add3A_37 : i32
    "tpu.region"() ({
      %run_scoped3A = tpu.sem_alloc : memref<!tpu.dma_semaphore, #tpu.memory_space<semaphore_mem>>
      %dma_start3A = arith.constant 0 : i32
      %dma_start3A_151 = tpu.memref_slice %arg35[%dma_start3A] : memref<2048xf32, #tpu.memory_space<vmem>> -> memref<2048xf32, #tpu.memory_space<vmem>>
      %dma_start3A_152 = tpu.memref_slice %arg2[%add3A_38] : memref<100096xf32, #tpu.memory_space<hbm>> -> memref<2048xf32, #tpu.memory_space<hbm>>
      %dma_start3A_153 = arith.constant 0 : i32
      %dma_start3A_154 = tpu.memref_slice %arg35[%dma_start3A_153] : memref<2048xf32, #tpu.memory_space<vmem>> -> memref<2048xf32, #tpu.memory_space<vmem>>
      %dma_start3A_155 = tpu.memref_slice %arg2[%add3A_38] : memref<100096xf32, #tpu.memory_space<hbm>> -> memref<2048xf32, #tpu.memory_space<hbm>>
      tpu.enqueue_dma source(%dma_start3A_155 : memref<2048xf32, #tpu.memory_space<hbm>>) target(%dma_start3A_154 : memref<2048xf32, #tpu.memory_space<vmem>>) target_semaphore(%run_scoped3A : memref<!tpu.dma_semaphore, #tpu.memory_space<semaphore_mem>>)
      %dma_wait3A = arith.constant 0 : i32
      %dma_wait3A_156 = tpu.memref_slice %arg35[%dma_wait3A] : memref<2048xf32, #tpu.memory_space<vmem>> -> memref<2048xf32, #tpu.memory_space<vmem>>
      %dma_wait3A_157 = tpu.memref_slice %arg2[%add3A_38] : memref<100096xf32, #tpu.memory_space<hbm>> -> memref<2048xf32, #tpu.memory_space<hbm>>
      %dma_wait3A_158 = arith.constant 0 : i32
      %dma_wait3A_159 = tpu.memref_slice %arg35[%dma_wait3A_158] : memref<2048xf32, #tpu.memory_space<vmem>> -> memref<2048xf32, #tpu.memory_space<vmem>>
      %dma_wait3A_160 = tpu.memref_slice %arg2[%add3A_38] : memref<100096xf32, #tpu.memory_space<hbm>> -> memref<2048xf32, #tpu.memory_space<hbm>>
      tpu.wait_dma2 semaphore(%run_scoped3A : memref<!tpu.dma_semaphore, #tpu.memory_space<semaphore_mem>>) src(%dma_wait3A_160 : memref<2048xf32, #tpu.memory_space<hbm>>) dst(%dma_wait3A_159 : memref<2048xf32, #tpu.memory_space<vmem>>)
      tpu.yield
    }) : () -> ()
    "tpu.region"() ({
      %run_scoped3A = tpu.sem_alloc : memref<!tpu.dma_semaphore, #tpu.memory_space<semaphore_mem>>
      %dma_start3A = arith.constant 0 : i32
      %dma_start3A_151 = tpu.memref_slice %arg35[%dma_start3A] : memref<2048xf32, #tpu.memory_space<vmem>> -> memref<2048xf32, #tpu.memory_space<vmem>>
      %dma_start3A_152 = tpu.memref_slice %arg13[%add3A_38] : memref<100096xf32, #tpu.memory_space<vmem_shared>> -> memref<2048xf32, #tpu.memory_space<vmem_shared>>
      %dma_start3A_153 = tpu.memref_slice %arg13[%add3A_38] : memref<100096xf32, #tpu.memory_space<vmem_shared>> -> memref<2048xf32, #tpu.memory_space<vmem_shared>>
      %dma_start3A_154 = arith.constant 0 : i32
      %dma_start3A_155 = tpu.memref_slice %arg35[%dma_start3A_154] : memref<2048xf32, #tpu.memory_space<vmem>> -> memref<2048xf32, #tpu.memory_space<vmem>>
      tpu.enqueue_dma source(%dma_start3A_155 : memref<2048xf32, #tpu.memory_space<vmem>>) target(%dma_start3A_153 : memref<2048xf32, #tpu.memory_space<vmem_shared>>) target_semaphore(%run_scoped3A : memref<!tpu.dma_semaphore, #tpu.memory_space<semaphore_mem>>)
      %dma_wait3A = arith.constant 0 : i32
      %dma_wait3A_156 = tpu.memref_slice %arg35[%dma_wait3A] : memref<2048xf32, #tpu.memory_space<vmem>> -> memref<2048xf32, #tpu.memory_space<vmem>>
      %dma_wait3A_157 = tpu.memref_slice %arg13[%add3A_38] : memref<100096xf32, #tpu.memory_space<vmem_shared>> -> memref<2048xf32, #tpu.memory_space<vmem_shared>>
      %dma_wait3A_158 = tpu.memref_slice %arg13[%add3A_38] : memref<100096xf32, #tpu.memory_space<vmem_shared>> -> memref<2048xf32, #tpu.memory_space<vmem_shared>>
      %dma_wait3A_159 = arith.constant 0 : i32
      %dma_wait3A_160 = tpu.memref_slice %arg35[%dma_wait3A_159] : memref<2048xf32, #tpu.memory_space<vmem>> -> memref<2048xf32, #tpu.memory_space<vmem>>
      tpu.wait_dma2 semaphore(%run_scoped3A : memref<!tpu.dma_semaphore, #tpu.memory_space<semaphore_mem>>) src(%dma_wait3A_160 : memref<2048xf32, #tpu.memory_space<vmem>>) dst(%dma_wait3A_158 : memref<2048xf32, #tpu.memory_space<vmem_shared>>)
      tpu.yield
    }) : () -> ()
    %add3A_39 = arith.constant 4096 : i32
    %add3A_40 = arith.addi %mul3A_2, %add3A_39 : i32
    "tpu.region"() ({
      %run_scoped3A = tpu.sem_alloc : memref<!tpu.dma_semaphore, #tpu.memory_space<semaphore_mem>>
      %dma_start3A = arith.constant 0 : i32
      %dma_start3A_151 = tpu.memref_slice %arg35[%dma_start3A] : memref<2048xf32, #tpu.memory_space<vmem>> -> memref<2048xf32, #tpu.memory_space<vmem>>
      %dma_start3A_152 = tpu.memref_slice %arg2[%add3A_40] : memref<100096xf32, #tpu.memory_space<hbm>> -> memref<2048xf32, #tpu.memory_space<hbm>>
      %dma_start3A_153 = arith.constant 0 : i32
      %dma_start3A_154 = tpu.memref_slice %arg35[%dma_start3A_153] : memref<2048xf32, #tpu.memory_space<vmem>> -> memref<2048xf32, #tpu.memory_space<vmem>>
      %dma_start3A_155 = tpu.memref_slice %arg2[%add3A_40] : memref<100096xf32, #tpu.memory_space<hbm>> -> memref<2048xf32, #tpu.memory_space<hbm>>
      tpu.enqueue_dma source(%dma_start3A_155 : memref<2048xf32, #tpu.memory_space<hbm>>) target(%dma_start3A_154 : memref<2048xf32, #tpu.memory_space<vmem>>) target_semaphore(%run_scoped3A : memref<!tpu.dma_semaphore, #tpu.memory_space<semaphore_mem>>)
      %dma_wait3A = arith.constant 0 : i32
      %dma_wait3A_156 = tpu.memref_slice %arg35[%dma_wait3A] : memref<2048xf32, #tpu.memory_space<vmem>> -> memref<2048xf32, #tpu.memory_space<vmem>>
      %dma_wait3A_157 = tpu.memref_slice %arg2[%add3A_40] : memref<100096xf32, #tpu.memory_space<hbm>> -> memref<2048xf32, #tpu.memory_space<hbm>>
      %dma_wait3A_158 = arith.constant 0 : i32
      %dma_wait3A_159 = tpu.memref_slice %arg35[%dma_wait3A_158] : memref<2048xf32, #tpu.memory_space<vmem>> -> memref<2048xf32, #tpu.memory_space<vmem>>
      %dma_wait3A_160 = tpu.memref_slice %arg2[%add3A_40] : memref<100096xf32, #tpu.memory_space<hbm>> -> memref<2048xf32, #tpu.memory_space<hbm>>
      tpu.wait_dma2 semaphore(%run_scoped3A : memref<!tpu.dma_semaphore, #tpu.memory_space<semaphore_mem>>) src(%dma_wait3A_160 : memref<2048xf32, #tpu.memory_space<hbm>>) dst(%dma_wait3A_159 : memref<2048xf32, #tpu.memory_space<vmem>>)
      tpu.yield
    }) : () -> ()
    "tpu.region"() ({
      %run_scoped3A = tpu.sem_alloc : memref<!tpu.dma_semaphore, #tpu.memory_space<semaphore_mem>>
      %dma_start3A = arith.constant 0 : i32
      %dma_start3A_151 = tpu.memref_slice %arg35[%dma_start3A] : memref<2048xf32, #tpu.memory_space<vmem>> -> memref<2048xf32, #tpu.memory_space<vmem>>
      %dma_start3A_152 = tpu.memref_slice %arg13[%add3A_40] : memref<100096xf32, #tpu.memory_space<vmem_shared>> -> memref<2048xf32, #tpu.memory_space<vmem_shared>>
      %dma_start3A_153 = tpu.memref_slice %arg13[%add3A_40] : memref<100096xf32, #tpu.memory_space<vmem_shared>> -> memref<2048xf32, #tpu.memory_space<vmem_shared>>
      %dma_start3A_154 = arith.constant 0 : i32
      %dma_start3A_155 = tpu.memref_slice %arg35[%dma_start3A_154] : memref<2048xf32, #tpu.memory_space<vmem>> -> memref<2048xf32, #tpu.memory_space<vmem>>
      tpu.enqueue_dma source(%dma_start3A_155 : memref<2048xf32, #tpu.memory_space<vmem>>) target(%dma_start3A_153 : memref<2048xf32, #tpu.memory_space<vmem_shared>>) target_semaphore(%run_scoped3A : memref<!tpu.dma_semaphore, #tpu.memory_space<semaphore_mem>>)
      %dma_wait3A = arith.constant 0 : i32
      %dma_wait3A_156 = tpu.memref_slice %arg35[%dma_wait3A] : memref<2048xf32, #tpu.memory_space<vmem>> -> memref<2048xf32, #tpu.memory_space<vmem>>
      %dma_wait3A_157 = tpu.memref_slice %arg13[%add3A_40] : memref<100096xf32, #tpu.memory_space<vmem_shared>> -> memref<2048xf32, #tpu.memory_space<vmem_shared>>
      %dma_wait3A_158 = tpu.memref_slice %arg13[%add3A_40] : memref<100096xf32, #tpu.memory_space<vmem_shared>> -> memref<2048xf32, #tpu.memory_space<vmem_shared>>
      %dma_wait3A_159 = arith.constant 0 : i32
      %dma_wait3A_160 = tpu.memref_slice %arg35[%dma_wait3A_159] : memref<2048xf32, #tpu.memory_space<vmem>> -> memref<2048xf32, #tpu.memory_space<vmem>>
      tpu.wait_dma2 semaphore(%run_scoped3A : memref<!tpu.dma_semaphore, #tpu.memory_space<semaphore_mem>>) src(%dma_wait3A_160 : memref<2048xf32, #tpu.memory_space<vmem>>) dst(%dma_wait3A_158 : memref<2048xf32, #tpu.memory_space<vmem_shared>>)
      tpu.yield
    }) : () -> ()
    %add3A_41 = arith.constant 6144 : i32
    %add3A_42 = arith.addi %mul3A_2, %add3A_41 : i32
    "tpu.region"() ({
      %run_scoped3A = tpu.sem_alloc : memref<!tpu.dma_semaphore, #tpu.memory_space<semaphore_mem>>
      %dma_start3A = arith.constant 0 : i32
      %dma_start3A_151 = tpu.memref_slice %arg35[%dma_start3A] : memref<2048xf32, #tpu.memory_space<vmem>> -> memref<112xf32, #tpu.memory_space<vmem>>
      %dma_start3A_152 = tpu.memref_slice %arg2[%add3A_42] : memref<100096xf32, #tpu.memory_space<hbm>> -> memref<112xf32, #tpu.memory_space<hbm>>
      %dma_start3A_153 = arith.constant 0 : i32
      %dma_start3A_154 = tpu.memref_slice %arg35[%dma_start3A_153] : memref<2048xf32, #tpu.memory_space<vmem>> -> memref<112xf32, #tpu.memory_space<vmem>>
      %dma_start3A_155 = tpu.memref_slice %arg2[%add3A_42] : memref<100096xf32, #tpu.memory_space<hbm>> -> memref<112xf32, #tpu.memory_space<hbm>>
      tpu.enqueue_dma source(%dma_start3A_155 : memref<112xf32, #tpu.memory_space<hbm>>) target(%dma_start3A_154 : memref<112xf32, #tpu.memory_space<vmem>>) target_semaphore(%run_scoped3A : memref<!tpu.dma_semaphore, #tpu.memory_space<semaphore_mem>>)
      %dma_wait3A = arith.constant 0 : i32
      %dma_wait3A_156 = tpu.memref_slice %arg35[%dma_wait3A] : memref<2048xf32, #tpu.memory_space<vmem>> -> memref<112xf32, #tpu.memory_space<vmem>>
      %dma_wait3A_157 = tpu.memref_slice %arg2[%add3A_42] : memref<100096xf32, #tpu.memory_space<hbm>> -> memref<112xf32, #tpu.memory_space<hbm>>
      %dma_wait3A_158 = arith.constant 0 : i32
      %dma_wait3A_159 = tpu.memref_slice %arg35[%dma_wait3A_158] : memref<2048xf32, #tpu.memory_space<vmem>> -> memref<112xf32, #tpu.memory_space<vmem>>
      %dma_wait3A_160 = tpu.memref_slice %arg2[%add3A_42] : memref<100096xf32, #tpu.memory_space<hbm>> -> memref<112xf32, #tpu.memory_space<hbm>>
      tpu.wait_dma2 semaphore(%run_scoped3A : memref<!tpu.dma_semaphore, #tpu.memory_space<semaphore_mem>>) src(%dma_wait3A_160 : memref<112xf32, #tpu.memory_space<hbm>>) dst(%dma_wait3A_159 : memref<112xf32, #tpu.memory_space<vmem>>)
      tpu.yield
    }) : () -> ()
    "tpu.region"() ({
      %run_scoped3A = tpu.sem_alloc : memref<!tpu.dma_semaphore, #tpu.memory_space<semaphore_mem>>
      %dma_start3A = arith.constant 0 : i32
      %dma_start3A_151 = tpu.memref_slice %arg35[%dma_start3A] : memref<2048xf32, #tpu.memory_space<vmem>> -> memref<112xf32, #tpu.memory_space<vmem>>
      %dma_start3A_152 = tpu.memref_slice %arg13[%add3A_42] : memref<100096xf32, #tpu.memory_space<vmem_shared>> -> memref<112xf32, #tpu.memory_space<vmem_shared>>
      %dma_start3A_153 = tpu.memref_slice %arg13[%add3A_42] : memref<100096xf32, #tpu.memory_space<vmem_shared>> -> memref<112xf32, #tpu.memory_space<vmem_shared>>
      %dma_start3A_154 = arith.constant 0 : i32
      %dma_start3A_155 = tpu.memref_slice %arg35[%dma_start3A_154] : memref<2048xf32, #tpu.memory_space<vmem>> -> memref<112xf32, #tpu.memory_space<vmem>>
      tpu.enqueue_dma source(%dma_start3A_155 : memref<112xf32, #tpu.memory_space<vmem>>) target(%dma_start3A_153 : memref<112xf32, #tpu.memory_space<vmem_shared>>) target_semaphore(%run_scoped3A : memref<!tpu.dma_semaphore, #tpu.memory_space<semaphore_mem>>)
      %dma_wait3A = arith.constant 0 : i32
      %dma_wait3A_156 = tpu.memref_slice %arg35[%dma_wait3A] : memref<2048xf32, #tpu.memory_space<vmem>> -> memref<112xf32, #tpu.memory_space<vmem>>
      %dma_wait3A_157 = tpu.memref_slice %arg13[%add3A_42] : memref<100096xf32, #tpu.memory_space<vmem_shared>> -> memref<112xf32, #tpu.memory_space<vmem_shared>>
      %dma_wait3A_158 = tpu.memref_slice %arg13[%add3A_42] : memref<100096xf32, #tpu.memory_space<vmem_shared>> -> memref<112xf32, #tpu.memory_space<vmem_shared>>
      %dma_wait3A_159 = arith.constant 0 : i32
      %dma_wait3A_160 = tpu.memref_slice %arg35[%dma_wait3A_159] : memref<2048xf32, #tpu.memory_space<vmem>> -> memref<112xf32, #tpu.memory_space<vmem>>
      tpu.wait_dma2 semaphore(%run_scoped3A : memref<!tpu.dma_semaphore, #tpu.memory_space<semaphore_mem>>) src(%dma_wait3A_160 : memref<112xf32, #tpu.memory_space<vmem>>) dst(%dma_wait3A_158 : memref<112xf32, #tpu.memory_space<vmem_shared>>)
      tpu.yield
    }) : () -> ()
    %add3A_43 = arith.constant 0 : i32
    %add3A_44 = arith.addi %mul3A_2, %add3A_43 : i32
    "tpu.region"() ({
      %run_scoped3A = tpu.sem_alloc : memref<!tpu.dma_semaphore, #tpu.memory_space<semaphore_mem>>
      %dma_start3A = arith.constant 0 : i32
      %dma_start3A_151 = tpu.memref_slice %arg35[%dma_start3A] : memref<2048xf32, #tpu.memory_space<vmem>> -> memref<2048xf32, #tpu.memory_space<vmem>>
      %dma_start3A_152 = tpu.memref_slice %arg3[%add3A_44] : memref<100096xf32, #tpu.memory_space<hbm>> -> memref<2048xf32, #tpu.memory_space<hbm>>
      %dma_start3A_153 = arith.constant 0 : i32
      %dma_start3A_154 = tpu.memref_slice %arg35[%dma_start3A_153] : memref<2048xf32, #tpu.memory_space<vmem>> -> memref<2048xf32, #tpu.memory_space<vmem>>
      %dma_start3A_155 = tpu.memref_slice %arg3[%add3A_44] : memref<100096xf32, #tpu.memory_space<hbm>> -> memref<2048xf32, #tpu.memory_space<hbm>>
      tpu.enqueue_dma source(%dma_start3A_155 : memref<2048xf32, #tpu.memory_space<hbm>>) target(%dma_start3A_154 : memref<2048xf32, #tpu.memory_space<vmem>>) target_semaphore(%run_scoped3A : memref<!tpu.dma_semaphore, #tpu.memory_space<semaphore_mem>>)
      %dma_wait3A = arith.constant 0 : i32
      %dma_wait3A_156 = tpu.memref_slice %arg35[%dma_wait3A] : memref<2048xf32, #tpu.memory_space<vmem>> -> memref<2048xf32, #tpu.memory_space<vmem>>
      %dma_wait3A_157 = tpu.memref_slice %arg3[%add3A_44] : memref<100096xf32, #tpu.memory_space<hbm>> -> memref<2048xf32, #tpu.memory_space<hbm>>
      %dma_wait3A_158 = arith.constant 0 : i32
      %dma_wait3A_159 = tpu.memref_slice %arg35[%dma_wait3A_158] : memref<2048xf32, #tpu.memory_space<vmem>> -> memref<2048xf32, #tpu.memory_space<vmem>>
      %dma_wait3A_160 = tpu.memref_slice %arg3[%add3A_44] : memref<100096xf32, #tpu.memory_space<hbm>> -> memref<2048xf32, #tpu.memory_space<hbm>>
      tpu.wait_dma2 semaphore(%run_scoped3A : memref<!tpu.dma_semaphore, #tpu.memory_space<semaphore_mem>>) src(%dma_wait3A_160 : memref<2048xf32, #tpu.memory_space<hbm>>) dst(%dma_wait3A_159 : memref<2048xf32, #tpu.memory_space<vmem>>)
      tpu.yield
    }) : () -> ()
    "tpu.region"() ({
      %run_scoped3A = tpu.sem_alloc : memref<!tpu.dma_semaphore, #tpu.memory_space<semaphore_mem>>
      %dma_start3A = arith.constant 0 : i32
      %dma_start3A_151 = tpu.memref_slice %arg35[%dma_start3A] : memref<2048xf32, #tpu.memory_space<vmem>> -> memref<2048xf32, #tpu.memory_space<vmem>>
      %dma_start3A_152 = tpu.memref_slice %arg14[%add3A_44] : memref<100096xf32, #tpu.memory_space<vmem_shared>> -> memref<2048xf32, #tpu.memory_space<vmem_shared>>
      %dma_start3A_153 = tpu.memref_slice %arg14[%add3A_44] : memref<100096xf32, #tpu.memory_space<vmem_shared>> -> memref<2048xf32, #tpu.memory_space<vmem_shared>>
      %dma_start3A_154 = arith.constant 0 : i32
      %dma_start3A_155 = tpu.memref_slice %arg35[%dma_start3A_154] : memref<2048xf32, #tpu.memory_space<vmem>> -> memref<2048xf32, #tpu.memory_space<vmem>>
      tpu.enqueue_dma source(%dma_start3A_155 : memref<2048xf32, #tpu.memory_space<vmem>>) target(%dma_start3A_153 : memref<2048xf32, #tpu.memory_space<vmem_shared>>) target_semaphore(%run_scoped3A : memref<!tpu.dma_semaphore, #tpu.memory_space<semaphore_mem>>)
      %dma_wait3A = arith.constant 0 : i32
      %dma_wait3A_156 = tpu.memref_slice %arg35[%dma_wait3A] : memref<2048xf32, #tpu.memory_space<vmem>> -> memref<2048xf32, #tpu.memory_space<vmem>>
      %dma_wait3A_157 = tpu.memref_slice %arg14[%add3A_44] : memref<100096xf32, #tpu.memory_space<vmem_shared>> -> memref<2048xf32, #tpu.memory_space<vmem_shared>>
      %dma_wait3A_158 = tpu.memref_slice %arg14[%add3A_44] : memref<100096xf32, #tpu.memory_space<vmem_shared>> -> memref<2048xf32, #tpu.memory_space<vmem_shared>>
      %dma_wait3A_159 = arith.constant 0 : i32
      %dma_wait3A_160 = tpu.memref_slice %arg35[%dma_wait3A_159] : memref<2048xf32, #tpu.memory_space<vmem>> -> memref<2048xf32, #tpu.memory_space<vmem>>
      tpu.wait_dma2 semaphore(%run_scoped3A : memref<!tpu.dma_semaphore, #tpu.memory_space<semaphore_mem>>) src(%dma_wait3A_160 : memref<2048xf32, #tpu.memory_space<vmem>>) dst(%dma_wait3A_158 : memref<2048xf32, #tpu.memory_space<vmem_shared>>)
      tpu.yield
    }) : () -> ()
    %add3A_45 = arith.constant 2048 : i32
    %add3A_46 = arith.addi %mul3A_2, %add3A_45 : i32
    "tpu.region"() ({
      %run_scoped3A = tpu.sem_alloc : memref<!tpu.dma_semaphore, #tpu.memory_space<semaphore_mem>>
      %dma_start3A = arith.constant 0 : i32
      %dma_start3A_151 = tpu.memref_slice %arg35[%dma_start3A] : memref<2048xf32, #tpu.memory_space<vmem>> -> memref<2048xf32, #tpu.memory_space<vmem>>
      %dma_start3A_152 = tpu.memref_slice %arg3[%add3A_46] : memref<100096xf32, #tpu.memory_space<hbm>> -> memref<2048xf32, #tpu.memory_space<hbm>>
      %dma_start3A_153 = arith.constant 0 : i32
      %dma_start3A_154 = tpu.memref_slice %arg35[%dma_start3A_153] : memref<2048xf32, #tpu.memory_space<vmem>> -> memref<2048xf32, #tpu.memory_space<vmem>>
      %dma_start3A_155 = tpu.memref_slice %arg3[%add3A_46] : memref<100096xf32, #tpu.memory_space<hbm>> -> memref<2048xf32, #tpu.memory_space<hbm>>
      tpu.enqueue_dma source(%dma_start3A_155 : memref<2048xf32, #tpu.memory_space<hbm>>) target(%dma_start3A_154 : memref<2048xf32, #tpu.memory_space<vmem>>) target_semaphore(%run_scoped3A : memref<!tpu.dma_semaphore, #tpu.memory_space<semaphore_mem>>)
      %dma_wait3A = arith.constant 0 : i32
      %dma_wait3A_156 = tpu.memref_slice %arg35[%dma_wait3A] : memref<2048xf32, #tpu.memory_space<vmem>> -> memref<2048xf32, #tpu.memory_space<vmem>>
      %dma_wait3A_157 = tpu.memref_slice %arg3[%add3A_46] : memref<100096xf32, #tpu.memory_space<hbm>> -> memref<2048xf32, #tpu.memory_space<hbm>>
      %dma_wait3A_158 = arith.constant 0 : i32
      %dma_wait3A_159 = tpu.memref_slice %arg35[%dma_wait3A_158] : memref<2048xf32, #tpu.memory_space<vmem>> -> memref<2048xf32, #tpu.memory_space<vmem>>
      %dma_wait3A_160 = tpu.memref_slice %arg3[%add3A_46] : memref<100096xf32, #tpu.memory_space<hbm>> -> memref<2048xf32, #tpu.memory_space<hbm>>
      tpu.wait_dma2 semaphore(%run_scoped3A : memref<!tpu.dma_semaphore, #tpu.memory_space<semaphore_mem>>) src(%dma_wait3A_160 : memref<2048xf32, #tpu.memory_space<hbm>>) dst(%dma_wait3A_159 : memref<2048xf32, #tpu.memory_space<vmem>>)
      tpu.yield
    }) : () -> ()
    "tpu.region"() ({
      %run_scoped3A = tpu.sem_alloc : memref<!tpu.dma_semaphore, #tpu.memory_space<semaphore_mem>>
      %dma_start3A = arith.constant 0 : i32
      %dma_start3A_151 = tpu.memref_slice %arg35[%dma_start3A] : memref<2048xf32, #tpu.memory_space<vmem>> -> memref<2048xf32, #tpu.memory_space<vmem>>
      %dma_start3A_152 = tpu.memref_slice %arg14[%add3A_46] : memref<100096xf32, #tpu.memory_space<vmem_shared>> -> memref<2048xf32, #tpu.memory_space<vmem_shared>>
      %dma_start3A_153 = tpu.memref_slice %arg14[%add3A_46] : memref<100096xf32, #tpu.memory_space<vmem_shared>> -> memref<2048xf32, #tpu.memory_space<vmem_shared>>
      %dma_start3A_154 = arith.constant 0 : i32
      %dma_start3A_155 = tpu.memref_slice %arg35[%dma_start3A_154] : memref<2048xf32, #tpu.memory_space<vmem>> -> memref<2048xf32, #tpu.memory_space<vmem>>
      tpu.enqueue_dma source(%dma_start3A_155 : memref<2048xf32, #tpu.memory_space<vmem>>) target(%dma_start3A_153 : memref<2048xf32, #tpu.memory_space<vmem_shared>>) target_semaphore(%run_scoped3A : memref<!tpu.dma_semaphore, #tpu.memory_space<semaphore_mem>>)
      %dma_wait3A = arith.constant 0 : i32
      %dma_wait3A_156 = tpu.memref_slice %arg35[%dma_wait3A] : memref<2048xf32, #tpu.memory_space<vmem>> -> memref<2048xf32, #tpu.memory_space<vmem>>
      %dma_wait3A_157 = tpu.memref_slice %arg14[%add3A_46] : memref<100096xf32, #tpu.memory_space<vmem_shared>> -> memref<2048xf32, #tpu.memory_space<vmem_shared>>
      %dma_wait3A_158 = tpu.memref_slice %arg14[%add3A_46] : memref<100096xf32, #tpu.memory_space<vmem_shared>> -> memref<2048xf32, #tpu.memory_space<vmem_shared>>
      %dma_wait3A_159 = arith.constant 0 : i32
      %dma_wait3A_160 = tpu.memref_slice %arg35[%dma_wait3A_159] : memref<2048xf32, #tpu.memory_space<vmem>> -> memref<2048xf32, #tpu.memory_space<vmem>>
      tpu.wait_dma2 semaphore(%run_scoped3A : memref<!tpu.dma_semaphore, #tpu.memory_space<semaphore_mem>>) src(%dma_wait3A_160 : memref<2048xf32, #tpu.memory_space<vmem>>) dst(%dma_wait3A_158 : memref<2048xf32, #tpu.memory_space<vmem_shared>>)
      tpu.yield
    }) : () -> ()
    %add3A_47 = arith.constant 4096 : i32
    %add3A_48 = arith.addi %mul3A_2, %add3A_47 : i32
    "tpu.region"() ({
      %run_scoped3A = tpu.sem_alloc : memref<!tpu.dma_semaphore, #tpu.memory_space<semaphore_mem>>
      %dma_start3A = arith.constant 0 : i32
      %dma_start3A_151 = tpu.memref_slice %arg35[%dma_start3A] : memref<2048xf32, #tpu.memory_space<vmem>> -> memref<2048xf32, #tpu.memory_space<vmem>>
      %dma_start3A_152 = tpu.memref_slice %arg3[%add3A_48] : memref<100096xf32, #tpu.memory_space<hbm>> -> memref<2048xf32, #tpu.memory_space<hbm>>
      %dma_start3A_153 = arith.constant 0 : i32
      %dma_start3A_154 = tpu.memref_slice %arg35[%dma_start3A_153] : memref<2048xf32, #tpu.memory_space<vmem>> -> memref<2048xf32, #tpu.memory_space<vmem>>
      %dma_start3A_155 = tpu.memref_slice %arg3[%add3A_48] : memref<100096xf32, #tpu.memory_space<hbm>> -> memref<2048xf32, #tpu.memory_space<hbm>>
      tpu.enqueue_dma source(%dma_start3A_155 : memref<2048xf32, #tpu.memory_space<hbm>>) target(%dma_start3A_154 : memref<2048xf32, #tpu.memory_space<vmem>>) target_semaphore(%run_scoped3A : memref<!tpu.dma_semaphore, #tpu.memory_space<semaphore_mem>>)
      %dma_wait3A = arith.constant 0 : i32
      %dma_wait3A_156 = tpu.memref_slice %arg35[%dma_wait3A] : memref<2048xf32, #tpu.memory_space<vmem>> -> memref<2048xf32, #tpu.memory_space<vmem>>
      %dma_wait3A_157 = tpu.memref_slice %arg3[%add3A_48] : memref<100096xf32, #tpu.memory_space<hbm>> -> memref<2048xf32, #tpu.memory_space<hbm>>
      %dma_wait3A_158 = arith.constant 0 : i32
      %dma_wait3A_159 = tpu.memref_slice %arg35[%dma_wait3A_158] : memref<2048xf32, #tpu.memory_space<vmem>> -> memref<2048xf32, #tpu.memory_space<vmem>>
      %dma_wait3A_160 = tpu.memref_slice %arg3[%add3A_48] : memref<100096xf32, #tpu.memory_space<hbm>> -> memref<2048xf32, #tpu.memory_space<hbm>>
      tpu.wait_dma2 semaphore(%run_scoped3A : memref<!tpu.dma_semaphore, #tpu.memory_space<semaphore_mem>>) src(%dma_wait3A_160 : memref<2048xf32, #tpu.memory_space<hbm>>) dst(%dma_wait3A_159 : memref<2048xf32, #tpu.memory_space<vmem>>)
      tpu.yield
    }) : () -> ()
    "tpu.region"() ({
      %run_scoped3A = tpu.sem_alloc : memref<!tpu.dma_semaphore, #tpu.memory_space<semaphore_mem>>
      %dma_start3A = arith.constant 0 : i32
      %dma_start3A_151 = tpu.memref_slice %arg35[%dma_start3A] : memref<2048xf32, #tpu.memory_space<vmem>> -> memref<2048xf32, #tpu.memory_space<vmem>>
      %dma_start3A_152 = tpu.memref_slice %arg14[%add3A_48] : memref<100096xf32, #tpu.memory_space<vmem_shared>> -> memref<2048xf32, #tpu.memory_space<vmem_shared>>
      %dma_start3A_153 = tpu.memref_slice %arg14[%add3A_48] : memref<100096xf32, #tpu.memory_space<vmem_shared>> -> memref<2048xf32, #tpu.memory_space<vmem_shared>>
      %dma_start3A_154 = arith.constant 0 : i32
      %dma_start3A_155 = tpu.memref_slice %arg35[%dma_start3A_154] : memref<2048xf32, #tpu.memory_space<vmem>> -> memref<2048xf32, #tpu.memory_space<vmem>>
      tpu.enqueue_dma source(%dma_start3A_155 : memref<2048xf32, #tpu.memory_space<vmem>>) target(%dma_start3A_153 : memref<2048xf32, #tpu.memory_space<vmem_shared>>) target_semaphore(%run_scoped3A : memref<!tpu.dma_semaphore, #tpu.memory_space<semaphore_mem>>)
      %dma_wait3A = arith.constant 0 : i32
      %dma_wait3A_156 = tpu.memref_slice %arg35[%dma_wait3A] : memref<2048xf32, #tpu.memory_space<vmem>> -> memref<2048xf32, #tpu.memory_space<vmem>>
      %dma_wait3A_157 = tpu.memref_slice %arg14[%add3A_48] : memref<100096xf32, #tpu.memory_space<vmem_shared>> -> memref<2048xf32, #tpu.memory_space<vmem_shared>>
      %dma_wait3A_158 = tpu.memref_slice %arg14[%add3A_48] : memref<100096xf32, #tpu.memory_space<vmem_shared>> -> memref<2048xf32, #tpu.memory_space<vmem_shared>>
      %dma_wait3A_159 = arith.constant 0 : i32
      %dma_wait3A_160 = tpu.memref_slice %arg35[%dma_wait3A_159] : memref<2048xf32, #tpu.memory_space<vmem>> -> memref<2048xf32, #tpu.memory_space<vmem>>
      tpu.wait_dma2 semaphore(%run_scoped3A : memref<!tpu.dma_semaphore, #tpu.memory_space<semaphore_mem>>) src(%dma_wait3A_160 : memref<2048xf32, #tpu.memory_space<vmem>>) dst(%dma_wait3A_158 : memref<2048xf32, #tpu.memory_space<vmem_shared>>)
      tpu.yield
    }) : () -> ()
    %add3A_49 = arith.constant 6144 : i32
    %add3A_50 = arith.addi %mul3A_2, %add3A_49 : i32
    "tpu.region"() ({
      %run_scoped3A = tpu.sem_alloc : memref<!tpu.dma_semaphore, #tpu.memory_space<semaphore_mem>>
      %dma_start3A = arith.constant 0 : i32
      %dma_start3A_151 = tpu.memref_slice %arg35[%dma_start3A] : memref<2048xf32, #tpu.memory_space<vmem>> -> memref<112xf32, #tpu.memory_space<vmem>>
      %dma_start3A_152 = tpu.memref_slice %arg3[%add3A_50] : memref<100096xf32, #tpu.memory_space<hbm>> -> memref<112xf32, #tpu.memory_space<hbm>>
      %dma_start3A_153 = arith.constant 0 : i32
      %dma_start3A_154 = tpu.memref_slice %arg35[%dma_start3A_153] : memref<2048xf32, #tpu.memory_space<vmem>> -> memref<112xf32, #tpu.memory_space<vmem>>
      %dma_start3A_155 = tpu.memref_slice %arg3[%add3A_50] : memref<100096xf32, #tpu.memory_space<hbm>> -> memref<112xf32, #tpu.memory_space<hbm>>
      tpu.enqueue_dma source(%dma_start3A_155 : memref<112xf32, #tpu.memory_space<hbm>>) target(%dma_start3A_154 : memref<112xf32, #tpu.memory_space<vmem>>) target_semaphore(%run_scoped3A : memref<!tpu.dma_semaphore, #tpu.memory_space<semaphore_mem>>)
      %dma_wait3A = arith.constant 0 : i32
      %dma_wait3A_156 = tpu.memref_slice %arg35[%dma_wait3A] : memref<2048xf32, #tpu.memory_space<vmem>> -> memref<112xf32, #tpu.memory_space<vmem>>
      %dma_wait3A_157 = tpu.memref_slice %arg3[%add3A_50] : memref<100096xf32, #tpu.memory_space<hbm>> -> memref<112xf32, #tpu.memory_space<hbm>>
      %dma_wait3A_158 = arith.constant 0 : i32
      %dma_wait3A_159 = tpu.memref_slice %arg35[%dma_wait3A_158] : memref<2048xf32, #tpu.memory_space<vmem>> -> memref<112xf32, #tpu.memory_space<vmem>>
      %dma_wait3A_160 = tpu.memref_slice %arg3[%add3A_50] : memref<100096xf32, #tpu.memory_space<hbm>> -> memref<112xf32, #tpu.memory_space<hbm>>
      tpu.wait_dma2 semaphore(%run_scoped3A : memref<!tpu.dma_semaphore, #tpu.memory_space<semaphore_mem>>) src(%dma_wait3A_160 : memref<112xf32, #tpu.memory_space<hbm>>) dst(%dma_wait3A_159 : memref<112xf32, #tpu.memory_space<vmem>>)
      tpu.yield
    }) : () -> ()
    "tpu.region"() ({
      %run_scoped3A = tpu.sem_alloc : memref<!tpu.dma_semaphore, #tpu.memory_space<semaphore_mem>>
      %dma_start3A = arith.constant 0 : i32
      %dma_start3A_151 = tpu.memref_slice %arg35[%dma_start3A] : memref<2048xf32, #tpu.memory_space<vmem>> -> memref<112xf32, #tpu.memory_space<vmem>>
      %dma_start3A_152 = tpu.memref_slice %arg14[%add3A_50] : memref<100096xf32, #tpu.memory_space<vmem_shared>> -> memref<112xf32, #tpu.memory_space<vmem_shared>>
      %dma_start3A_153 = tpu.memref_slice %arg14[%add3A_50] : memref<100096xf32, #tpu.memory_space<vmem_shared>> -> memref<112xf32, #tpu.memory_space<vmem_shared>>
      %dma_start3A_154 = arith.constant 0 : i32
      %dma_start3A_155 = tpu.memref_slice %arg35[%dma_start3A_154] : memref<2048xf32, #tpu.memory_space<vmem>> -> memref<112xf32, #tpu.memory_space<vmem>>
      tpu.enqueue_dma source(%dma_start3A_155 : memref<112xf32, #tpu.memory_space<vmem>>) target(%dma_start3A_153 : memref<112xf32, #tpu.memory_space<vmem_shared>>) target_semaphore(%run_scoped3A : memref<!tpu.dma_semaphore, #tpu.memory_space<semaphore_mem>>)
      %dma_wait3A = arith.constant 0 : i32
      %dma_wait3A_156 = tpu.memref_slice %arg35[%dma_wait3A] : memref<2048xf32, #tpu.memory_space<vmem>> -> memref<112xf32, #tpu.memory_space<vmem>>
      %dma_wait3A_157 = tpu.memref_slice %arg14[%add3A_50] : memref<100096xf32, #tpu.memory_space<vmem_shared>> -> memref<112xf32, #tpu.memory_space<vmem_shared>>
      %dma_wait3A_158 = tpu.memref_slice %arg14[%add3A_50] : memref<100096xf32, #tpu.memory_space<vmem_shared>> -> memref<112xf32, #tpu.memory_space<vmem_shared>>
      %dma_wait3A_159 = arith.constant 0 : i32
      %dma_wait3A_160 = tpu.memref_slice %arg35[%dma_wait3A_159] : memref<2048xf32, #tpu.memory_space<vmem>> -> memref<112xf32, #tpu.memory_space<vmem>>
      tpu.wait_dma2 semaphore(%run_scoped3A : memref<!tpu.dma_semaphore, #tpu.memory_space<semaphore_mem>>) src(%dma_wait3A_160 : memref<112xf32, #tpu.memory_space<vmem>>) dst(%dma_wait3A_158 : memref<112xf32, #tpu.memory_space<vmem_shared>>)
      tpu.yield
    }) : () -> ()
    %add3A_51 = arith.constant 0 : i32
    %add3A_52 = arith.addi %mul3A_2, %add3A_51 : i32
    "tpu.region"() ({
      %run_scoped3A = tpu.sem_alloc : memref<!tpu.dma_semaphore, #tpu.memory_space<semaphore_mem>>
      %dma_start3A = arith.constant 0 : i32
      %dma_start3A_151 = tpu.memref_slice %arg35[%dma_start3A] : memref<2048xf32, #tpu.memory_space<vmem>> -> memref<2048xf32, #tpu.memory_space<vmem>>
      %dma_start3A_152 = tpu.memref_slice %arg4[%add3A_52] : memref<100096xf32, #tpu.memory_space<hbm>> -> memref<2048xf32, #tpu.memory_space<hbm>>
      %dma_start3A_153 = arith.constant 0 : i32
      %dma_start3A_154 = tpu.memref_slice %arg35[%dma_start3A_153] : memref<2048xf32, #tpu.memory_space<vmem>> -> memref<2048xf32, #tpu.memory_space<vmem>>
      %dma_start3A_155 = tpu.memref_slice %arg4[%add3A_52] : memref<100096xf32, #tpu.memory_space<hbm>> -> memref<2048xf32, #tpu.memory_space<hbm>>
      tpu.enqueue_dma source(%dma_start3A_155 : memref<2048xf32, #tpu.memory_space<hbm>>) target(%dma_start3A_154 : memref<2048xf32, #tpu.memory_space<vmem>>) target_semaphore(%run_scoped3A : memref<!tpu.dma_semaphore, #tpu.memory_space<semaphore_mem>>)
      %dma_wait3A = arith.constant 0 : i32
      %dma_wait3A_156 = tpu.memref_slice %arg35[%dma_wait3A] : memref<2048xf32, #tpu.memory_space<vmem>> -> memref<2048xf32, #tpu.memory_space<vmem>>
      %dma_wait3A_157 = tpu.memref_slice %arg4[%add3A_52] : memref<100096xf32, #tpu.memory_space<hbm>> -> memref<2048xf32, #tpu.memory_space<hbm>>
      %dma_wait3A_158 = arith.constant 0 : i32
      %dma_wait3A_159 = tpu.memref_slice %arg35[%dma_wait3A_158] : memref<2048xf32, #tpu.memory_space<vmem>> -> memref<2048xf32, #tpu.memory_space<vmem>>
      %dma_wait3A_160 = tpu.memref_slice %arg4[%add3A_52] : memref<100096xf32, #tpu.memory_space<hbm>> -> memref<2048xf32, #tpu.memory_space<hbm>>
      tpu.wait_dma2 semaphore(%run_scoped3A : memref<!tpu.dma_semaphore, #tpu.memory_space<semaphore_mem>>) src(%dma_wait3A_160 : memref<2048xf32, #tpu.memory_space<hbm>>) dst(%dma_wait3A_159 : memref<2048xf32, #tpu.memory_space<vmem>>)
      tpu.yield
    }) : () -> ()
    "tpu.region"() ({
      %run_scoped3A = tpu.sem_alloc : memref<!tpu.dma_semaphore, #tpu.memory_space<semaphore_mem>>
      %dma_start3A = arith.constant 0 : i32
      %dma_start3A_151 = tpu.memref_slice %arg35[%dma_start3A] : memref<2048xf32, #tpu.memory_space<vmem>> -> memref<2048xf32, #tpu.memory_space<vmem>>
      %dma_start3A_152 = tpu.memref_slice %arg15[%add3A_52] : memref<100096xf32, #tpu.memory_space<vmem_shared>> -> memref<2048xf32, #tpu.memory_space<vmem_shared>>
      %dma_start3A_153 = tpu.memref_slice %arg15[%add3A_52] : memref<100096xf32, #tpu.memory_space<vmem_shared>> -> memref<2048xf32, #tpu.memory_space<vmem_shared>>
      %dma_start3A_154 = arith.constant 0 : i32
      %dma_start3A_155 = tpu.memref_slice %arg35[%dma_start3A_154] : memref<2048xf32, #tpu.memory_space<vmem>> -> memref<2048xf32, #tpu.memory_space<vmem>>
      tpu.enqueue_dma source(%dma_start3A_155 : memref<2048xf32, #tpu.memory_space<vmem>>) target(%dma_start3A_153 : memref<2048xf32, #tpu.memory_space<vmem_shared>>) target_semaphore(%run_scoped3A : memref<!tpu.dma_semaphore, #tpu.memory_space<semaphore_mem>>)
      %dma_wait3A = arith.constant 0 : i32
      %dma_wait3A_156 = tpu.memref_slice %arg35[%dma_wait3A] : memref<2048xf32, #tpu.memory_space<vmem>> -> memref<2048xf32, #tpu.memory_space<vmem>>
      %dma_wait3A_157 = tpu.memref_slice %arg15[%add3A_52] : memref<100096xf32, #tpu.memory_space<vmem_shared>> -> memref<2048xf32, #tpu.memory_space<vmem_shared>>
      %dma_wait3A_158 = tpu.memref_slice %arg15[%add3A_52] : memref<100096xf32, #tpu.memory_space<vmem_shared>> -> memref<2048xf32, #tpu.memory_space<vmem_shared>>
      %dma_wait3A_159 = arith.constant 0 : i32
      %dma_wait3A_160 = tpu.memref_slice %arg35[%dma_wait3A_159] : memref<2048xf32, #tpu.memory_space<vmem>> -> memref<2048xf32, #tpu.memory_space<vmem>>
      tpu.wait_dma2 semaphore(%run_scoped3A : memref<!tpu.dma_semaphore, #tpu.memory_space<semaphore_mem>>) src(%dma_wait3A_160 : memref<2048xf32, #tpu.memory_space<vmem>>) dst(%dma_wait3A_158 : memref<2048xf32, #tpu.memory_space<vmem_shared>>)
      tpu.yield
    }) : () -> ()
    %add3A_53 = arith.constant 2048 : i32
    %add3A_54 = arith.addi %mul3A_2, %add3A_53 : i32
    "tpu.region"() ({
      %run_scoped3A = tpu.sem_alloc : memref<!tpu.dma_semaphore, #tpu.memory_space<semaphore_mem>>
      %dma_start3A = arith.constant 0 : i32
      %dma_start3A_151 = tpu.memref_slice %arg35[%dma_start3A] : memref<2048xf32, #tpu.memory_space<vmem>> -> memref<2048xf32, #tpu.memory_space<vmem>>
      %dma_start3A_152 = tpu.memref_slice %arg4[%add3A_54] : memref<100096xf32, #tpu.memory_space<hbm>> -> memref<2048xf32, #tpu.memory_space<hbm>>
      %dma_start3A_153 = arith.constant 0 : i32
      %dma_start3A_154 = tpu.memref_slice %arg35[%dma_start3A_153] : memref<2048xf32, #tpu.memory_space<vmem>> -> memref<2048xf32, #tpu.memory_space<vmem>>
      %dma_start3A_155 = tpu.memref_slice %arg4[%add3A_54] : memref<100096xf32, #tpu.memory_space<hbm>> -> memref<2048xf32, #tpu.memory_space<hbm>>
      tpu.enqueue_dma source(%dma_start3A_155 : memref<2048xf32, #tpu.memory_space<hbm>>) target(%dma_start3A_154 : memref<2048xf32, #tpu.memory_space<vmem>>) target_semaphore(%run_scoped3A : memref<!tpu.dma_semaphore, #tpu.memory_space<semaphore_mem>>)
      %dma_wait3A = arith.constant 0 : i32
      %dma_wait3A_156 = tpu.memref_slice %arg35[%dma_wait3A] : memref<2048xf32, #tpu.memory_space<vmem>> -> memref<2048xf32, #tpu.memory_space<vmem>>
      %dma_wait3A_157 = tpu.memref_slice %arg4[%add3A_54] : memref<100096xf32, #tpu.memory_space<hbm>> -> memref<2048xf32, #tpu.memory_space<hbm>>
      %dma_wait3A_158 = arith.constant 0 : i32
      %dma_wait3A_159 = tpu.memref_slice %arg35[%dma_wait3A_158] : memref<2048xf32, #tpu.memory_space<vmem>> -> memref<2048xf32, #tpu.memory_space<vmem>>
      %dma_wait3A_160 = tpu.memref_slice %arg4[%add3A_54] : memref<100096xf32, #tpu.memory_space<hbm>> -> memref<2048xf32, #tpu.memory_space<hbm>>
      tpu.wait_dma2 semaphore(%run_scoped3A : memref<!tpu.dma_semaphore, #tpu.memory_space<semaphore_mem>>) src(%dma_wait3A_160 : memref<2048xf32, #tpu.memory_space<hbm>>) dst(%dma_wait3A_159 : memref<2048xf32, #tpu.memory_space<vmem>>)
      tpu.yield
    }) : () -> ()
    "tpu.region"() ({
      %run_scoped3A = tpu.sem_alloc : memref<!tpu.dma_semaphore, #tpu.memory_space<semaphore_mem>>
      %dma_start3A = arith.constant 0 : i32
      %dma_start3A_151 = tpu.memref_slice %arg35[%dma_start3A] : memref<2048xf32, #tpu.memory_space<vmem>> -> memref<2048xf32, #tpu.memory_space<vmem>>
      %dma_start3A_152 = tpu.memref_slice %arg15[%add3A_54] : memref<100096xf32, #tpu.memory_space<vmem_shared>> -> memref<2048xf32, #tpu.memory_space<vmem_shared>>
      %dma_start3A_153 = tpu.memref_slice %arg15[%add3A_54] : memref<100096xf32, #tpu.memory_space<vmem_shared>> -> memref<2048xf32, #tpu.memory_space<vmem_shared>>
      %dma_start3A_154 = arith.constant 0 : i32
      %dma_start3A_155 = tpu.memref_slice %arg35[%dma_start3A_154] : memref<2048xf32, #tpu.memory_space<vmem>> -> memref<2048xf32, #tpu.memory_space<vmem>>
      tpu.enqueue_dma source(%dma_start3A_155 : memref<2048xf32, #tpu.memory_space<vmem>>) target(%dma_start3A_153 : memref<2048xf32, #tpu.memory_space<vmem_shared>>) target_semaphore(%run_scoped3A : memref<!tpu.dma_semaphore, #tpu.memory_space<semaphore_mem>>)
      %dma_wait3A = arith.constant 0 : i32
      %dma_wait3A_156 = tpu.memref_slice %arg35[%dma_wait3A] : memref<2048xf32, #tpu.memory_space<vmem>> -> memref<2048xf32, #tpu.memory_space<vmem>>
      %dma_wait3A_157 = tpu.memref_slice %arg15[%add3A_54] : memref<100096xf32, #tpu.memory_space<vmem_shared>> -> memref<2048xf32, #tpu.memory_space<vmem_shared>>
      %dma_wait3A_158 = tpu.memref_slice %arg15[%add3A_54] : memref<100096xf32, #tpu.memory_space<vmem_shared>> -> memref<2048xf32, #tpu.memory_space<vmem_shared>>
      %dma_wait3A_159 = arith.constant 0 : i32
      %dma_wait3A_160 = tpu.memref_slice %arg35[%dma_wait3A_159] : memref<2048xf32, #tpu.memory_space<vmem>> -> memref<2048xf32, #tpu.memory_space<vmem>>
      tpu.wait_dma2 semaphore(%run_scoped3A : memref<!tpu.dma_semaphore, #tpu.memory_space<semaphore_mem>>) src(%dma_wait3A_160 : memref<2048xf32, #tpu.memory_space<vmem>>) dst(%dma_wait3A_158 : memref<2048xf32, #tpu.memory_space<vmem_shared>>)
      tpu.yield
    }) : () -> ()
    %add3A_55 = arith.constant 4096 : i32
    %add3A_56 = arith.addi %mul3A_2, %add3A_55 : i32
    "tpu.region"() ({
      %run_scoped3A = tpu.sem_alloc : memref<!tpu.dma_semaphore, #tpu.memory_space<semaphore_mem>>
      %dma_start3A = arith.constant 0 : i32
      %dma_start3A_151 = tpu.memref_slice %arg35[%dma_start3A] : memref<2048xf32, #tpu.memory_space<vmem>> -> memref<2048xf32, #tpu.memory_space<vmem>>
      %dma_start3A_152 = tpu.memref_slice %arg4[%add3A_56] : memref<100096xf32, #tpu.memory_space<hbm>> -> memref<2048xf32, #tpu.memory_space<hbm>>
      %dma_start3A_153 = arith.constant 0 : i32
      %dma_start3A_154 = tpu.memref_slice %arg35[%dma_start3A_153] : memref<2048xf32, #tpu.memory_space<vmem>> -> memref<2048xf32, #tpu.memory_space<vmem>>
      %dma_start3A_155 = tpu.memref_slice %arg4[%add3A_56] : memref<100096xf32, #tpu.memory_space<hbm>> -> memref<2048xf32, #tpu.memory_space<hbm>>
      tpu.enqueue_dma source(%dma_start3A_155 : memref<2048xf32, #tpu.memory_space<hbm>>) target(%dma_start3A_154 : memref<2048xf32, #tpu.memory_space<vmem>>) target_semaphore(%run_scoped3A : memref<!tpu.dma_semaphore, #tpu.memory_space<semaphore_mem>>)
      %dma_wait3A = arith.constant 0 : i32
      %dma_wait3A_156 = tpu.memref_slice %arg35[%dma_wait3A] : memref<2048xf32, #tpu.memory_space<vmem>> -> memref<2048xf32, #tpu.memory_space<vmem>>
      %dma_wait3A_157 = tpu.memref_slice %arg4[%add3A_56] : memref<100096xf32, #tpu.memory_space<hbm>> -> memref<2048xf32, #tpu.memory_space<hbm>>
      %dma_wait3A_158 = arith.constant 0 : i32
      %dma_wait3A_159 = tpu.memref_slice %arg35[%dma_wait3A_158] : memref<2048xf32, #tpu.memory_space<vmem>> -> memref<2048xf32, #tpu.memory_space<vmem>>
      %dma_wait3A_160 = tpu.memref_slice %arg4[%add3A_56] : memref<100096xf32, #tpu.memory_space<hbm>> -> memref<2048xf32, #tpu.memory_space<hbm>>
      tpu.wait_dma2 semaphore(%run_scoped3A : memref<!tpu.dma_semaphore, #tpu.memory_space<semaphore_mem>>) src(%dma_wait3A_160 : memref<2048xf32, #tpu.memory_space<hbm>>) dst(%dma_wait3A_159 : memref<2048xf32, #tpu.memory_space<vmem>>)
      tpu.yield
    }) : () -> ()
    "tpu.region"() ({
      %run_scoped3A = tpu.sem_alloc : memref<!tpu.dma_semaphore, #tpu.memory_space<semaphore_mem>>
      %dma_start3A = arith.constant 0 : i32
      %dma_start3A_151 = tpu.memref_slice %arg35[%dma_start3A] : memref<2048xf32, #tpu.memory_space<vmem>> -> memref<2048xf32, #tpu.memory_space<vmem>>
      %dma_start3A_152 = tpu.memref_slice %arg15[%add3A_56] : memref<100096xf32, #tpu.memory_space<vmem_shared>> -> memref<2048xf32, #tpu.memory_space<vmem_shared>>
      %dma_start3A_153 = tpu.memref_slice %arg15[%add3A_56] : memref<100096xf32, #tpu.memory_space<vmem_shared>> -> memref<2048xf32, #tpu.memory_space<vmem_shared>>
      %dma_start3A_154 = arith.constant 0 : i32
      %dma_start3A_155 = tpu.memref_slice %arg35[%dma_start3A_154] : memref<2048xf32, #tpu.memory_space<vmem>> -> memref<2048xf32, #tpu.memory_space<vmem>>
      tpu.enqueue_dma source(%dma_start3A_155 : memref<2048xf32, #tpu.memory_space<vmem>>) target(%dma_start3A_153 : memref<2048xf32, #tpu.memory_space<vmem_shared>>) target_semaphore(%run_scoped3A : memref<!tpu.dma_semaphore, #tpu.memory_space<semaphore_mem>>)
      %dma_wait3A = arith.constant 0 : i32
      %dma_wait3A_156 = tpu.memref_slice %arg35[%dma_wait3A] : memref<2048xf32, #tpu.memory_space<vmem>> -> memref<2048xf32, #tpu.memory_space<vmem>>
      %dma_wait3A_157 = tpu.memref_slice %arg15[%add3A_56] : memref<100096xf32, #tpu.memory_space<vmem_shared>> -> memref<2048xf32, #tpu.memory_space<vmem_shared>>
      %dma_wait3A_158 = tpu.memref_slice %arg15[%add3A_56] : memref<100096xf32, #tpu.memory_space<vmem_shared>> -> memref<2048xf32, #tpu.memory_space<vmem_shared>>
      %dma_wait3A_159 = arith.constant 0 : i32
      %dma_wait3A_160 = tpu.memref_slice %arg35[%dma_wait3A_159] : memref<2048xf32, #tpu.memory_space<vmem>> -> memref<2048xf32, #tpu.memory_space<vmem>>
      tpu.wait_dma2 semaphore(%run_scoped3A : memref<!tpu.dma_semaphore, #tpu.memory_space<semaphore_mem>>) src(%dma_wait3A_160 : memref<2048xf32, #tpu.memory_space<vmem>>) dst(%dma_wait3A_158 : memref<2048xf32, #tpu.memory_space<vmem_shared>>)
      tpu.yield
    }) : () -> ()
    %add3A_57 = arith.constant 6144 : i32
    %add3A_58 = arith.addi %mul3A_2, %add3A_57 : i32
    "tpu.region"() ({
      %run_scoped3A = tpu.sem_alloc : memref<!tpu.dma_semaphore, #tpu.memory_space<semaphore_mem>>
      %dma_start3A = arith.constant 0 : i32
      %dma_start3A_151 = tpu.memref_slice %arg35[%dma_start3A] : memref<2048xf32, #tpu.memory_space<vmem>> -> memref<112xf32, #tpu.memory_space<vmem>>
      %dma_start3A_152 = tpu.memref_slice %arg4[%add3A_58] : memref<100096xf32, #tpu.memory_space<hbm>> -> memref<112xf32, #tpu.memory_space<hbm>>
      %dma_start3A_153 = arith.constant 0 : i32
      %dma_start3A_154 = tpu.memref_slice %arg35[%dma_start3A_153] : memref<2048xf32, #tpu.memory_space<vmem>> -> memref<112xf32, #tpu.memory_space<vmem>>
      %dma_start3A_155 = tpu.memref_slice %arg4[%add3A_58] : memref<100096xf32, #tpu.memory_space<hbm>> -> memref<112xf32, #tpu.memory_space<hbm>>
      tpu.enqueue_dma source(%dma_start3A_155 : memref<112xf32, #tpu.memory_space<hbm>>) target(%dma_start3A_154 : memref<112xf32, #tpu.memory_space<vmem>>) target_semaphore(%run_scoped3A : memref<!tpu.dma_semaphore, #tpu.memory_space<semaphore_mem>>)
      %dma_wait3A = arith.constant 0 : i32
      %dma_wait3A_156 = tpu.memref_slice %arg35[%dma_wait3A] : memref<2048xf32, #tpu.memory_space<vmem>> -> memref<112xf32, #tpu.memory_space<vmem>>
      %dma_wait3A_157 = tpu.memref_slice %arg4[%add3A_58] : memref<100096xf32, #tpu.memory_space<hbm>> -> memref<112xf32, #tpu.memory_space<hbm>>
      %dma_wait3A_158 = arith.constant 0 : i32
      %dma_wait3A_159 = tpu.memref_slice %arg35[%dma_wait3A_158] : memref<2048xf32, #tpu.memory_space<vmem>> -> memref<112xf32, #tpu.memory_space<vmem>>
      %dma_wait3A_160 = tpu.memref_slice %arg4[%add3A_58] : memref<100096xf32, #tpu.memory_space<hbm>> -> memref<112xf32, #tpu.memory_space<hbm>>
      tpu.wait_dma2 semaphore(%run_scoped3A : memref<!tpu.dma_semaphore, #tpu.memory_space<semaphore_mem>>) src(%dma_wait3A_160 : memref<112xf32, #tpu.memory_space<hbm>>) dst(%dma_wait3A_159 : memref<112xf32, #tpu.memory_space<vmem>>)
      tpu.yield
    }) : () -> ()
    "tpu.region"() ({
      %run_scoped3A = tpu.sem_alloc : memref<!tpu.dma_semaphore, #tpu.memory_space<semaphore_mem>>
      %dma_start3A = arith.constant 0 : i32
      %dma_start3A_151 = tpu.memref_slice %arg35[%dma_start3A] : memref<2048xf32, #tpu.memory_space<vmem>> -> memref<112xf32, #tpu.memory_space<vmem>>
      %dma_start3A_152 = tpu.memref_slice %arg15[%add3A_58] : memref<100096xf32, #tpu.memory_space<vmem_shared>> -> memref<112xf32, #tpu.memory_space<vmem_shared>>
      %dma_start3A_153 = tpu.memref_slice %arg15[%add3A_58] : memref<100096xf32, #tpu.memory_space<vmem_shared>> -> memref<112xf32, #tpu.memory_space<vmem_shared>>
      %dma_start3A_154 = arith.constant 0 : i32
      %dma_start3A_155 = tpu.memref_slice %arg35[%dma_start3A_154] : memref<2048xf32, #tpu.memory_space<vmem>> -> memref<112xf32, #tpu.memory_space<vmem>>
      tpu.enqueue_dma source(%dma_start3A_155 : memref<112xf32, #tpu.memory_space<vmem>>) target(%dma_start3A_153 : memref<112xf32, #tpu.memory_space<vmem_shared>>) target_semaphore(%run_scoped3A : memref<!tpu.dma_semaphore, #tpu.memory_space<semaphore_mem>>)
      %dma_wait3A = arith.constant 0 : i32
      %dma_wait3A_156 = tpu.memref_slice %arg35[%dma_wait3A] : memref<2048xf32, #tpu.memory_space<vmem>> -> memref<112xf32, #tpu.memory_space<vmem>>
      %dma_wait3A_157 = tpu.memref_slice %arg15[%add3A_58] : memref<100096xf32, #tpu.memory_space<vmem_shared>> -> memref<112xf32, #tpu.memory_space<vmem_shared>>
      %dma_wait3A_158 = tpu.memref_slice %arg15[%add3A_58] : memref<100096xf32, #tpu.memory_space<vmem_shared>> -> memref<112xf32, #tpu.memory_space<vmem_shared>>
      %dma_wait3A_159 = arith.constant 0 : i32
      %dma_wait3A_160 = tpu.memref_slice %arg35[%dma_wait3A_159] : memref<2048xf32, #tpu.memory_space<vmem>> -> memref<112xf32, #tpu.memory_space<vmem>>
      tpu.wait_dma2 semaphore(%run_scoped3A : memref<!tpu.dma_semaphore, #tpu.memory_space<semaphore_mem>>) src(%dma_wait3A_160 : memref<112xf32, #tpu.memory_space<vmem>>) dst(%dma_wait3A_158 : memref<112xf32, #tpu.memory_space<vmem_shared>>)
      tpu.yield
    }) : () -> ()
    %barrier3A = arith.constant 0 : index
    tpu.barrier barrier_id(%barrier3A)
    %broadcast_in_dim3A = arith.constant 0.000000e+00 : f32
    %broadcast_in_dim3A_59 = vector.broadcast %broadcast_in_dim3A : f32 to vector<16xf32>
    %scan3A = arith.constant 0 : i32
    %scan3A_60 = arith.constant 50 : i32
    %scan3A_61 = arith.addi %scan3A, %scan3A_60 : i32
    %scan3A_62 = arith.constant 1 : i32
    %scan3A_63 = scf.for %scan3A_151 = %scan3A to %scan3A_61 step %scan3A_62 iter_args(%scan3A_152 = %broadcast_in_dim3A_59) -> (vector<16xf32>)  : i32 {
      %mul3A_153 = arith.constant 200000 : i32
      %mul3A_154 = arith.muli %add3A, %mul3A_153 : i32
      %mul3A_155 = arith.constant 4000 : i32
      %mul3A_156 = arith.muli %scan3A_151, %mul3A_155 : i32
      %add3A_157 = arith.addi %mul3A_154, %mul3A_156 : i32
      "tpu.region"() ({
        %run_scoped3A = tpu.sem_alloc : memref<!tpu.dma_semaphore, #tpu.memory_space<semaphore_mem>>
        %dma_start3A_218 = tpu.memref_slice %arg5[%add3A_157] : memref<6400000xi32, #tpu.memory_space<hbm>> -> memref<4000xi32, #tpu.memory_space<hbm>>
        %dma_start3A_219 = tpu.memref_slice %arg5[%add3A_157] : memref<6400000xi32, #tpu.memory_space<hbm>> -> memref<4000xi32, #tpu.memory_space<hbm>>
        tpu.enqueue_dma source(%dma_start3A_219 : memref<4000xi32, #tpu.memory_space<hbm>>) target(%arg20 : memref<4000xi32, #tpu.memory_space<vmem>>) target_semaphore(%run_scoped3A : memref<!tpu.dma_semaphore, #tpu.memory_space<semaphore_mem>>)
        %dma_wait3A_220 = tpu.memref_slice %arg5[%add3A_157] : memref<6400000xi32, #tpu.memory_space<hbm>> -> memref<4000xi32, #tpu.memory_space<hbm>>
        %dma_wait3A_221 = tpu.memref_slice %arg5[%add3A_157] : memref<6400000xi32, #tpu.memory_space<hbm>> -> memref<4000xi32, #tpu.memory_space<hbm>>
        tpu.wait_dma2 semaphore(%run_scoped3A : memref<!tpu.dma_semaphore, #tpu.memory_space<semaphore_mem>>) src(%dma_wait3A_221 : memref<4000xi32, #tpu.memory_space<hbm>>) dst(%arg20 : memref<4000xi32, #tpu.memory_space<vmem>>)
        tpu.yield
      }) : () -> ()
      "tpu.region"() ({
        %run_scoped3A = tpu.sem_alloc : memref<!tpu.dma_semaphore, #tpu.memory_space<semaphore_mem>>
        %dma_start3A_218 = tpu.memref_slice %arg6[%add3A_157] : memref<6400000xi32, #tpu.memory_space<hbm>> -> memref<4000xi32, #tpu.memory_space<hbm>>
        %dma_start3A_219 = tpu.memref_slice %arg6[%add3A_157] : memref<6400000xi32, #tpu.memory_space<hbm>> -> memref<4000xi32, #tpu.memory_space<hbm>>
        tpu.enqueue_dma source(%dma_start3A_219 : memref<4000xi32, #tpu.memory_space<hbm>>) target(%arg21 : memref<4000xi32, #tpu.memory_space<vmem>>) target_semaphore(%run_scoped3A : memref<!tpu.dma_semaphore, #tpu.memory_space<semaphore_mem>>)
        %dma_wait3A_220 = tpu.memref_slice %arg6[%add3A_157] : memref<6400000xi32, #tpu.memory_space<hbm>> -> memref<4000xi32, #tpu.memory_space<hbm>>
        %dma_wait3A_221 = tpu.memref_slice %arg6[%add3A_157] : memref<6400000xi32, #tpu.memory_space<hbm>> -> memref<4000xi32, #tpu.memory_space<hbm>>
        tpu.wait_dma2 semaphore(%run_scoped3A : memref<!tpu.dma_semaphore, #tpu.memory_space<semaphore_mem>>) src(%dma_wait3A_221 : memref<4000xi32, #tpu.memory_space<hbm>>) dst(%arg21 : memref<4000xi32, #tpu.memory_space<vmem>>)
        tpu.yield
      }) : () -> ()
      %dma_start3A = arith.constant 0 : i32
      %dma_start3A_158 = tpu.memref_slice %arg13[%dma_start3A] : memref<100096xf32, #tpu.memory_space<vmem_shared>> -> memref<100096xf32, #tpu.memory_space<vmem_shared>>
      tpu.enqueue_indirect_dma source(%dma_start3A_158 : memref<100096xf32, #tpu.memory_space<vmem_shared>>) target(%arg22 : memref<4000xf32, #tpu.memory_space<vmem>>) offsets(%arg20 : memref<4000xi32, #tpu.memory_space<vmem>>) semaphore(%arg37 : memref<!tpu.dma_semaphore, #tpu.memory_space<semaphore_mem>>)
      %dma_start3A_159 = arith.constant 0 : i32
      %dma_start3A_160 = tpu.memref_slice %arg14[%dma_start3A_159] : memref<100096xf32, #tpu.memory_space<vmem_shared>> -> memref<100096xf32, #tpu.memory_space<vmem_shared>>
      tpu.enqueue_indirect_dma source(%dma_start3A_160 : memref<100096xf32, #tpu.memory_space<vmem_shared>>) target(%arg23 : memref<4000xf32, #tpu.memory_space<vmem>>) offsets(%arg20 : memref<4000xi32, #tpu.memory_space<vmem>>) semaphore(%arg37 : memref<!tpu.dma_semaphore, #tpu.memory_space<semaphore_mem>>)
      %dma_start3A_161 = arith.constant 0 : i32
      %dma_start3A_162 = tpu.memref_slice %arg15[%dma_start3A_161] : memref<100096xf32, #tpu.memory_space<vmem_shared>> -> memref<100096xf32, #tpu.memory_space<vmem_shared>>
      tpu.enqueue_indirect_dma source(%dma_start3A_162 : memref<100096xf32, #tpu.memory_space<vmem_shared>>) target(%arg24 : memref<4000xf32, #tpu.memory_space<vmem>>) offsets(%arg20 : memref<4000xi32, #tpu.memory_space<vmem>>) semaphore(%arg37 : memref<!tpu.dma_semaphore, #tpu.memory_space<semaphore_mem>>)
      %dma_start3A_163 = arith.constant 0 : i32
      %dma_start3A_164 = tpu.memref_slice %arg13[%dma_start3A_163] : memref<100096xf32, #tpu.memory_space<vmem_shared>> -> memref<100096xf32, #tpu.memory_space<vmem_shared>>
      tpu.enqueue_indirect_dma source(%dma_start3A_164 : memref<100096xf32, #tpu.memory_space<vmem_shared>>) target(%arg25 : memref<4000xf32, #tpu.memory_space<vmem>>) offsets(%arg21 : memref<4000xi32, #tpu.memory_space<vmem>>) semaphore(%arg37 : memref<!tpu.dma_semaphore, #tpu.memory_space<semaphore_mem>>)
      %dma_start3A_165 = arith.constant 0 : i32
      %dma_start3A_166 = tpu.memref_slice %arg14[%dma_start3A_165] : memref<100096xf32, #tpu.memory_space<vmem_shared>> -> memref<100096xf32, #tpu.memory_space<vmem_shared>>
      tpu.enqueue_indirect_dma source(%dma_start3A_166 : memref<100096xf32, #tpu.memory_space<vmem_shared>>) target(%arg26 : memref<4000xf32, #tpu.memory_space<vmem>>) offsets(%arg21 : memref<4000xi32, #tpu.memory_space<vmem>>) semaphore(%arg37 : memref<!tpu.dma_semaphore, #tpu.memory_space<semaphore_mem>>)
      %dma_start3A_167 = arith.constant 0 : i32
      %dma_start3A_168 = tpu.memref_slice %arg15[%dma_start3A_167] : memref<100096xf32, #tpu.memory_space<vmem_shared>> -> memref<100096xf32, #tpu.memory_space<vmem_shared>>
      tpu.enqueue_indirect_dma source(%dma_start3A_168 : memref<100096xf32, #tpu.memory_space<vmem_shared>>) target(%arg27 : memref<4000xf32, #tpu.memory_space<vmem>>) offsets(%arg21 : memref<4000xi32, #tpu.memory_space<vmem>>) semaphore(%arg37 : memref<!tpu.dma_semaphore, #tpu.memory_space<semaphore_mem>>)
      %dma_wait3A = arith.constant 0 : i32
      %dma_wait3A_169 = tpu.memref_slice %arg13[%dma_wait3A] : memref<100096xf32, #tpu.memory_space<vmem_shared>> -> memref<100096xf32, #tpu.memory_space<vmem_shared>>
      tpu.wait_indirect_dma semaphore(%arg37 : memref<!tpu.dma_semaphore, #tpu.memory_space<semaphore_mem>>) src(%dma_wait3A_169 : memref<100096xf32, #tpu.memory_space<vmem_shared>>) dst(%arg22 : memref<4000xf32, #tpu.memory_space<vmem>>)
      %dma_wait3A_170 = arith.constant 0 : i32
      %dma_wait3A_171 = tpu.memref_slice %arg14[%dma_wait3A_170] : memref<100096xf32, #tpu.memory_space<vmem_shared>> -> memref<100096xf32, #tpu.memory_space<vmem_shared>>
      tpu.wait_indirect_dma semaphore(%arg37 : memref<!tpu.dma_semaphore, #tpu.memory_space<semaphore_mem>>) src(%dma_wait3A_171 : memref<100096xf32, #tpu.memory_space<vmem_shared>>) dst(%arg23 : memref<4000xf32, #tpu.memory_space<vmem>>)
      %dma_wait3A_172 = arith.constant 0 : i32
      %dma_wait3A_173 = tpu.memref_slice %arg15[%dma_wait3A_172] : memref<100096xf32, #tpu.memory_space<vmem_shared>> -> memref<100096xf32, #tpu.memory_space<vmem_shared>>
      tpu.wait_indirect_dma semaphore(%arg37 : memref<!tpu.dma_semaphore, #tpu.memory_space<semaphore_mem>>) src(%dma_wait3A_173 : memref<100096xf32, #tpu.memory_space<vmem_shared>>) dst(%arg24 : memref<4000xf32, #tpu.memory_space<vmem>>)
      %dma_wait3A_174 = arith.constant 0 : i32
      %dma_wait3A_175 = tpu.memref_slice %arg13[%dma_wait3A_174] : memref<100096xf32, #tpu.memory_space<vmem_shared>> -> memref<100096xf32, #tpu.memory_space<vmem_shared>>
      tpu.wait_indirect_dma semaphore(%arg37 : memref<!tpu.dma_semaphore, #tpu.memory_space<semaphore_mem>>) src(%dma_wait3A_175 : memref<100096xf32, #tpu.memory_space<vmem_shared>>) dst(%arg25 : memref<4000xf32, #tpu.memory_space<vmem>>)
      %dma_wait3A_176 = arith.constant 0 : i32
      %dma_wait3A_177 = tpu.memref_slice %arg14[%dma_wait3A_176] : memref<100096xf32, #tpu.memory_space<vmem_shared>> -> memref<100096xf32, #tpu.memory_space<vmem_shared>>
      tpu.wait_indirect_dma semaphore(%arg37 : memref<!tpu.dma_semaphore, #tpu.memory_space<semaphore_mem>>) src(%dma_wait3A_177 : memref<100096xf32, #tpu.memory_space<vmem_shared>>) dst(%arg26 : memref<4000xf32, #tpu.memory_space<vmem>>)
      %dma_wait3A_178 = arith.constant 0 : i32
      %dma_wait3A_179 = tpu.memref_slice %arg15[%dma_wait3A_178] : memref<100096xf32, #tpu.memory_space<vmem_shared>> -> memref<100096xf32, #tpu.memory_space<vmem_shared>>
      tpu.wait_indirect_dma semaphore(%arg37 : memref<!tpu.dma_semaphore, #tpu.memory_space<semaphore_mem>>) src(%dma_wait3A_179 : memref<100096xf32, #tpu.memory_space<vmem_shared>>) dst(%arg27 : memref<4000xf32, #tpu.memory_space<vmem>>)
      %scan3A_180 = arith.constant 0 : i32
      %scan3A_181 = arith.constant 250 : i32
      %scan3A_182 = arith.addi %scan3A_180, %scan3A_181 : i32
      %scan3A_183 = arith.constant 1 : i32
      %scan3A_184 = scf.for %scan3A_218 = %scan3A_180 to %scan3A_182 step %scan3A_183 iter_args(%scan3A_219 = %scan3A_152) -> (vector<16xf32>)  : i32 {
        %mul3A_220 = arith.constant 16 : i32
        %mul3A_221 = arith.muli %scan3A_218, %mul3A_220 : i32
        %get3A = arith.index_cast %mul3A_221 : i32 to index
        %get3A_222 = tpu.vector_load %arg25[%get3A] {strides = array<i32>} : memref<4000xf32, #tpu.memory_space<vmem>>, vector<16xf32>,
        %get3A_223 = vector.shape_cast %get3A_222 : vector<16xf32> to vector<16xf32>
        %get3A_224 = arith.index_cast %mul3A_221 : i32 to index
        %get3A_225 = tpu.vector_load %arg22[%get3A_224] {strides = array<i32>} : memref<4000xf32, #tpu.memory_space<vmem>>, vector<16xf32>,
        %get3A_226 = vector.shape_cast %get3A_225 : vector<16xf32> to vector<16xf32>
        %sub3A = arith.subf %get3A_223, %get3A_226 : vector<16xf32>
        %get3A_227 = arith.index_cast %mul3A_221 : i32 to index
        %get3A_228 = tpu.vector_load %arg26[%get3A_227] {strides = array<i32>} : memref<4000xf32, #tpu.memory_space<vmem>>, vector<16xf32>,
        %get3A_229 = vector.shape_cast %get3A_228 : vector<16xf32> to vector<16xf32>
        %get3A_230 = arith.index_cast %mul3A_221 : i32 to index
        %get3A_231 = tpu.vector_load %arg23[%get3A_230] {strides = array<i32>} : memref<4000xf32, #tpu.memory_space<vmem>>, vector<16xf32>,
        %get3A_232 = vector.shape_cast %get3A_231 : vector<16xf32> to vector<16xf32>
        %sub3A_233 = arith.subf %get3A_229, %get3A_232 : vector<16xf32>
        %get3A_234 = arith.index_cast %mul3A_221 : i32 to index
        %get3A_235 = tpu.vector_load %arg27[%get3A_234] {strides = array<i32>} : memref<4000xf32, #tpu.memory_space<vmem>>, vector<16xf32>,
        %get3A_236 = vector.shape_cast %get3A_235 : vector<16xf32> to vector<16xf32>
        %get3A_237 = arith.index_cast %mul3A_221 : i32 to index
        %get3A_238 = tpu.vector_load %arg24[%get3A_237] {strides = array<i32>} : memref<4000xf32, #tpu.memory_space<vmem>>, vector<16xf32>,
        %get3A_239 = vector.shape_cast %get3A_238 : vector<16xf32> to vector<16xf32>
        %sub3A_240 = arith.subf %get3A_236, %get3A_239 : vector<16xf32>
        %mul3A_241 = arith.mulf %sub3A, %sub3A : vector<16xf32>
        %mul3A_242 = arith.mulf %sub3A_233, %sub3A_233 : vector<16xf32>
        %add3A_243 = arith.addf %mul3A_241, %mul3A_242 : vector<16xf32>
        %mul3A_244 = arith.mulf %sub3A_240, %sub3A_240 : vector<16xf32>
        %add3A_245 = arith.addf %add3A_243, %mul3A_244 : vector<16xf32>
        %bitcast_convert_type3A = tpu.bitcast %add3A_245 : vector<16xf32> -> vector<16xi32>
        %shift_right_arithmetic3A = arith.constant 1 : i32
        %shift_right_arithmetic3A_246 = vector.broadcast %shift_right_arithmetic3A : i32 to vector<16xi32>
        %shift_right_arithmetic3A_247 = arith.shrsi %bitcast_convert_type3A, %shift_right_arithmetic3A_246 : vector<16xi32>
        %sub3A_248 = arith.constant 1597463007 : i32
        %sub3A_249 = vector.broadcast %sub3A_248 : i32 to vector<16xi32>
        %sub3A_250 = arith.subi %sub3A_249, %shift_right_arithmetic3A_247 : vector<16xi32>
        %bitcast_convert_type3A_251 = tpu.bitcast %sub3A_250 : vector<16xi32> -> vector<16xf32>
        %mul3A_252 = arith.constant 5.000000e-01 : f32
        %mul3A_253 = vector.broadcast %mul3A_252 : f32 to vector<16xf32>
        %mul3A_254 = arith.mulf %mul3A_253, %add3A_245 : vector<16xf32>
        %mul3A_255 = arith.mulf %mul3A_254, %bitcast_convert_type3A_251 : vector<16xf32>
        %mul3A_256 = arith.mulf %mul3A_255, %bitcast_convert_type3A_251 : vector<16xf32>
        %sub3A_257 = arith.constant 1.500000e+00 : f32
        %sub3A_258 = vector.broadcast %sub3A_257 : f32 to vector<16xf32>
        %sub3A_259 = arith.subf %sub3A_258, %mul3A_256 : vector<16xf32>
        %mul3A_260 = arith.mulf %bitcast_convert_type3A_251, %sub3A_259 : vector<16xf32>
        %mul3A_261 = arith.constant 5.000000e-01 : f32
        %mul3A_262 = vector.broadcast %mul3A_261 : f32 to vector<16xf32>
        %mul3A_263 = arith.mulf %mul3A_262, %add3A_245 : vector<16xf32>
        %mul3A_264 = arith.mulf %mul3A_263, %mul3A_260 : vector<16xf32>
        %mul3A_265 = arith.mulf %mul3A_264, %mul3A_260 : vector<16xf32>
        %sub3A_266 = arith.constant 1.500000e+00 : f32
        %sub3A_267 = vector.broadcast %sub3A_266 : f32 to vector<16xf32>
        %sub3A_268 = arith.subf %sub3A_267, %mul3A_265 : vector<16xf32>
        %mul3A_269 = arith.mulf %mul3A_260, %sub3A_268 : vector<16xf32>
        %mul3A_270 = arith.mulf %add3A_245, %mul3A_269 : vector<16xf32>
        %gt3A = arith.constant 0.000000e+00 : f32
        %gt3A_271 = vector.broadcast %gt3A : f32 to vector<16xf32>
        %gt3A_272 = arith.cmpf ogt, %add3A_245, %gt3A_271 : vector<16xf32>
        %lt3A = arith.constant 6.250000e+00 : f32
        %lt3A_273 = vector.broadcast %lt3A : f32 to vector<16xf32>
        %lt3A_274 = arith.cmpf olt, %add3A_245, %lt3A_273 : vector<16xf32>
        %and3A = arith.andi %gt3A_272, %lt3A_274 : vector<16xi1>
        %sub3A_275 = arith.constant 1.000000e+00 : f32
        %sub3A_276 = vector.broadcast %sub3A_275 : f32 to vector<16xf32>
        %sub3A_277 = arith.subf %mul3A_270, %sub3A_276 : vector<16xf32>
        %mul3A_278 = arith.constant -5.000000e+00 : f32
        %mul3A_279 = vector.broadcast %mul3A_278 : f32 to vector<16xf32>
        %mul3A_280 = arith.mulf %mul3A_279, %sub3A_277 : vector<16xf32>
        %exp3A = math.exp %mul3A_280 : vector<16xf32>
        %sub3A_281 = arith.constant 1.000000e+00 : f32
        %sub3A_282 = vector.broadcast %sub3A_281 : f32 to vector<16xf32>
        %sub3A_283 = arith.subf %sub3A_282, %exp3A : vector<16xf32>
        %mul3A_284 = arith.constant 5.000000e+00 : f32
        %mul3A_285 = vector.broadcast %mul3A_284 : f32 to vector<16xf32>
        %mul3A_286 = arith.mulf %mul3A_285, %sub3A_283 : vector<16xf32>
        %mul3A_287 = arith.mulf %mul3A_286, %sub3A_283 : vector<16xf32>
        %sub3A_288 = arith.constant 5.000000e+00 : f32
        %sub3A_289 = vector.broadcast %sub3A_288 : f32 to vector<16xf32>
        %sub3A_290 = arith.subf %mul3A_287, %sub3A_289 : vector<16xf32>
        %jit3A = arith.constant 0.000000e+00 : f32
        %broadcast_in_dim3A_291 = vector.broadcast %jit3A : f32 to vector<16xf32>
        %select_n3A = arith.select %and3A, %sub3A_290, %broadcast_in_dim3A_291 : vector<16xi1>, vector<16xf32>
        %mul3A_292 = arith.constant -5.000000e+01 : f32
        %mul3A_293 = vector.broadcast %mul3A_292 : f32 to vector<16xf32>
        %mul3A_294 = arith.mulf %mul3A_293, %exp3A : vector<16xf32>
        %mul3A_295 = arith.mulf %mul3A_294, %sub3A_283 : vector<16xf32>
        %jit3A_296 = arith.constant 0.000000e+00 : f32
        %broadcast_in_dim3A_297 = vector.broadcast %jit3A_296 : f32 to vector<16xf32>
        %select_n3A_298 = arith.select %and3A, %mul3A_295, %broadcast_in_dim3A_297 : vector<16xi1>, vector<16xf32>
        %mul3A_299 = arith.mulf %select_n3A_298, %mul3A_269 : vector<16xf32>
        %mul3A_300 = arith.mulf %mul3A_299, %sub3A : vector<16xf32>
        %mul3A_301 = arith.mulf %mul3A_299, %sub3A_233 : vector<16xf32>
        %mul3A_302 = arith.mulf %mul3A_299, %sub3A_240 : vector<16xf32>
        %mul3A_303 = arith.constant 5.000000e-01 : f32
        %mul3A_304 = vector.broadcast %mul3A_303 : f32 to vector<16xf32>
        %mul3A_305 = arith.mulf %mul3A_304, %select_n3A : vector<16xf32>
        %swap3A_306 = arith.index_cast %mul3A_221 : i32 to index
        %swap3A_307 = tpu.vector_load %arg28[%swap3A_306] {strides = array<i32>} : memref<4000xf32, #tpu.memory_space<vmem>>, vector<16xf32>,
        %swap3A_308 = vector.shape_cast %swap3A_307 : vector<16xf32> to vector<16xf32>
        %swap3A_309 = vector.shape_cast %mul3A_305 : vector<16xf32> to vector<16xf32>
        tpu.vector_store %arg28[%swap3A_306], %swap3A_309 {strides = array<i32>} : memref<4000xf32, #tpu.memory_space<vmem>>, vector<16xf32>,
        %swap3A_310 = arith.index_cast %mul3A_221 : i32 to index
        %swap3A_311 = tpu.vector_load %arg29[%swap3A_310] {strides = array<i32>} : memref<4000xf32, #tpu.memory_space<vmem>>, vector<16xf32>,
        %swap3A_312 = vector.shape_cast %swap3A_311 : vector<16xf32> to vector<16xf32>
        %swap3A_313 = vector.shape_cast %mul3A_300 : vector<16xf32> to vector<16xf32>
        tpu.vector_store %arg29[%swap3A_310], %swap3A_313 {strides = array<i32>} : memref<4000xf32, #tpu.memory_space<vmem>>, vector<16xf32>,
        %swap3A_314 = arith.index_cast %mul3A_221 : i32 to index
        %swap3A_315 = tpu.vector_load %arg30[%swap3A_314] {strides = array<i32>} : memref<4000xf32, #tpu.memory_space<vmem>>, vector<16xf32>,
        %swap3A_316 = vector.shape_cast %swap3A_315 : vector<16xf32> to vector<16xf32>
        %swap3A_317 = vector.shape_cast %mul3A_301 : vector<16xf32> to vector<16xf32>
        tpu.vector_store %arg30[%swap3A_314], %swap3A_317 {strides = array<i32>} : memref<4000xf32, #tpu.memory_space<vmem>>, vector<16xf32>,
        %swap3A_318 = arith.index_cast %mul3A_221 : i32 to index
        %swap3A_319 = tpu.vector_load %arg31[%swap3A_318] {strides = array<i32>} : memref<4000xf32, #tpu.memory_space<vmem>>, vector<16xf32>,
        %swap3A_320 = vector.shape_cast %swap3A_319 : vector<16xf32> to vector<16xf32>
        %swap3A_321 = vector.shape_cast %mul3A_302 : vector<16xf32> to vector<16xf32>
        tpu.vector_store %arg31[%swap3A_318], %swap3A_321 {strides = array<i32>} : memref<4000xf32, #tpu.memory_space<vmem>>, vector<16xf32>,
        %neg3A = arith.constant 0.000000e+00 : f32
        %neg3A_322 = vector.broadcast %neg3A : f32 to vector<16xf32>
        %neg3A_323 = arith.subf %neg3A_322, %mul3A_300 : vector<16xf32>
        %swap3A_324 = arith.index_cast %mul3A_221 : i32 to index
        %swap3A_325 = tpu.vector_load %arg32[%swap3A_324] {strides = array<i32>} : memref<4000xf32, #tpu.memory_space<vmem>>, vector<16xf32>,
        %swap3A_326 = vector.shape_cast %swap3A_325 : vector<16xf32> to vector<16xf32>
        %swap3A_327 = vector.shape_cast %neg3A_323 : vector<16xf32> to vector<16xf32>
        tpu.vector_store %arg32[%swap3A_324], %swap3A_327 {strides = array<i32>} : memref<4000xf32, #tpu.memory_space<vmem>>, vector<16xf32>,
        %neg3A_328 = arith.constant 0.000000e+00 : f32
        %neg3A_329 = vector.broadcast %neg3A_328 : f32 to vector<16xf32>
        %neg3A_330 = arith.subf %neg3A_329, %mul3A_301 : vector<16xf32>
        %swap3A_331 = arith.index_cast %mul3A_221 : i32 to index
        %swap3A_332 = tpu.vector_load %arg33[%swap3A_331] {strides = array<i32>} : memref<4000xf32, #tpu.memory_space<vmem>>, vector<16xf32>,
        %swap3A_333 = vector.shape_cast %swap3A_332 : vector<16xf32> to vector<16xf32>
        %swap3A_334 = vector.shape_cast %neg3A_330 : vector<16xf32> to vector<16xf32>
        tpu.vector_store %arg33[%swap3A_331], %swap3A_334 {strides = array<i32>} : memref<4000xf32, #tpu.memory_space<vmem>>, vector<16xf32>,
        %neg3A_335 = arith.constant 0.000000e+00 : f32
        %neg3A_336 = vector.broadcast %neg3A_335 : f32 to vector<16xf32>
        %neg3A_337 = arith.subf %neg3A_336, %mul3A_302 : vector<16xf32>
        %swap3A_338 = arith.index_cast %mul3A_221 : i32 to index
        %swap3A_339 = tpu.vector_load %arg34[%swap3A_338] {strides = array<i32>} : memref<4000xf32, #tpu.memory_space<vmem>>, vector<16xf32>,
        %swap3A_340 = vector.shape_cast %swap3A_339 : vector<16xf32> to vector<16xf32>
        %swap3A_341 = vector.shape_cast %neg3A_337 : vector<16xf32> to vector<16xf32>
        tpu.vector_store %arg34[%swap3A_338], %swap3A_341 {strides = array<i32>} : memref<4000xf32, #tpu.memory_space<vmem>>, vector<16xf32>,
        %add3A_342 = arith.addf %scan3A_219, %select_n3A : vector<16xf32>
        scf.yield %add3A_342 : vector<16xf32>
      }
      %scan3A_185 = arith.constant 250 : i32
      %dma_start3A_186 = arith.constant 0 : i32
      %dma_start3A_187 = tpu.memref_slice %arg16[%dma_start3A_186] : memref<100096xf32, #tpu.memory_space<vmem_shared>> -> memref<100096xf32, #tpu.memory_space<vmem_shared>>
      tpu.enqueue_indirect_dma source(%arg28 : memref<4000xf32, #tpu.memory_space<vmem>>) target(%dma_start3A_187 : memref<100096xf32, #tpu.memory_space<vmem_shared>>) offsets(%arg20 : memref<4000xi32, #tpu.memory_space<vmem>>) semaphore(%arg38 : memref<!tpu.dma_semaphore, #tpu.memory_space<semaphore_mem>>) {add = true}
      %dma_start3A_188 = arith.constant 0 : i32
      %dma_start3A_189 = tpu.memref_slice %arg16[%dma_start3A_188] : memref<100096xf32, #tpu.memory_space<vmem_shared>> -> memref<100096xf32, #tpu.memory_space<vmem_shared>>
      tpu.enqueue_indirect_dma source(%arg28 : memref<4000xf32, #tpu.memory_space<vmem>>) target(%dma_start3A_189 : memref<100096xf32, #tpu.memory_space<vmem_shared>>) offsets(%arg21 : memref<4000xi32, #tpu.memory_space<vmem>>) semaphore(%arg38 : memref<!tpu.dma_semaphore, #tpu.memory_space<semaphore_mem>>) {add = true}
      %dma_start3A_190 = arith.constant 0 : i32
      %dma_start3A_191 = tpu.memref_slice %arg17[%dma_start3A_190] : memref<100096xf32, #tpu.memory_space<vmem_shared>> -> memref<100096xf32, #tpu.memory_space<vmem_shared>>
      tpu.enqueue_indirect_dma source(%arg32 : memref<4000xf32, #tpu.memory_space<vmem>>) target(%dma_start3A_191 : memref<100096xf32, #tpu.memory_space<vmem_shared>>) offsets(%arg20 : memref<4000xi32, #tpu.memory_space<vmem>>) semaphore(%arg38 : memref<!tpu.dma_semaphore, #tpu.memory_space<semaphore_mem>>) {add = true}
      %dma_start3A_192 = arith.constant 0 : i32
      %dma_start3A_193 = tpu.memref_slice %arg17[%dma_start3A_192] : memref<100096xf32, #tpu.memory_space<vmem_shared>> -> memref<100096xf32, #tpu.memory_space<vmem_shared>>
      tpu.enqueue_indirect_dma source(%arg29 : memref<4000xf32, #tpu.memory_space<vmem>>) target(%dma_start3A_193 : memref<100096xf32, #tpu.memory_space<vmem_shared>>) offsets(%arg21 : memref<4000xi32, #tpu.memory_space<vmem>>) semaphore(%arg38 : memref<!tpu.dma_semaphore, #tpu.memory_space<semaphore_mem>>) {add = true}
      %dma_start3A_194 = arith.constant 0 : i32
      %dma_start3A_195 = tpu.memref_slice %arg18[%dma_start3A_194] : memref<100096xf32, #tpu.memory_space<vmem_shared>> -> memref<100096xf32, #tpu.memory_space<vmem_shared>>
      tpu.enqueue_indirect_dma source(%arg33 : memref<4000xf32, #tpu.memory_space<vmem>>) target(%dma_start3A_195 : memref<100096xf32, #tpu.memory_space<vmem_shared>>) offsets(%arg20 : memref<4000xi32, #tpu.memory_space<vmem>>) semaphore(%arg38 : memref<!tpu.dma_semaphore, #tpu.memory_space<semaphore_mem>>) {add = true}
      %dma_start3A_196 = arith.constant 0 : i32
      %dma_start3A_197 = tpu.memref_slice %arg18[%dma_start3A_196] : memref<100096xf32, #tpu.memory_space<vmem_shared>> -> memref<100096xf32, #tpu.memory_space<vmem_shared>>
      tpu.enqueue_indirect_dma source(%arg30 : memref<4000xf32, #tpu.memory_space<vmem>>) target(%dma_start3A_197 : memref<100096xf32, #tpu.memory_space<vmem_shared>>) offsets(%arg21 : memref<4000xi32, #tpu.memory_space<vmem>>) semaphore(%arg38 : memref<!tpu.dma_semaphore, #tpu.memory_space<semaphore_mem>>) {add = true}
      %dma_start3A_198 = arith.constant 0 : i32
      %dma_start3A_199 = tpu.memref_slice %arg19[%dma_start3A_198] : memref<100096xf32, #tpu.memory_space<vmem_shared>> -> memref<100096xf32, #tpu.memory_space<vmem_shared>>
      tpu.enqueue_indirect_dma source(%arg34 : memref<4000xf32, #tpu.memory_space<vmem>>) target(%dma_start3A_199 : memref<100096xf32, #tpu.memory_space<vmem_shared>>) offsets(%arg20 : memref<4000xi32, #tpu.memory_space<vmem>>) semaphore(%arg38 : memref<!tpu.dma_semaphore, #tpu.memory_space<semaphore_mem>>) {add = true}
      %dma_start3A_200 = arith.constant 0 : i32
      %dma_start3A_201 = tpu.memref_slice %arg19[%dma_start3A_200] : memref<100096xf32, #tpu.memory_space<vmem_shared>> -> memref<100096xf32, #tpu.memory_space<vmem_shared>>
      tpu.enqueue_indirect_dma source(%arg31 : memref<4000xf32, #tpu.memory_space<vmem>>) target(%dma_start3A_201 : memref<100096xf32, #tpu.memory_space<vmem_shared>>) offsets(%arg21 : memref<4000xi32, #tpu.memory_space<vmem>>) semaphore(%arg38 : memref<!tpu.dma_semaphore, #tpu.memory_space<semaphore_mem>>) {add = true}
      %dma_wait3A_202 = arith.constant 0 : i32
      %dma_wait3A_203 = tpu.memref_slice %arg16[%dma_wait3A_202] : memref<100096xf32, #tpu.memory_space<vmem_shared>> -> memref<100096xf32, #tpu.memory_space<vmem_shared>>
      tpu.wait_indirect_dma semaphore(%arg38 : memref<!tpu.dma_semaphore, #tpu.memory_space<semaphore_mem>>) src(%arg28 : memref<4000xf32, #tpu.memory_space<vmem>>) dst(%dma_wait3A_203 : memref<100096xf32, #tpu.memory_space<vmem_shared>>)
      %dma_wait3A_204 = arith.constant 0 : i32
      %dma_wait3A_205 = tpu.memref_slice %arg16[%dma_wait3A_204] : memref<100096xf32, #tpu.memory_space<vmem_shared>> -> memref<100096xf32, #tpu.memory_space<vmem_shared>>
      tpu.wait_indirect_dma semaphore(%arg38 : memref<!tpu.dma_semaphore, #tpu.memory_space<semaphore_mem>>) src(%arg28 : memref<4000xf32, #tpu.memory_space<vmem>>) dst(%dma_wait3A_205 : memref<100096xf32, #tpu.memory_space<vmem_shared>>)
      %dma_wait3A_206 = arith.constant 0 : i32
      %dma_wait3A_207 = tpu.memref_slice %arg17[%dma_wait3A_206] : memref<100096xf32, #tpu.memory_space<vmem_shared>> -> memref<100096xf32, #tpu.memory_space<vmem_shared>>
      tpu.wait_indirect_dma semaphore(%arg38 : memref<!tpu.dma_semaphore, #tpu.memory_space<semaphore_mem>>) src(%arg32 : memref<4000xf32, #tpu.memory_space<vmem>>) dst(%dma_wait3A_207 : memref<100096xf32, #tpu.memory_space<vmem_shared>>)
      %dma_wait3A_208 = arith.constant 0 : i32
      %dma_wait3A_209 = tpu.memref_slice %arg17[%dma_wait3A_208] : memref<100096xf32, #tpu.memory_space<vmem_shared>> -> memref<100096xf32, #tpu.memory_space<vmem_shared>>
      tpu.wait_indirect_dma semaphore(%arg38 : memref<!tpu.dma_semaphore, #tpu.memory_space<semaphore_mem>>) src(%arg29 : memref<4000xf32, #tpu.memory_space<vmem>>) dst(%dma_wait3A_209 : memref<100096xf32, #tpu.memory_space<vmem_shared>>)
      %dma_wait3A_210 = arith.constant 0 : i32
      %dma_wait3A_211 = tpu.memref_slice %arg18[%dma_wait3A_210] : memref<100096xf32, #tpu.memory_space<vmem_shared>> -> memref<100096xf32, #tpu.memory_space<vmem_shared>>
      tpu.wait_indirect_dma semaphore(%arg38 : memref<!tpu.dma_semaphore, #tpu.memory_space<semaphore_mem>>) src(%arg33 : memref<4000xf32, #tpu.memory_space<vmem>>) dst(%dma_wait3A_211 : memref<100096xf32, #tpu.memory_space<vmem_shared>>)
      %dma_wait3A_212 = arith.constant 0 : i32
      %dma_wait3A_213 = tpu.memref_slice %arg18[%dma_wait3A_212] : memref<100096xf32, #tpu.memory_space<vmem_shared>> -> memref<100096xf32, #tpu.memory_space<vmem_shared>>
      tpu.wait_indirect_dma semaphore(%arg38 : memref<!tpu.dma_semaphore, #tpu.memory_space<semaphore_mem>>) src(%arg30 : memref<4000xf32, #tpu.memory_space<vmem>>) dst(%dma_wait3A_213 : memref<100096xf32, #tpu.memory_space<vmem_shared>>)
      %dma_wait3A_214 = arith.constant 0 : i32
      %dma_wait3A_215 = tpu.memref_slice %arg19[%dma_wait3A_214] : memref<100096xf32, #tpu.memory_space<vmem_shared>> -> memref<100096xf32, #tpu.memory_space<vmem_shared>>
      tpu.wait_indirect_dma semaphore(%arg38 : memref<!tpu.dma_semaphore, #tpu.memory_space<semaphore_mem>>) src(%arg34 : memref<4000xf32, #tpu.memory_space<vmem>>) dst(%dma_wait3A_215 : memref<100096xf32, #tpu.memory_space<vmem_shared>>)
      %dma_wait3A_216 = arith.constant 0 : i32
      %dma_wait3A_217 = tpu.memref_slice %arg19[%dma_wait3A_216] : memref<100096xf32, #tpu.memory_space<vmem_shared>> -> memref<100096xf32, #tpu.memory_space<vmem_shared>>
      tpu.wait_indirect_dma semaphore(%arg38 : memref<!tpu.dma_semaphore, #tpu.memory_space<semaphore_mem>>) src(%arg31 : memref<4000xf32, #tpu.memory_space<vmem>>) dst(%dma_wait3A_217 : memref<100096xf32, #tpu.memory_space<vmem_shared>>)
      scf.yield %scan3A_184 : vector<16xf32>
    }
    %scan3A_64 = arith.constant 50 : i32
    %swap3A = arith.constant 0 : index
    %swap3A_65 = tpu.vector_load %arg36[%swap3A] {strides = array<i32>} : memref<16xf32, #tpu.memory_space<vmem>>, vector<16xf32>,
    %swap3A_66 = vector.shape_cast %swap3A_65 : vector<16xf32> to vector<16xf32>
    %swap3A_67 = vector.shape_cast %scan3A_63 : vector<16xf32> to vector<16xf32>
    tpu.vector_store %arg36[%swap3A], %swap3A_67 {strides = array<i32>} : memref<16xf32, #tpu.memory_space<vmem>>, vector<16xf32>,
    %mul3A_68 = arith.constant 16 : i32
    %mul3A_69 = arith.muli %add3A, %mul3A_68 : i32
    "tpu.region"() ({
      %run_scoped3A = tpu.sem_alloc : memref<!tpu.dma_semaphore, #tpu.memory_space<semaphore_mem>>
      %dma_start3A = tpu.memref_slice %arg12[%mul3A_69] : memref<512xf32, #tpu.memory_space<hbm>> -> memref<16xf32, #tpu.memory_space<hbm>>
      %dma_start3A_151 = tpu.memref_slice %arg12[%mul3A_69] : memref<512xf32, #tpu.memory_space<hbm>> -> memref<16xf32, #tpu.memory_space<hbm>>
      tpu.enqueue_dma source(%arg36 : memref<16xf32, #tpu.memory_space<vmem>>) target(%dma_start3A_151 : memref<16xf32, #tpu.memory_space<hbm>>) target_semaphore(%run_scoped3A : memref<!tpu.dma_semaphore, #tpu.memory_space<semaphore_mem>>)
      %dma_wait3A = tpu.memref_slice %arg12[%mul3A_69] : memref<512xf32, #tpu.memory_space<hbm>> -> memref<16xf32, #tpu.memory_space<hbm>>
      %dma_wait3A_152 = tpu.memref_slice %arg12[%mul3A_69] : memref<512xf32, #tpu.memory_space<hbm>> -> memref<16xf32, #tpu.memory_space<hbm>>
      tpu.wait_dma2 semaphore(%run_scoped3A : memref<!tpu.dma_semaphore, #tpu.memory_space<semaphore_mem>>) src(%arg36 : memref<16xf32, #tpu.memory_space<vmem>>) dst(%dma_wait3A_152 : memref<16xf32, #tpu.memory_space<hbm>>)
      tpu.yield
    }) : () -> ()
    %barrier3A_70 = arith.constant 0 : index
    tpu.barrier barrier_id(%barrier3A_70)
    %add3A_71 = arith.constant 0 : i32
    %add3A_72 = arith.addi %mul3A_2, %add3A_71 : i32
    "tpu.region"() ({
      %run_scoped3A = tpu.sem_alloc : memref<!tpu.dma_semaphore, #tpu.memory_space<semaphore_mem>>
      %dma_start3A = arith.constant 0 : i32
      %dma_start3A_151 = tpu.memref_slice %arg35[%dma_start3A] : memref<2048xf32, #tpu.memory_space<vmem>> -> memref<2048xf32, #tpu.memory_space<vmem>>
      %dma_start3A_152 = tpu.memref_slice %arg16[%add3A_72] : memref<100096xf32, #tpu.memory_space<vmem_shared>> -> memref<2048xf32, #tpu.memory_space<vmem_shared>>
      %dma_start3A_153 = arith.constant 0 : i32
      %dma_start3A_154 = tpu.memref_slice %arg35[%dma_start3A_153] : memref<2048xf32, #tpu.memory_space<vmem>> -> memref<2048xf32, #tpu.memory_space<vmem>>
      %dma_start3A_155 = tpu.memref_slice %arg16[%add3A_72] : memref<100096xf32, #tpu.memory_space<vmem_shared>> -> memref<2048xf32, #tpu.memory_space<vmem_shared>>
      tpu.enqueue_dma source(%dma_start3A_155 : memref<2048xf32, #tpu.memory_space<vmem_shared>>) target(%dma_start3A_154 : memref<2048xf32, #tpu.memory_space<vmem>>) target_semaphore(%run_scoped3A : memref<!tpu.dma_semaphore, #tpu.memory_space<semaphore_mem>>)
      %dma_wait3A = arith.constant 0 : i32
      %dma_wait3A_156 = tpu.memref_slice %arg35[%dma_wait3A] : memref<2048xf32, #tpu.memory_space<vmem>> -> memref<2048xf32, #tpu.memory_space<vmem>>
      %dma_wait3A_157 = tpu.memref_slice %arg16[%add3A_72] : memref<100096xf32, #tpu.memory_space<vmem_shared>> -> memref<2048xf32, #tpu.memory_space<vmem_shared>>
      %dma_wait3A_158 = arith.constant 0 : i32
      %dma_wait3A_159 = tpu.memref_slice %arg35[%dma_wait3A_158] : memref<2048xf32, #tpu.memory_space<vmem>> -> memref<2048xf32, #tpu.memory_space<vmem>>
      %dma_wait3A_160 = tpu.memref_slice %arg16[%add3A_72] : memref<100096xf32, #tpu.memory_space<vmem_shared>> -> memref<2048xf32, #tpu.memory_space<vmem_shared>>
      tpu.wait_dma2 semaphore(%run_scoped3A : memref<!tpu.dma_semaphore, #tpu.memory_space<semaphore_mem>>) src(%dma_wait3A_160 : memref<2048xf32, #tpu.memory_space<vmem_shared>>) dst(%dma_wait3A_159 : memref<2048xf32, #tpu.memory_space<vmem>>)
      tpu.yield
    }) : () -> ()
    %mul3A_73 = arith.constant 100096 : i32
    %mul3A_74 = arith.muli %arg0, %mul3A_73 : i32
    %add3A_75 = arith.addi %mul3A_74, %add3A_72 : i32
    "tpu.region"() ({
      %run_scoped3A = tpu.sem_alloc : memref<!tpu.dma_semaphore, #tpu.memory_space<semaphore_mem>>
      %dma_start3A = arith.constant 0 : i32
      %dma_start3A_151 = tpu.memref_slice %arg35[%dma_start3A] : memref<2048xf32, #tpu.memory_space<vmem>> -> memref<2048xf32, #tpu.memory_space<vmem>>
      %dma_start3A_152 = tpu.memref_slice %arg8[%add3A_75] : memref<200192xf32, #tpu.memory_space<hbm>> -> memref<2048xf32, #tpu.memory_space<hbm>>
      %dma_start3A_153 = tpu.memref_slice %arg8[%add3A_75] : memref<200192xf32, #tpu.memory_space<hbm>> -> memref<2048xf32, #tpu.memory_space<hbm>>
      %dma_start3A_154 = arith.constant 0 : i32
      %dma_start3A_155 = tpu.memref_slice %arg35[%dma_start3A_154] : memref<2048xf32, #tpu.memory_space<vmem>> -> memref<2048xf32, #tpu.memory_space<vmem>>
      tpu.enqueue_dma source(%dma_start3A_155 : memref<2048xf32, #tpu.memory_space<vmem>>) target(%dma_start3A_153 : memref<2048xf32, #tpu.memory_space<hbm>>) target_semaphore(%run_scoped3A : memref<!tpu.dma_semaphore, #tpu.memory_space<semaphore_mem>>)
      %dma_wait3A = arith.constant 0 : i32
      %dma_wait3A_156 = tpu.memref_slice %arg35[%dma_wait3A] : memref<2048xf32, #tpu.memory_space<vmem>> -> memref<2048xf32, #tpu.memory_space<vmem>>
      %dma_wait3A_157 = tpu.memref_slice %arg8[%add3A_75] : memref<200192xf32, #tpu.memory_space<hbm>> -> memref<2048xf32, #tpu.memory_space<hbm>>
      %dma_wait3A_158 = tpu.memref_slice %arg8[%add3A_75] : memref<200192xf32, #tpu.memory_space<hbm>> -> memref<2048xf32, #tpu.memory_space<hbm>>
      %dma_wait3A_159 = arith.constant 0 : i32
      %dma_wait3A_160 = tpu.memref_slice %arg35[%dma_wait3A_159] : memref<2048xf32, #tpu.memory_space<vmem>> -> memref<2048xf32, #tpu.memory_space<vmem>>
      tpu.wait_dma2 semaphore(%run_scoped3A : memref<!tpu.dma_semaphore, #tpu.memory_space<semaphore_mem>>) src(%dma_wait3A_160 : memref<2048xf32, #tpu.memory_space<vmem>>) dst(%dma_wait3A_158 : memref<2048xf32, #tpu.memory_space<hbm>>)
      tpu.yield
    }) : () -> ()
    %add3A_76 = arith.constant 2048 : i32
    %add3A_77 = arith.addi %mul3A_2, %add3A_76 : i32
    "tpu.region"() ({
      %run_scoped3A = tpu.sem_alloc : memref<!tpu.dma_semaphore, #tpu.memory_space<semaphore_mem>>
      %dma_start3A = arith.constant 0 : i32
      %dma_start3A_151 = tpu.memref_slice %arg35[%dma_start3A] : memref<2048xf32, #tpu.memory_space<vmem>> -> memref<2048xf32, #tpu.memory_space<vmem>>
      %dma_start3A_152 = tpu.memref_slice %arg16[%add3A_77] : memref<100096xf32, #tpu.memory_space<vmem_shared>> -> memref<2048xf32, #tpu.memory_space<vmem_shared>>
      %dma_start3A_153 = arith.constant 0 : i32
      %dma_start3A_154 = tpu.memref_slice %arg35[%dma_start3A_153] : memref<2048xf32, #tpu.memory_space<vmem>> -> memref<2048xf32, #tpu.memory_space<vmem>>
      %dma_start3A_155 = tpu.memref_slice %arg16[%add3A_77] : memref<100096xf32, #tpu.memory_space<vmem_shared>> -> memref<2048xf32, #tpu.memory_space<vmem_shared>>
      tpu.enqueue_dma source(%dma_start3A_155 : memref<2048xf32, #tpu.memory_space<vmem_shared>>) target(%dma_start3A_154 : memref<2048xf32, #tpu.memory_space<vmem>>) target_semaphore(%run_scoped3A : memref<!tpu.dma_semaphore, #tpu.memory_space<semaphore_mem>>)
      %dma_wait3A = arith.constant 0 : i32
      %dma_wait3A_156 = tpu.memref_slice %arg35[%dma_wait3A] : memref<2048xf32, #tpu.memory_space<vmem>> -> memref<2048xf32, #tpu.memory_space<vmem>>
      %dma_wait3A_157 = tpu.memref_slice %arg16[%add3A_77] : memref<100096xf32, #tpu.memory_space<vmem_shared>> -> memref<2048xf32, #tpu.memory_space<vmem_shared>>
      %dma_wait3A_158 = arith.constant 0 : i32
      %dma_wait3A_159 = tpu.memref_slice %arg35[%dma_wait3A_158] : memref<2048xf32, #tpu.memory_space<vmem>> -> memref<2048xf32, #tpu.memory_space<vmem>>
      %dma_wait3A_160 = tpu.memref_slice %arg16[%add3A_77] : memref<100096xf32, #tpu.memory_space<vmem_shared>> -> memref<2048xf32, #tpu.memory_space<vmem_shared>>
      tpu.wait_dma2 semaphore(%run_scoped3A : memref<!tpu.dma_semaphore, #tpu.memory_space<semaphore_mem>>) src(%dma_wait3A_160 : memref<2048xf32, #tpu.memory_space<vmem_shared>>) dst(%dma_wait3A_159 : memref<2048xf32, #tpu.memory_space<vmem>>)
      tpu.yield
    }) : () -> ()
    %mul3A_78 = arith.constant 100096 : i32
    %mul3A_79 = arith.muli %arg0, %mul3A_78 : i32
    %add3A_80 = arith.addi %mul3A_79, %add3A_77 : i32
    "tpu.region"() ({
      %run_scoped3A = tpu.sem_alloc : memref<!tpu.dma_semaphore, #tpu.memory_space<semaphore_mem>>
      %dma_start3A = arith.constant 0 : i32
      %dma_start3A_151 = tpu.memref_slice %arg35[%dma_start3A] : memref<2048xf32, #tpu.memory_space<vmem>> -> memref<2048xf32, #tpu.memory_space<vmem>>
      %dma_start3A_152 = tpu.memref_slice %arg8[%add3A_80] : memref<200192xf32, #tpu.memory_space<hbm>> -> memref<2048xf32, #tpu.memory_space<hbm>>
      %dma_start3A_153 = tpu.memref_slice %arg8[%add3A_80] : memref<200192xf32, #tpu.memory_space<hbm>> -> memref<2048xf32, #tpu.memory_space<hbm>>
      %dma_start3A_154 = arith.constant 0 : i32
      %dma_start3A_155 = tpu.memref_slice %arg35[%dma_start3A_154] : memref<2048xf32, #tpu.memory_space<vmem>> -> memref<2048xf32, #tpu.memory_space<vmem>>
      tpu.enqueue_dma source(%dma_start3A_155 : memref<2048xf32, #tpu.memory_space<vmem>>) target(%dma_start3A_153 : memref<2048xf32, #tpu.memory_space<hbm>>) target_semaphore(%run_scoped3A : memref<!tpu.dma_semaphore, #tpu.memory_space<semaphore_mem>>)
      %dma_wait3A = arith.constant 0 : i32
      %dma_wait3A_156 = tpu.memref_slice %arg35[%dma_wait3A] : memref<2048xf32, #tpu.memory_space<vmem>> -> memref<2048xf32, #tpu.memory_space<vmem>>
      %dma_wait3A_157 = tpu.memref_slice %arg8[%add3A_80] : memref<200192xf32, #tpu.memory_space<hbm>> -> memref<2048xf32, #tpu.memory_space<hbm>>
      %dma_wait3A_158 = tpu.memref_slice %arg8[%add3A_80] : memref<200192xf32, #tpu.memory_space<hbm>> -> memref<2048xf32, #tpu.memory_space<hbm>>
      %dma_wait3A_159 = arith.constant 0 : i32
      %dma_wait3A_160 = tpu.memref_slice %arg35[%dma_wait3A_159] : memref<2048xf32, #tpu.memory_space<vmem>> -> memref<2048xf32, #tpu.memory_space<vmem>>
      tpu.wait_dma2 semaphore(%run_scoped3A : memref<!tpu.dma_semaphore, #tpu.memory_space<semaphore_mem>>) src(%dma_wait3A_160 : memref<2048xf32, #tpu.memory_space<vmem>>) dst(%dma_wait3A_158 : memref<2048xf32, #tpu.memory_space<hbm>>)
      tpu.yield
    }) : () -> ()
    %add3A_81 = arith.constant 4096 : i32
    %add3A_82 = arith.addi %mul3A_2, %add3A_81 : i32
    "tpu.region"() ({
      %run_scoped3A = tpu.sem_alloc : memref<!tpu.dma_semaphore, #tpu.memory_space<semaphore_mem>>
      %dma_start3A = arith.constant 0 : i32
      %dma_start3A_151 = tpu.memref_slice %arg35[%dma_start3A] : memref<2048xf32, #tpu.memory_space<vmem>> -> memref<2048xf32, #tpu.memory_space<vmem>>
      %dma_start3A_152 = tpu.memref_slice %arg16[%add3A_82] : memref<100096xf32, #tpu.memory_space<vmem_shared>> -> memref<2048xf32, #tpu.memory_space<vmem_shared>>
      %dma_start3A_153 = arith.constant 0 : i32
      %dma_start3A_154 = tpu.memref_slice %arg35[%dma_start3A_153] : memref<2048xf32, #tpu.memory_space<vmem>> -> memref<2048xf32, #tpu.memory_space<vmem>>
      %dma_start3A_155 = tpu.memref_slice %arg16[%add3A_82] : memref<100096xf32, #tpu.memory_space<vmem_shared>> -> memref<2048xf32, #tpu.memory_space<vmem_shared>>
      tpu.enqueue_dma source(%dma_start3A_155 : memref<2048xf32, #tpu.memory_space<vmem_shared>>) target(%dma_start3A_154 : memref<2048xf32, #tpu.memory_space<vmem>>) target_semaphore(%run_scoped3A : memref<!tpu.dma_semaphore, #tpu.memory_space<semaphore_mem>>)
      %dma_wait3A = arith.constant 0 : i32
      %dma_wait3A_156 = tpu.memref_slice %arg35[%dma_wait3A] : memref<2048xf32, #tpu.memory_space<vmem>> -> memref<2048xf32, #tpu.memory_space<vmem>>
      %dma_wait3A_157 = tpu.memref_slice %arg16[%add3A_82] : memref<100096xf32, #tpu.memory_space<vmem_shared>> -> memref<2048xf32, #tpu.memory_space<vmem_shared>>
      %dma_wait3A_158 = arith.constant 0 : i32
      %dma_wait3A_159 = tpu.memref_slice %arg35[%dma_wait3A_158] : memref<2048xf32, #tpu.memory_space<vmem>> -> memref<2048xf32, #tpu.memory_space<vmem>>
      %dma_wait3A_160 = tpu.memref_slice %arg16[%add3A_82] : memref<100096xf32, #tpu.memory_space<vmem_shared>> -> memref<2048xf32, #tpu.memory_space<vmem_shared>>
      tpu.wait_dma2 semaphore(%run_scoped3A : memref<!tpu.dma_semaphore, #tpu.memory_space<semaphore_mem>>) src(%dma_wait3A_160 : memref<2048xf32, #tpu.memory_space<vmem_shared>>) dst(%dma_wait3A_159 : memref<2048xf32, #tpu.memory_space<vmem>>)
      tpu.yield
    }) : () -> ()
    %mul3A_83 = arith.constant 100096 : i32
    %mul3A_84 = arith.muli %arg0, %mul3A_83 : i32
    %add3A_85 = arith.addi %mul3A_84, %add3A_82 : i32
    "tpu.region"() ({
      %run_scoped3A = tpu.sem_alloc : memref<!tpu.dma_semaphore, #tpu.memory_space<semaphore_mem>>
      %dma_start3A = arith.constant 0 : i32
      %dma_start3A_151 = tpu.memref_slice %arg35[%dma_start3A] : memref<2048xf32, #tpu.memory_space<vmem>> -> memref<2048xf32, #tpu.memory_space<vmem>>
      %dma_start3A_152 = tpu.memref_slice %arg8[%add3A_85] : memref<200192xf32, #tpu.memory_space<hbm>> -> memref<2048xf32, #tpu.memory_space<hbm>>
      %dma_start3A_153 = tpu.memref_slice %arg8[%add3A_85] : memref<200192xf32, #tpu.memory_space<hbm>> -> memref<2048xf32, #tpu.memory_space<hbm>>
      %dma_start3A_154 = arith.constant 0 : i32
      %dma_start3A_155 = tpu.memref_slice %arg35[%dma_start3A_154] : memref<2048xf32, #tpu.memory_space<vmem>> -> memref<2048xf32, #tpu.memory_space<vmem>>
      tpu.enqueue_dma source(%dma_start3A_155 : memref<2048xf32, #tpu.memory_space<vmem>>) target(%dma_start3A_153 : memref<2048xf32, #tpu.memory_space<hbm>>) target_semaphore(%run_scoped3A : memref<!tpu.dma_semaphore, #tpu.memory_space<semaphore_mem>>)
      %dma_wait3A = arith.constant 0 : i32
      %dma_wait3A_156 = tpu.memref_slice %arg35[%dma_wait3A] : memref<2048xf32, #tpu.memory_space<vmem>> -> memref<2048xf32, #tpu.memory_space<vmem>>
      %dma_wait3A_157 = tpu.memref_slice %arg8[%add3A_85] : memref<200192xf32, #tpu.memory_space<hbm>> -> memref<2048xf32, #tpu.memory_space<hbm>>
      %dma_wait3A_158 = tpu.memref_slice %arg8[%add3A_85] : memref<200192xf32, #tpu.memory_space<hbm>> -> memref<2048xf32, #tpu.memory_space<hbm>>
      %dma_wait3A_159 = arith.constant 0 : i32
      %dma_wait3A_160 = tpu.memref_slice %arg35[%dma_wait3A_159] : memref<2048xf32, #tpu.memory_space<vmem>> -> memref<2048xf32, #tpu.memory_space<vmem>>
      tpu.wait_dma2 semaphore(%run_scoped3A : memref<!tpu.dma_semaphore, #tpu.memory_space<semaphore_mem>>) src(%dma_wait3A_160 : memref<2048xf32, #tpu.memory_space<vmem>>) dst(%dma_wait3A_158 : memref<2048xf32, #tpu.memory_space<hbm>>)
      tpu.yield
    }) : () -> ()
    %add3A_86 = arith.constant 6144 : i32
    %add3A_87 = arith.addi %mul3A_2, %add3A_86 : i32
    "tpu.region"() ({
      %run_scoped3A = tpu.sem_alloc : memref<!tpu.dma_semaphore, #tpu.memory_space<semaphore_mem>>
      %dma_start3A = arith.constant 0 : i32
      %dma_start3A_151 = tpu.memref_slice %arg35[%dma_start3A] : memref<2048xf32, #tpu.memory_space<vmem>> -> memref<112xf32, #tpu.memory_space<vmem>>
      %dma_start3A_152 = tpu.memref_slice %arg16[%add3A_87] : memref<100096xf32, #tpu.memory_space<vmem_shared>> -> memref<112xf32, #tpu.memory_space<vmem_shared>>
      %dma_start3A_153 = arith.constant 0 : i32
      %dma_start3A_154 = tpu.memref_slice %arg35[%dma_start3A_153] : memref<2048xf32, #tpu.memory_space<vmem>> -> memref<112xf32, #tpu.memory_space<vmem>>
      %dma_start3A_155 = tpu.memref_slice %arg16[%add3A_87] : memref<100096xf32, #tpu.memory_space<vmem_shared>> -> memref<112xf32, #tpu.memory_space<vmem_shared>>
      tpu.enqueue_dma source(%dma_start3A_155 : memref<112xf32, #tpu.memory_space<vmem_shared>>) target(%dma_start3A_154 : memref<112xf32, #tpu.memory_space<vmem>>) target_semaphore(%run_scoped3A : memref<!tpu.dma_semaphore, #tpu.memory_space<semaphore_mem>>)
      %dma_wait3A = arith.constant 0 : i32
      %dma_wait3A_156 = tpu.memref_slice %arg35[%dma_wait3A] : memref<2048xf32, #tpu.memory_space<vmem>> -> memref<112xf32, #tpu.memory_space<vmem>>
      %dma_wait3A_157 = tpu.memref_slice %arg16[%add3A_87] : memref<100096xf32, #tpu.memory_space<vmem_shared>> -> memref<112xf32, #tpu.memory_space<vmem_shared>>
      %dma_wait3A_158 = arith.constant 0 : i32
      %dma_wait3A_159 = tpu.memref_slice %arg35[%dma_wait3A_158] : memref<2048xf32, #tpu.memory_space<vmem>> -> memref<112xf32, #tpu.memory_space<vmem>>
      %dma_wait3A_160 = tpu.memref_slice %arg16[%add3A_87] : memref<100096xf32, #tpu.memory_space<vmem_shared>> -> memref<112xf32, #tpu.memory_space<vmem_shared>>
      tpu.wait_dma2 semaphore(%run_scoped3A : memref<!tpu.dma_semaphore, #tpu.memory_space<semaphore_mem>>) src(%dma_wait3A_160 : memref<112xf32, #tpu.memory_space<vmem_shared>>) dst(%dma_wait3A_159 : memref<112xf32, #tpu.memory_space<vmem>>)
      tpu.yield
    }) : () -> ()
    %mul3A_88 = arith.constant 100096 : i32
    %mul3A_89 = arith.muli %arg0, %mul3A_88 : i32
    %add3A_90 = arith.addi %mul3A_89, %add3A_87 : i32
    "tpu.region"() ({
      %run_scoped3A = tpu.sem_alloc : memref<!tpu.dma_semaphore, #tpu.memory_space<semaphore_mem>>
      %dma_start3A = arith.constant 0 : i32
      %dma_start3A_151 = tpu.memref_slice %arg35[%dma_start3A] : memref<2048xf32, #tpu.memory_space<vmem>> -> memref<112xf32, #tpu.memory_space<vmem>>
      %dma_start3A_152 = tpu.memref_slice %arg8[%add3A_90] : memref<200192xf32, #tpu.memory_space<hbm>> -> memref<112xf32, #tpu.memory_space<hbm>>
      %dma_start3A_153 = tpu.memref_slice %arg8[%add3A_90] : memref<200192xf32, #tpu.memory_space<hbm>> -> memref<112xf32, #tpu.memory_space<hbm>>
      %dma_start3A_154 = arith.constant 0 : i32
      %dma_start3A_155 = tpu.memref_slice %arg35[%dma_start3A_154] : memref<2048xf32, #tpu.memory_space<vmem>> -> memref<112xf32, #tpu.memory_space<vmem>>
      tpu.enqueue_dma source(%dma_start3A_155 : memref<112xf32, #tpu.memory_space<vmem>>) target(%dma_start3A_153 : memref<112xf32, #tpu.memory_space<hbm>>) target_semaphore(%run_scoped3A : memref<!tpu.dma_semaphore, #tpu.memory_space<semaphore_mem>>)
      %dma_wait3A = arith.constant 0 : i32
      %dma_wait3A_156 = tpu.memref_slice %arg35[%dma_wait3A] : memref<2048xf32, #tpu.memory_space<vmem>> -> memref<112xf32, #tpu.memory_space<vmem>>
      %dma_wait3A_157 = tpu.memref_slice %arg8[%add3A_90] : memref<200192xf32, #tpu.memory_space<hbm>> -> memref<112xf32, #tpu.memory_space<hbm>>
      %dma_wait3A_158 = tpu.memref_slice %arg8[%add3A_90] : memref<200192xf32, #tpu.memory_space<hbm>> -> memref<112xf32, #tpu.memory_space<hbm>>
      %dma_wait3A_159 = arith.constant 0 : i32
      %dma_wait3A_160 = tpu.memref_slice %arg35[%dma_wait3A_159] : memref<2048xf32, #tpu.memory_space<vmem>> -> memref<112xf32, #tpu.memory_space<vmem>>
      tpu.wait_dma2 semaphore(%run_scoped3A : memref<!tpu.dma_semaphore, #tpu.memory_space<semaphore_mem>>) src(%dma_wait3A_160 : memref<112xf32, #tpu.memory_space<vmem>>) dst(%dma_wait3A_158 : memref<112xf32, #tpu.memory_space<hbm>>)
      tpu.yield
    }) : () -> ()
    %add3A_91 = arith.constant 0 : i32
    %add3A_92 = arith.addi %mul3A_2, %add3A_91 : i32
    "tpu.region"() ({
      %run_scoped3A = tpu.sem_alloc : memref<!tpu.dma_semaphore, #tpu.memory_space<semaphore_mem>>
      %dma_start3A = arith.constant 0 : i32
      %dma_start3A_151 = tpu.memref_slice %arg35[%dma_start3A] : memref<2048xf32, #tpu.memory_space<vmem>> -> memref<2048xf32, #tpu.memory_space<vmem>>
      %dma_start3A_152 = tpu.memref_slice %arg17[%add3A_92] : memref<100096xf32, #tpu.memory_space<vmem_shared>> -> memref<2048xf32, #tpu.memory_space<vmem_shared>>
      %dma_start3A_153 = arith.constant 0 : i32
      %dma_start3A_154 = tpu.memref_slice %arg35[%dma_start3A_153] : memref<2048xf32, #tpu.memory_space<vmem>> -> memref<2048xf32, #tpu.memory_space<vmem>>
      %dma_start3A_155 = tpu.memref_slice %arg17[%add3A_92] : memref<100096xf32, #tpu.memory_space<vmem_shared>> -> memref<2048xf32, #tpu.memory_space<vmem_shared>>
      tpu.enqueue_dma source(%dma_start3A_155 : memref<2048xf32, #tpu.memory_space<vmem_shared>>) target(%dma_start3A_154 : memref<2048xf32, #tpu.memory_space<vmem>>) target_semaphore(%run_scoped3A : memref<!tpu.dma_semaphore, #tpu.memory_space<semaphore_mem>>)
      %dma_wait3A = arith.constant 0 : i32
      %dma_wait3A_156 = tpu.memref_slice %arg35[%dma_wait3A] : memref<2048xf32, #tpu.memory_space<vmem>> -> memref<2048xf32, #tpu.memory_space<vmem>>
      %dma_wait3A_157 = tpu.memref_slice %arg17[%add3A_92] : memref<100096xf32, #tpu.memory_space<vmem_shared>> -> memref<2048xf32, #tpu.memory_space<vmem_shared>>
      %dma_wait3A_158 = arith.constant 0 : i32
      %dma_wait3A_159 = tpu.memref_slice %arg35[%dma_wait3A_158] : memref<2048xf32, #tpu.memory_space<vmem>> -> memref<2048xf32, #tpu.memory_space<vmem>>
      %dma_wait3A_160 = tpu.memref_slice %arg17[%add3A_92] : memref<100096xf32, #tpu.memory_space<vmem_shared>> -> memref<2048xf32, #tpu.memory_space<vmem_shared>>
      tpu.wait_dma2 semaphore(%run_scoped3A : memref<!tpu.dma_semaphore, #tpu.memory_space<semaphore_mem>>) src(%dma_wait3A_160 : memref<2048xf32, #tpu.memory_space<vmem_shared>>) dst(%dma_wait3A_159 : memref<2048xf32, #tpu.memory_space<vmem>>)
      tpu.yield
    }) : () -> ()
    %mul3A_93 = arith.constant 100096 : i32
    %mul3A_94 = arith.muli %arg0, %mul3A_93 : i32
    %add3A_95 = arith.addi %mul3A_94, %add3A_92 : i32
    "tpu.region"() ({
      %run_scoped3A = tpu.sem_alloc : memref<!tpu.dma_semaphore, #tpu.memory_space<semaphore_mem>>
      %dma_start3A = arith.constant 0 : i32
      %dma_start3A_151 = tpu.memref_slice %arg35[%dma_start3A] : memref<2048xf32, #tpu.memory_space<vmem>> -> memref<2048xf32, #tpu.memory_space<vmem>>
      %dma_start3A_152 = tpu.memref_slice %arg9[%add3A_95] : memref<200192xf32, #tpu.memory_space<hbm>> -> memref<2048xf32, #tpu.memory_space<hbm>>
      %dma_start3A_153 = tpu.memref_slice %arg9[%add3A_95] : memref<200192xf32, #tpu.memory_space<hbm>> -> memref<2048xf32, #tpu.memory_space<hbm>>
      %dma_start3A_154 = arith.constant 0 : i32
      %dma_start3A_155 = tpu.memref_slice %arg35[%dma_start3A_154] : memref<2048xf32, #tpu.memory_space<vmem>> -> memref<2048xf32, #tpu.memory_space<vmem>>
      tpu.enqueue_dma source(%dma_start3A_155 : memref<2048xf32, #tpu.memory_space<vmem>>) target(%dma_start3A_153 : memref<2048xf32, #tpu.memory_space<hbm>>) target_semaphore(%run_scoped3A : memref<!tpu.dma_semaphore, #tpu.memory_space<semaphore_mem>>)
      %dma_wait3A = arith.constant 0 : i32
      %dma_wait3A_156 = tpu.memref_slice %arg35[%dma_wait3A] : memref<2048xf32, #tpu.memory_space<vmem>> -> memref<2048xf32, #tpu.memory_space<vmem>>
      %dma_wait3A_157 = tpu.memref_slice %arg9[%add3A_95] : memref<200192xf32, #tpu.memory_space<hbm>> -> memref<2048xf32, #tpu.memory_space<hbm>>
      %dma_wait3A_158 = tpu.memref_slice %arg9[%add3A_95] : memref<200192xf32, #tpu.memory_space<hbm>> -> memref<2048xf32, #tpu.memory_space<hbm>>
      %dma_wait3A_159 = arith.constant 0 : i32
      %dma_wait3A_160 = tpu.memref_slice %arg35[%dma_wait3A_159] : memref<2048xf32, #tpu.memory_space<vmem>> -> memref<2048xf32, #tpu.memory_space<vmem>>
      tpu.wait_dma2 semaphore(%run_scoped3A : memref<!tpu.dma_semaphore, #tpu.memory_space<semaphore_mem>>) src(%dma_wait3A_160 : memref<2048xf32, #tpu.memory_space<vmem>>) dst(%dma_wait3A_158 : memref<2048xf32, #tpu.memory_space<hbm>>)
      tpu.yield
    }) : () -> ()
    %add3A_96 = arith.constant 2048 : i32
    %add3A_97 = arith.addi %mul3A_2, %add3A_96 : i32
    "tpu.region"() ({
      %run_scoped3A = tpu.sem_alloc : memref<!tpu.dma_semaphore, #tpu.memory_space<semaphore_mem>>
      %dma_start3A = arith.constant 0 : i32
      %dma_start3A_151 = tpu.memref_slice %arg35[%dma_start3A] : memref<2048xf32, #tpu.memory_space<vmem>> -> memref<2048xf32, #tpu.memory_space<vmem>>
      %dma_start3A_152 = tpu.memref_slice %arg17[%add3A_97] : memref<100096xf32, #tpu.memory_space<vmem_shared>> -> memref<2048xf32, #tpu.memory_space<vmem_shared>>
      %dma_start3A_153 = arith.constant 0 : i32
      %dma_start3A_154 = tpu.memref_slice %arg35[%dma_start3A_153] : memref<2048xf32, #tpu.memory_space<vmem>> -> memref<2048xf32, #tpu.memory_space<vmem>>
      %dma_start3A_155 = tpu.memref_slice %arg17[%add3A_97] : memref<100096xf32, #tpu.memory_space<vmem_shared>> -> memref<2048xf32, #tpu.memory_space<vmem_shared>>
      tpu.enqueue_dma source(%dma_start3A_155 : memref<2048xf32, #tpu.memory_space<vmem_shared>>) target(%dma_start3A_154 : memref<2048xf32, #tpu.memory_space<vmem>>) target_semaphore(%run_scoped3A : memref<!tpu.dma_semaphore, #tpu.memory_space<semaphore_mem>>)
      %dma_wait3A = arith.constant 0 : i32
      %dma_wait3A_156 = tpu.memref_slice %arg35[%dma_wait3A] : memref<2048xf32, #tpu.memory_space<vmem>> -> memref<2048xf32, #tpu.memory_space<vmem>>
      %dma_wait3A_157 = tpu.memref_slice %arg17[%add3A_97] : memref<100096xf32, #tpu.memory_space<vmem_shared>> -> memref<2048xf32, #tpu.memory_space<vmem_shared>>
      %dma_wait3A_158 = arith.constant 0 : i32
      %dma_wait3A_159 = tpu.memref_slice %arg35[%dma_wait3A_158] : memref<2048xf32, #tpu.memory_space<vmem>> -> memref<2048xf32, #tpu.memory_space<vmem>>
      %dma_wait3A_160 = tpu.memref_slice %arg17[%add3A_97] : memref<100096xf32, #tpu.memory_space<vmem_shared>> -> memref<2048xf32, #tpu.memory_space<vmem_shared>>
      tpu.wait_dma2 semaphore(%run_scoped3A : memref<!tpu.dma_semaphore, #tpu.memory_space<semaphore_mem>>) src(%dma_wait3A_160 : memref<2048xf32, #tpu.memory_space<vmem_shared>>) dst(%dma_wait3A_159 : memref<2048xf32, #tpu.memory_space<vmem>>)
      tpu.yield
    }) : () -> ()
    %mul3A_98 = arith.constant 100096 : i32
    %mul3A_99 = arith.muli %arg0, %mul3A_98 : i32
    %add3A_100 = arith.addi %mul3A_99, %add3A_97 : i32
    "tpu.region"() ({
      %run_scoped3A = tpu.sem_alloc : memref<!tpu.dma_semaphore, #tpu.memory_space<semaphore_mem>>
      %dma_start3A = arith.constant 0 : i32
      %dma_start3A_151 = tpu.memref_slice %arg35[%dma_start3A] : memref<2048xf32, #tpu.memory_space<vmem>> -> memref<2048xf32, #tpu.memory_space<vmem>>
      %dma_start3A_152 = tpu.memref_slice %arg9[%add3A_100] : memref<200192xf32, #tpu.memory_space<hbm>> -> memref<2048xf32, #tpu.memory_space<hbm>>
      %dma_start3A_153 = tpu.memref_slice %arg9[%add3A_100] : memref<200192xf32, #tpu.memory_space<hbm>> -> memref<2048xf32, #tpu.memory_space<hbm>>
      %dma_start3A_154 = arith.constant 0 : i32
      %dma_start3A_155 = tpu.memref_slice %arg35[%dma_start3A_154] : memref<2048xf32, #tpu.memory_space<vmem>> -> memref<2048xf32, #tpu.memory_space<vmem>>
      tpu.enqueue_dma source(%dma_start3A_155 : memref<2048xf32, #tpu.memory_space<vmem>>) target(%dma_start3A_153 : memref<2048xf32, #tpu.memory_space<hbm>>) target_semaphore(%run_scoped3A : memref<!tpu.dma_semaphore, #tpu.memory_space<semaphore_mem>>)
      %dma_wait3A = arith.constant 0 : i32
      %dma_wait3A_156 = tpu.memref_slice %arg35[%dma_wait3A] : memref<2048xf32, #tpu.memory_space<vmem>> -> memref<2048xf32, #tpu.memory_space<vmem>>
      %dma_wait3A_157 = tpu.memref_slice %arg9[%add3A_100] : memref<200192xf32, #tpu.memory_space<hbm>> -> memref<2048xf32, #tpu.memory_space<hbm>>
      %dma_wait3A_158 = tpu.memref_slice %arg9[%add3A_100] : memref<200192xf32, #tpu.memory_space<hbm>> -> memref<2048xf32, #tpu.memory_space<hbm>>
      %dma_wait3A_159 = arith.constant 0 : i32
      %dma_wait3A_160 = tpu.memref_slice %arg35[%dma_wait3A_159] : memref<2048xf32, #tpu.memory_space<vmem>> -> memref<2048xf32, #tpu.memory_space<vmem>>
      tpu.wait_dma2 semaphore(%run_scoped3A : memref<!tpu.dma_semaphore, #tpu.memory_space<semaphore_mem>>) src(%dma_wait3A_160 : memref<2048xf32, #tpu.memory_space<vmem>>) dst(%dma_wait3A_158 : memref<2048xf32, #tpu.memory_space<hbm>>)
      tpu.yield
    }) : () -> ()
    %add3A_101 = arith.constant 4096 : i32
    %add3A_102 = arith.addi %mul3A_2, %add3A_101 : i32
    "tpu.region"() ({
      %run_scoped3A = tpu.sem_alloc : memref<!tpu.dma_semaphore, #tpu.memory_space<semaphore_mem>>
      %dma_start3A = arith.constant 0 : i32
      %dma_start3A_151 = tpu.memref_slice %arg35[%dma_start3A] : memref<2048xf32, #tpu.memory_space<vmem>> -> memref<2048xf32, #tpu.memory_space<vmem>>
      %dma_start3A_152 = tpu.memref_slice %arg17[%add3A_102] : memref<100096xf32, #tpu.memory_space<vmem_shared>> -> memref<2048xf32, #tpu.memory_space<vmem_shared>>
      %dma_start3A_153 = arith.constant 0 : i32
      %dma_start3A_154 = tpu.memref_slice %arg35[%dma_start3A_153] : memref<2048xf32, #tpu.memory_space<vmem>> -> memref<2048xf32, #tpu.memory_space<vmem>>
      %dma_start3A_155 = tpu.memref_slice %arg17[%add3A_102] : memref<100096xf32, #tpu.memory_space<vmem_shared>> -> memref<2048xf32, #tpu.memory_space<vmem_shared>>
      tpu.enqueue_dma source(%dma_start3A_155 : memref<2048xf32, #tpu.memory_space<vmem_shared>>) target(%dma_start3A_154 : memref<2048xf32, #tpu.memory_space<vmem>>) target_semaphore(%run_scoped3A : memref<!tpu.dma_semaphore, #tpu.memory_space<semaphore_mem>>)
      %dma_wait3A = arith.constant 0 : i32
      %dma_wait3A_156 = tpu.memref_slice %arg35[%dma_wait3A] : memref<2048xf32, #tpu.memory_space<vmem>> -> memref<2048xf32, #tpu.memory_space<vmem>>
      %dma_wait3A_157 = tpu.memref_slice %arg17[%add3A_102] : memref<100096xf32, #tpu.memory_space<vmem_shared>> -> memref<2048xf32, #tpu.memory_space<vmem_shared>>
      %dma_wait3A_158 = arith.constant 0 : i32
      %dma_wait3A_159 = tpu.memref_slice %arg35[%dma_wait3A_158] : memref<2048xf32, #tpu.memory_space<vmem>> -> memref<2048xf32, #tpu.memory_space<vmem>>
      %dma_wait3A_160 = tpu.memref_slice %arg17[%add3A_102] : memref<100096xf32, #tpu.memory_space<vmem_shared>> -> memref<2048xf32, #tpu.memory_space<vmem_shared>>
      tpu.wait_dma2 semaphore(%run_scoped3A : memref<!tpu.dma_semaphore, #tpu.memory_space<semaphore_mem>>) src(%dma_wait3A_160 : memref<2048xf32, #tpu.memory_space<vmem_shared>>) dst(%dma_wait3A_159 : memref<2048xf32, #tpu.memory_space<vmem>>)
      tpu.yield
    }) : () -> ()
    %mul3A_103 = arith.constant 100096 : i32
    %mul3A_104 = arith.muli %arg0, %mul3A_103 : i32
    %add3A_105 = arith.addi %mul3A_104, %add3A_102 : i32
    "tpu.region"() ({
      %run_scoped3A = tpu.sem_alloc : memref<!tpu.dma_semaphore, #tpu.memory_space<semaphore_mem>>
      %dma_start3A = arith.constant 0 : i32
      %dma_start3A_151 = tpu.memref_slice %arg35[%dma_start3A] : memref<2048xf32, #tpu.memory_space<vmem>> -> memref<2048xf32, #tpu.memory_space<vmem>>
      %dma_start3A_152 = tpu.memref_slice %arg9[%add3A_105] : memref<200192xf32, #tpu.memory_space<hbm>> -> memref<2048xf32, #tpu.memory_space<hbm>>
      %dma_start3A_153 = tpu.memref_slice %arg9[%add3A_105] : memref<200192xf32, #tpu.memory_space<hbm>> -> memref<2048xf32, #tpu.memory_space<hbm>>
      %dma_start3A_154 = arith.constant 0 : i32
      %dma_start3A_155 = tpu.memref_slice %arg35[%dma_start3A_154] : memref<2048xf32, #tpu.memory_space<vmem>> -> memref<2048xf32, #tpu.memory_space<vmem>>
      tpu.enqueue_dma source(%dma_start3A_155 : memref<2048xf32, #tpu.memory_space<vmem>>) target(%dma_start3A_153 : memref<2048xf32, #tpu.memory_space<hbm>>) target_semaphore(%run_scoped3A : memref<!tpu.dma_semaphore, #tpu.memory_space<semaphore_mem>>)
      %dma_wait3A = arith.constant 0 : i32
      %dma_wait3A_156 = tpu.memref_slice %arg35[%dma_wait3A] : memref<2048xf32, #tpu.memory_space<vmem>> -> memref<2048xf32, #tpu.memory_space<vmem>>
      %dma_wait3A_157 = tpu.memref_slice %arg9[%add3A_105] : memref<200192xf32, #tpu.memory_space<hbm>> -> memref<2048xf32, #tpu.memory_space<hbm>>
      %dma_wait3A_158 = tpu.memref_slice %arg9[%add3A_105] : memref<200192xf32, #tpu.memory_space<hbm>> -> memref<2048xf32, #tpu.memory_space<hbm>>
      %dma_wait3A_159 = arith.constant 0 : i32
      %dma_wait3A_160 = tpu.memref_slice %arg35[%dma_wait3A_159] : memref<2048xf32, #tpu.memory_space<vmem>> -> memref<2048xf32, #tpu.memory_space<vmem>>
      tpu.wait_dma2 semaphore(%run_scoped3A : memref<!tpu.dma_semaphore, #tpu.memory_space<semaphore_mem>>) src(%dma_wait3A_160 : memref<2048xf32, #tpu.memory_space<vmem>>) dst(%dma_wait3A_158 : memref<2048xf32, #tpu.memory_space<hbm>>)
      tpu.yield
    }) : () -> ()
    %add3A_106 = arith.constant 6144 : i32
    %add3A_107 = arith.addi %mul3A_2, %add3A_106 : i32
    "tpu.region"() ({
      %run_scoped3A = tpu.sem_alloc : memref<!tpu.dma_semaphore, #tpu.memory_space<semaphore_mem>>
      %dma_start3A = arith.constant 0 : i32
      %dma_start3A_151 = tpu.memref_slice %arg35[%dma_start3A] : memref<2048xf32, #tpu.memory_space<vmem>> -> memref<112xf32, #tpu.memory_space<vmem>>
      %dma_start3A_152 = tpu.memref_slice %arg17[%add3A_107] : memref<100096xf32, #tpu.memory_space<vmem_shared>> -> memref<112xf32, #tpu.memory_space<vmem_shared>>
      %dma_start3A_153 = arith.constant 0 : i32
      %dma_start3A_154 = tpu.memref_slice %arg35[%dma_start3A_153] : memref<2048xf32, #tpu.memory_space<vmem>> -> memref<112xf32, #tpu.memory_space<vmem>>
      %dma_start3A_155 = tpu.memref_slice %arg17[%add3A_107] : memref<100096xf32, #tpu.memory_space<vmem_shared>> -> memref<112xf32, #tpu.memory_space<vmem_shared>>
      tpu.enqueue_dma source(%dma_start3A_155 : memref<112xf32, #tpu.memory_space<vmem_shared>>) target(%dma_start3A_154 : memref<112xf32, #tpu.memory_space<vmem>>) target_semaphore(%run_scoped3A : memref<!tpu.dma_semaphore, #tpu.memory_space<semaphore_mem>>)
      %dma_wait3A = arith.constant 0 : i32
      %dma_wait3A_156 = tpu.memref_slice %arg35[%dma_wait3A] : memref<2048xf32, #tpu.memory_space<vmem>> -> memref<112xf32, #tpu.memory_space<vmem>>
      %dma_wait3A_157 = tpu.memref_slice %arg17[%add3A_107] : memref<100096xf32, #tpu.memory_space<vmem_shared>> -> memref<112xf32, #tpu.memory_space<vmem_shared>>
      %dma_wait3A_158 = arith.constant 0 : i32
      %dma_wait3A_159 = tpu.memref_slice %arg35[%dma_wait3A_158] : memref<2048xf32, #tpu.memory_space<vmem>> -> memref<112xf32, #tpu.memory_space<vmem>>
      %dma_wait3A_160 = tpu.memref_slice %arg17[%add3A_107] : memref<100096xf32, #tpu.memory_space<vmem_shared>> -> memref<112xf32, #tpu.memory_space<vmem_shared>>
      tpu.wait_dma2 semaphore(%run_scoped3A : memref<!tpu.dma_semaphore, #tpu.memory_space<semaphore_mem>>) src(%dma_wait3A_160 : memref<112xf32, #tpu.memory_space<vmem_shared>>) dst(%dma_wait3A_159 : memref<112xf32, #tpu.memory_space<vmem>>)
      tpu.yield
    }) : () -> ()
    %mul3A_108 = arith.constant 100096 : i32
    %mul3A_109 = arith.muli %arg0, %mul3A_108 : i32
    %add3A_110 = arith.addi %mul3A_109, %add3A_107 : i32
    "tpu.region"() ({
      %run_scoped3A = tpu.sem_alloc : memref<!tpu.dma_semaphore, #tpu.memory_space<semaphore_mem>>
      %dma_start3A = arith.constant 0 : i32
      %dma_start3A_151 = tpu.memref_slice %arg35[%dma_start3A] : memref<2048xf32, #tpu.memory_space<vmem>> -> memref<112xf32, #tpu.memory_space<vmem>>
      %dma_start3A_152 = tpu.memref_slice %arg9[%add3A_110] : memref<200192xf32, #tpu.memory_space<hbm>> -> memref<112xf32, #tpu.memory_space<hbm>>
      %dma_start3A_153 = tpu.memref_slice %arg9[%add3A_110] : memref<200192xf32, #tpu.memory_space<hbm>> -> memref<112xf32, #tpu.memory_space<hbm>>
      %dma_start3A_154 = arith.constant 0 : i32
      %dma_start3A_155 = tpu.memref_slice %arg35[%dma_start3A_154] : memref<2048xf32, #tpu.memory_space<vmem>> -> memref<112xf32, #tpu.memory_space<vmem>>
      tpu.enqueue_dma source(%dma_start3A_155 : memref<112xf32, #tpu.memory_space<vmem>>) target(%dma_start3A_153 : memref<112xf32, #tpu.memory_space<hbm>>) target_semaphore(%run_scoped3A : memref<!tpu.dma_semaphore, #tpu.memory_space<semaphore_mem>>)
      %dma_wait3A = arith.constant 0 : i32
      %dma_wait3A_156 = tpu.memref_slice %arg35[%dma_wait3A] : memref<2048xf32, #tpu.memory_space<vmem>> -> memref<112xf32, #tpu.memory_space<vmem>>
      %dma_wait3A_157 = tpu.memref_slice %arg9[%add3A_110] : memref<200192xf32, #tpu.memory_space<hbm>> -> memref<112xf32, #tpu.memory_space<hbm>>
      %dma_wait3A_158 = tpu.memref_slice %arg9[%add3A_110] : memref<200192xf32, #tpu.memory_space<hbm>> -> memref<112xf32, #tpu.memory_space<hbm>>
      %dma_wait3A_159 = arith.constant 0 : i32
      %dma_wait3A_160 = tpu.memref_slice %arg35[%dma_wait3A_159] : memref<2048xf32, #tpu.memory_space<vmem>> -> memref<112xf32, #tpu.memory_space<vmem>>
      tpu.wait_dma2 semaphore(%run_scoped3A : memref<!tpu.dma_semaphore, #tpu.memory_space<semaphore_mem>>) src(%dma_wait3A_160 : memref<112xf32, #tpu.memory_space<vmem>>) dst(%dma_wait3A_158 : memref<112xf32, #tpu.memory_space<hbm>>)
      tpu.yield
    }) : () -> ()
    %add3A_111 = arith.constant 0 : i32
    %add3A_112 = arith.addi %mul3A_2, %add3A_111 : i32
    "tpu.region"() ({
      %run_scoped3A = tpu.sem_alloc : memref<!tpu.dma_semaphore, #tpu.memory_space<semaphore_mem>>
      %dma_start3A = arith.constant 0 : i32
      %dma_start3A_151 = tpu.memref_slice %arg35[%dma_start3A] : memref<2048xf32, #tpu.memory_space<vmem>> -> memref<2048xf32, #tpu.memory_space<vmem>>
      %dma_start3A_152 = tpu.memref_slice %arg18[%add3A_112] : memref<100096xf32, #tpu.memory_space<vmem_shared>> -> memref<2048xf32, #tpu.memory_space<vmem_shared>>
      %dma_start3A_153 = arith.constant 0 : i32
      %dma_start3A_154 = tpu.memref_slice %arg35[%dma_start3A_153] : memref<2048xf32, #tpu.memory_space<vmem>> -> memref<2048xf32, #tpu.memory_space<vmem>>
      %dma_start3A_155 = tpu.memref_slice %arg18[%add3A_112] : memref<100096xf32, #tpu.memory_space<vmem_shared>> -> memref<2048xf32, #tpu.memory_space<vmem_shared>>
      tpu.enqueue_dma source(%dma_start3A_155 : memref<2048xf32, #tpu.memory_space<vmem_shared>>) target(%dma_start3A_154 : memref<2048xf32, #tpu.memory_space<vmem>>) target_semaphore(%run_scoped3A : memref<!tpu.dma_semaphore, #tpu.memory_space<semaphore_mem>>)
      %dma_wait3A = arith.constant 0 : i32
      %dma_wait3A_156 = tpu.memref_slice %arg35[%dma_wait3A] : memref<2048xf32, #tpu.memory_space<vmem>> -> memref<2048xf32, #tpu.memory_space<vmem>>
      %dma_wait3A_157 = tpu.memref_slice %arg18[%add3A_112] : memref<100096xf32, #tpu.memory_space<vmem_shared>> -> memref<2048xf32, #tpu.memory_space<vmem_shared>>
      %dma_wait3A_158 = arith.constant 0 : i32
      %dma_wait3A_159 = tpu.memref_slice %arg35[%dma_wait3A_158] : memref<2048xf32, #tpu.memory_space<vmem>> -> memref<2048xf32, #tpu.memory_space<vmem>>
      %dma_wait3A_160 = tpu.memref_slice %arg18[%add3A_112] : memref<100096xf32, #tpu.memory_space<vmem_shared>> -> memref<2048xf32, #tpu.memory_space<vmem_shared>>
      tpu.wait_dma2 semaphore(%run_scoped3A : memref<!tpu.dma_semaphore, #tpu.memory_space<semaphore_mem>>) src(%dma_wait3A_160 : memref<2048xf32, #tpu.memory_space<vmem_shared>>) dst(%dma_wait3A_159 : memref<2048xf32, #tpu.memory_space<vmem>>)
      tpu.yield
    }) : () -> ()
    %mul3A_113 = arith.constant 100096 : i32
    %mul3A_114 = arith.muli %arg0, %mul3A_113 : i32
    %add3A_115 = arith.addi %mul3A_114, %add3A_112 : i32
    "tpu.region"() ({
      %run_scoped3A = tpu.sem_alloc : memref<!tpu.dma_semaphore, #tpu.memory_space<semaphore_mem>>
      %dma_start3A = arith.constant 0 : i32
      %dma_start3A_151 = tpu.memref_slice %arg35[%dma_start3A] : memref<2048xf32, #tpu.memory_space<vmem>> -> memref<2048xf32, #tpu.memory_space<vmem>>
      %dma_start3A_152 = tpu.memref_slice %arg10[%add3A_115] : memref<200192xf32, #tpu.memory_space<hbm>> -> memref<2048xf32, #tpu.memory_space<hbm>>
      %dma_start3A_153 = tpu.memref_slice %arg10[%add3A_115] : memref<200192xf32, #tpu.memory_space<hbm>> -> memref<2048xf32, #tpu.memory_space<hbm>>
      %dma_start3A_154 = arith.constant 0 : i32
      %dma_start3A_155 = tpu.memref_slice %arg35[%dma_start3A_154] : memref<2048xf32, #tpu.memory_space<vmem>> -> memref<2048xf32, #tpu.memory_space<vmem>>
      tpu.enqueue_dma source(%dma_start3A_155 : memref<2048xf32, #tpu.memory_space<vmem>>) target(%dma_start3A_153 : memref<2048xf32, #tpu.memory_space<hbm>>) target_semaphore(%run_scoped3A : memref<!tpu.dma_semaphore, #tpu.memory_space<semaphore_mem>>)
      %dma_wait3A = arith.constant 0 : i32
      %dma_wait3A_156 = tpu.memref_slice %arg35[%dma_wait3A] : memref<2048xf32, #tpu.memory_space<vmem>> -> memref<2048xf32, #tpu.memory_space<vmem>>
      %dma_wait3A_157 = tpu.memref_slice %arg10[%add3A_115] : memref<200192xf32, #tpu.memory_space<hbm>> -> memref<2048xf32, #tpu.memory_space<hbm>>
      %dma_wait3A_158 = tpu.memref_slice %arg10[%add3A_115] : memref<200192xf32, #tpu.memory_space<hbm>> -> memref<2048xf32, #tpu.memory_space<hbm>>
      %dma_wait3A_159 = arith.constant 0 : i32
      %dma_wait3A_160 = tpu.memref_slice %arg35[%dma_wait3A_159] : memref<2048xf32, #tpu.memory_space<vmem>> -> memref<2048xf32, #tpu.memory_space<vmem>>
      tpu.wait_dma2 semaphore(%run_scoped3A : memref<!tpu.dma_semaphore, #tpu.memory_space<semaphore_mem>>) src(%dma_wait3A_160 : memref<2048xf32, #tpu.memory_space<vmem>>) dst(%dma_wait3A_158 : memref<2048xf32, #tpu.memory_space<hbm>>)
      tpu.yield
    }) : () -> ()
    %add3A_116 = arith.constant 2048 : i32
    %add3A_117 = arith.addi %mul3A_2, %add3A_116 : i32
    "tpu.region"() ({
      %run_scoped3A = tpu.sem_alloc : memref<!tpu.dma_semaphore, #tpu.memory_space<semaphore_mem>>
      %dma_start3A = arith.constant 0 : i32
      %dma_start3A_151 = tpu.memref_slice %arg35[%dma_start3A] : memref<2048xf32, #tpu.memory_space<vmem>> -> memref<2048xf32, #tpu.memory_space<vmem>>
      %dma_start3A_152 = tpu.memref_slice %arg18[%add3A_117] : memref<100096xf32, #tpu.memory_space<vmem_shared>> -> memref<2048xf32, #tpu.memory_space<vmem_shared>>
      %dma_start3A_153 = arith.constant 0 : i32
      %dma_start3A_154 = tpu.memref_slice %arg35[%dma_start3A_153] : memref<2048xf32, #tpu.memory_space<vmem>> -> memref<2048xf32, #tpu.memory_space<vmem>>
      %dma_start3A_155 = tpu.memref_slice %arg18[%add3A_117] : memref<100096xf32, #tpu.memory_space<vmem_shared>> -> memref<2048xf32, #tpu.memory_space<vmem_shared>>
      tpu.enqueue_dma source(%dma_start3A_155 : memref<2048xf32, #tpu.memory_space<vmem_shared>>) target(%dma_start3A_154 : memref<2048xf32, #tpu.memory_space<vmem>>) target_semaphore(%run_scoped3A : memref<!tpu.dma_semaphore, #tpu.memory_space<semaphore_mem>>)
      %dma_wait3A = arith.constant 0 : i32
      %dma_wait3A_156 = tpu.memref_slice %arg35[%dma_wait3A] : memref<2048xf32, #tpu.memory_space<vmem>> -> memref<2048xf32, #tpu.memory_space<vmem>>
      %dma_wait3A_157 = tpu.memref_slice %arg18[%add3A_117] : memref<100096xf32, #tpu.memory_space<vmem_shared>> -> memref<2048xf32, #tpu.memory_space<vmem_shared>>
      %dma_wait3A_158 = arith.constant 0 : i32
      %dma_wait3A_159 = tpu.memref_slice %arg35[%dma_wait3A_158] : memref<2048xf32, #tpu.memory_space<vmem>> -> memref<2048xf32, #tpu.memory_space<vmem>>
      %dma_wait3A_160 = tpu.memref_slice %arg18[%add3A_117] : memref<100096xf32, #tpu.memory_space<vmem_shared>> -> memref<2048xf32, #tpu.memory_space<vmem_shared>>
      tpu.wait_dma2 semaphore(%run_scoped3A : memref<!tpu.dma_semaphore, #tpu.memory_space<semaphore_mem>>) src(%dma_wait3A_160 : memref<2048xf32, #tpu.memory_space<vmem_shared>>) dst(%dma_wait3A_159 : memref<2048xf32, #tpu.memory_space<vmem>>)
      tpu.yield
    }) : () -> ()
    %mul3A_118 = arith.constant 100096 : i32
    %mul3A_119 = arith.muli %arg0, %mul3A_118 : i32
    %add3A_120 = arith.addi %mul3A_119, %add3A_117 : i32
    "tpu.region"() ({
      %run_scoped3A = tpu.sem_alloc : memref<!tpu.dma_semaphore, #tpu.memory_space<semaphore_mem>>
      %dma_start3A = arith.constant 0 : i32
      %dma_start3A_151 = tpu.memref_slice %arg35[%dma_start3A] : memref<2048xf32, #tpu.memory_space<vmem>> -> memref<2048xf32, #tpu.memory_space<vmem>>
      %dma_start3A_152 = tpu.memref_slice %arg10[%add3A_120] : memref<200192xf32, #tpu.memory_space<hbm>> -> memref<2048xf32, #tpu.memory_space<hbm>>
      %dma_start3A_153 = tpu.memref_slice %arg10[%add3A_120] : memref<200192xf32, #tpu.memory_space<hbm>> -> memref<2048xf32, #tpu.memory_space<hbm>>
      %dma_start3A_154 = arith.constant 0 : i32
      %dma_start3A_155 = tpu.memref_slice %arg35[%dma_start3A_154] : memref<2048xf32, #tpu.memory_space<vmem>> -> memref<2048xf32, #tpu.memory_space<vmem>>
      tpu.enqueue_dma source(%dma_start3A_155 : memref<2048xf32, #tpu.memory_space<vmem>>) target(%dma_start3A_153 : memref<2048xf32, #tpu.memory_space<hbm>>) target_semaphore(%run_scoped3A : memref<!tpu.dma_semaphore, #tpu.memory_space<semaphore_mem>>)
      %dma_wait3A = arith.constant 0 : i32
      %dma_wait3A_156 = tpu.memref_slice %arg35[%dma_wait3A] : memref<2048xf32, #tpu.memory_space<vmem>> -> memref<2048xf32, #tpu.memory_space<vmem>>
      %dma_wait3A_157 = tpu.memref_slice %arg10[%add3A_120] : memref<200192xf32, #tpu.memory_space<hbm>> -> memref<2048xf32, #tpu.memory_space<hbm>>
      %dma_wait3A_158 = tpu.memref_slice %arg10[%add3A_120] : memref<200192xf32, #tpu.memory_space<hbm>> -> memref<2048xf32, #tpu.memory_space<hbm>>
      %dma_wait3A_159 = arith.constant 0 : i32
      %dma_wait3A_160 = tpu.memref_slice %arg35[%dma_wait3A_159] : memref<2048xf32, #tpu.memory_space<vmem>> -> memref<2048xf32, #tpu.memory_space<vmem>>
      tpu.wait_dma2 semaphore(%run_scoped3A : memref<!tpu.dma_semaphore, #tpu.memory_space<semaphore_mem>>) src(%dma_wait3A_160 : memref<2048xf32, #tpu.memory_space<vmem>>) dst(%dma_wait3A_158 : memref<2048xf32, #tpu.memory_space<hbm>>)
      tpu.yield
    }) : () -> ()
    %add3A_121 = arith.constant 4096 : i32
    %add3A_122 = arith.addi %mul3A_2, %add3A_121 : i32
    "tpu.region"() ({
      %run_scoped3A = tpu.sem_alloc : memref<!tpu.dma_semaphore, #tpu.memory_space<semaphore_mem>>
      %dma_start3A = arith.constant 0 : i32
      %dma_start3A_151 = tpu.memref_slice %arg35[%dma_start3A] : memref<2048xf32, #tpu.memory_space<vmem>> -> memref<2048xf32, #tpu.memory_space<vmem>>
      %dma_start3A_152 = tpu.memref_slice %arg18[%add3A_122] : memref<100096xf32, #tpu.memory_space<vmem_shared>> -> memref<2048xf32, #tpu.memory_space<vmem_shared>>
      %dma_start3A_153 = arith.constant 0 : i32
      %dma_start3A_154 = tpu.memref_slice %arg35[%dma_start3A_153] : memref<2048xf32, #tpu.memory_space<vmem>> -> memref<2048xf32, #tpu.memory_space<vmem>>
      %dma_start3A_155 = tpu.memref_slice %arg18[%add3A_122] : memref<100096xf32, #tpu.memory_space<vmem_shared>> -> memref<2048xf32, #tpu.memory_space<vmem_shared>>
      tpu.enqueue_dma source(%dma_start3A_155 : memref<2048xf32, #tpu.memory_space<vmem_shared>>) target(%dma_start3A_154 : memref<2048xf32, #tpu.memory_space<vmem>>) target_semaphore(%run_scoped3A : memref<!tpu.dma_semaphore, #tpu.memory_space<semaphore_mem>>)
      %dma_wait3A = arith.constant 0 : i32
      %dma_wait3A_156 = tpu.memref_slice %arg35[%dma_wait3A] : memref<2048xf32, #tpu.memory_space<vmem>> -> memref<2048xf32, #tpu.memory_space<vmem>>
      %dma_wait3A_157 = tpu.memref_slice %arg18[%add3A_122] : memref<100096xf32, #tpu.memory_space<vmem_shared>> -> memref<2048xf32, #tpu.memory_space<vmem_shared>>
      %dma_wait3A_158 = arith.constant 0 : i32
      %dma_wait3A_159 = tpu.memref_slice %arg35[%dma_wait3A_158] : memref<2048xf32, #tpu.memory_space<vmem>> -> memref<2048xf32, #tpu.memory_space<vmem>>
      %dma_wait3A_160 = tpu.memref_slice %arg18[%add3A_122] : memref<100096xf32, #tpu.memory_space<vmem_shared>> -> memref<2048xf32, #tpu.memory_space<vmem_shared>>
      tpu.wait_dma2 semaphore(%run_scoped3A : memref<!tpu.dma_semaphore, #tpu.memory_space<semaphore_mem>>) src(%dma_wait3A_160 : memref<2048xf32, #tpu.memory_space<vmem_shared>>) dst(%dma_wait3A_159 : memref<2048xf32, #tpu.memory_space<vmem>>)
      tpu.yield
    }) : () -> ()
    %mul3A_123 = arith.constant 100096 : i32
    %mul3A_124 = arith.muli %arg0, %mul3A_123 : i32
    %add3A_125 = arith.addi %mul3A_124, %add3A_122 : i32
    "tpu.region"() ({
      %run_scoped3A = tpu.sem_alloc : memref<!tpu.dma_semaphore, #tpu.memory_space<semaphore_mem>>
      %dma_start3A = arith.constant 0 : i32
      %dma_start3A_151 = tpu.memref_slice %arg35[%dma_start3A] : memref<2048xf32, #tpu.memory_space<vmem>> -> memref<2048xf32, #tpu.memory_space<vmem>>
      %dma_start3A_152 = tpu.memref_slice %arg10[%add3A_125] : memref<200192xf32, #tpu.memory_space<hbm>> -> memref<2048xf32, #tpu.memory_space<hbm>>
      %dma_start3A_153 = tpu.memref_slice %arg10[%add3A_125] : memref<200192xf32, #tpu.memory_space<hbm>> -> memref<2048xf32, #tpu.memory_space<hbm>>
      %dma_start3A_154 = arith.constant 0 : i32
      %dma_start3A_155 = tpu.memref_slice %arg35[%dma_start3A_154] : memref<2048xf32, #tpu.memory_space<vmem>> -> memref<2048xf32, #tpu.memory_space<vmem>>
      tpu.enqueue_dma source(%dma_start3A_155 : memref<2048xf32, #tpu.memory_space<vmem>>) target(%dma_start3A_153 : memref<2048xf32, #tpu.memory_space<hbm>>) target_semaphore(%run_scoped3A : memref<!tpu.dma_semaphore, #tpu.memory_space<semaphore_mem>>)
      %dma_wait3A = arith.constant 0 : i32
      %dma_wait3A_156 = tpu.memref_slice %arg35[%dma_wait3A] : memref<2048xf32, #tpu.memory_space<vmem>> -> memref<2048xf32, #tpu.memory_space<vmem>>
      %dma_wait3A_157 = tpu.memref_slice %arg10[%add3A_125] : memref<200192xf32, #tpu.memory_space<hbm>> -> memref<2048xf32, #tpu.memory_space<hbm>>
      %dma_wait3A_158 = tpu.memref_slice %arg10[%add3A_125] : memref<200192xf32, #tpu.memory_space<hbm>> -> memref<2048xf32, #tpu.memory_space<hbm>>
      %dma_wait3A_159 = arith.constant 0 : i32
      %dma_wait3A_160 = tpu.memref_slice %arg35[%dma_wait3A_159] : memref<2048xf32, #tpu.memory_space<vmem>> -> memref<2048xf32, #tpu.memory_space<vmem>>
      tpu.wait_dma2 semaphore(%run_scoped3A : memref<!tpu.dma_semaphore, #tpu.memory_space<semaphore_mem>>) src(%dma_wait3A_160 : memref<2048xf32, #tpu.memory_space<vmem>>) dst(%dma_wait3A_158 : memref<2048xf32, #tpu.memory_space<hbm>>)
      tpu.yield
    }) : () -> ()
    %add3A_126 = arith.constant 6144 : i32
    %add3A_127 = arith.addi %mul3A_2, %add3A_126 : i32
    "tpu.region"() ({
      %run_scoped3A = tpu.sem_alloc : memref<!tpu.dma_semaphore, #tpu.memory_space<semaphore_mem>>
      %dma_start3A = arith.constant 0 : i32
      %dma_start3A_151 = tpu.memref_slice %arg35[%dma_start3A] : memref<2048xf32, #tpu.memory_space<vmem>> -> memref<112xf32, #tpu.memory_space<vmem>>
      %dma_start3A_152 = tpu.memref_slice %arg18[%add3A_127] : memref<100096xf32, #tpu.memory_space<vmem_shared>> -> memref<112xf32, #tpu.memory_space<vmem_shared>>
      %dma_start3A_153 = arith.constant 0 : i32
      %dma_start3A_154 = tpu.memref_slice %arg35[%dma_start3A_153] : memref<2048xf32, #tpu.memory_space<vmem>> -> memref<112xf32, #tpu.memory_space<vmem>>
      %dma_start3A_155 = tpu.memref_slice %arg18[%add3A_127] : memref<100096xf32, #tpu.memory_space<vmem_shared>> -> memref<112xf32, #tpu.memory_space<vmem_shared>>
      tpu.enqueue_dma source(%dma_start3A_155 : memref<112xf32, #tpu.memory_space<vmem_shared>>) target(%dma_start3A_154 : memref<112xf32, #tpu.memory_space<vmem>>) target_semaphore(%run_scoped3A : memref<!tpu.dma_semaphore, #tpu.memory_space<semaphore_mem>>)
      %dma_wait3A = arith.constant 0 : i32
      %dma_wait3A_156 = tpu.memref_slice %arg35[%dma_wait3A] : memref<2048xf32, #tpu.memory_space<vmem>> -> memref<112xf32, #tpu.memory_space<vmem>>
      %dma_wait3A_157 = tpu.memref_slice %arg18[%add3A_127] : memref<100096xf32, #tpu.memory_space<vmem_shared>> -> memref<112xf32, #tpu.memory_space<vmem_shared>>
      %dma_wait3A_158 = arith.constant 0 : i32
      %dma_wait3A_159 = tpu.memref_slice %arg35[%dma_wait3A_158] : memref<2048xf32, #tpu.memory_space<vmem>> -> memref<112xf32, #tpu.memory_space<vmem>>
      %dma_wait3A_160 = tpu.memref_slice %arg18[%add3A_127] : memref<100096xf32, #tpu.memory_space<vmem_shared>> -> memref<112xf32, #tpu.memory_space<vmem_shared>>
      tpu.wait_dma2 semaphore(%run_scoped3A : memref<!tpu.dma_semaphore, #tpu.memory_space<semaphore_mem>>) src(%dma_wait3A_160 : memref<112xf32, #tpu.memory_space<vmem_shared>>) dst(%dma_wait3A_159 : memref<112xf32, #tpu.memory_space<vmem>>)
      tpu.yield
    }) : () -> ()
    %mul3A_128 = arith.constant 100096 : i32
    %mul3A_129 = arith.muli %arg0, %mul3A_128 : i32
    %add3A_130 = arith.addi %mul3A_129, %add3A_127 : i32
    "tpu.region"() ({
      %run_scoped3A = tpu.sem_alloc : memref<!tpu.dma_semaphore, #tpu.memory_space<semaphore_mem>>
      %dma_start3A = arith.constant 0 : i32
      %dma_start3A_151 = tpu.memref_slice %arg35[%dma_start3A] : memref<2048xf32, #tpu.memory_space<vmem>> -> memref<112xf32, #tpu.memory_space<vmem>>
      %dma_start3A_152 = tpu.memref_slice %arg10[%add3A_130] : memref<200192xf32, #tpu.memory_space<hbm>> -> memref<112xf32, #tpu.memory_space<hbm>>
      %dma_start3A_153 = tpu.memref_slice %arg10[%add3A_130] : memref<200192xf32, #tpu.memory_space<hbm>> -> memref<112xf32, #tpu.memory_space<hbm>>
      %dma_start3A_154 = arith.constant 0 : i32
      %dma_start3A_155 = tpu.memref_slice %arg35[%dma_start3A_154] : memref<2048xf32, #tpu.memory_space<vmem>> -> memref<112xf32, #tpu.memory_space<vmem>>
      tpu.enqueue_dma source(%dma_start3A_155 : memref<112xf32, #tpu.memory_space<vmem>>) target(%dma_start3A_153 : memref<112xf32, #tpu.memory_space<hbm>>) target_semaphore(%run_scoped3A : memref<!tpu.dma_semaphore, #tpu.memory_space<semaphore_mem>>)
      %dma_wait3A = arith.constant 0 : i32
      %dma_wait3A_156 = tpu.memref_slice %arg35[%dma_wait3A] : memref<2048xf32, #tpu.memory_space<vmem>> -> memref<112xf32, #tpu.memory_space<vmem>>
      %dma_wait3A_157 = tpu.memref_slice %arg10[%add3A_130] : memref<200192xf32, #tpu.memory_space<hbm>> -> memref<112xf32, #tpu.memory_space<hbm>>
      %dma_wait3A_158 = tpu.memref_slice %arg10[%add3A_130] : memref<200192xf32, #tpu.memory_space<hbm>> -> memref<112xf32, #tpu.memory_space<hbm>>
      %dma_wait3A_159 = arith.constant 0 : i32
      %dma_wait3A_160 = tpu.memref_slice %arg35[%dma_wait3A_159] : memref<2048xf32, #tpu.memory_space<vmem>> -> memref<112xf32, #tpu.memory_space<vmem>>
      tpu.wait_dma2 semaphore(%run_scoped3A : memref<!tpu.dma_semaphore, #tpu.memory_space<semaphore_mem>>) src(%dma_wait3A_160 : memref<112xf32, #tpu.memory_space<vmem>>) dst(%dma_wait3A_158 : memref<112xf32, #tpu.memory_space<hbm>>)
      tpu.yield
    }) : () -> ()
    %add3A_131 = arith.constant 0 : i32
    %add3A_132 = arith.addi %mul3A_2, %add3A_131 : i32
    "tpu.region"() ({
      %run_scoped3A = tpu.sem_alloc : memref<!tpu.dma_semaphore, #tpu.memory_space<semaphore_mem>>
      %dma_start3A = arith.constant 0 : i32
      %dma_start3A_151 = tpu.memref_slice %arg35[%dma_start3A] : memref<2048xf32, #tpu.memory_space<vmem>> -> memref<2048xf32, #tpu.memory_space<vmem>>
      %dma_start3A_152 = tpu.memref_slice %arg19[%add3A_132] : memref<100096xf32, #tpu.memory_space<vmem_shared>> -> memref<2048xf32, #tpu.memory_space<vmem_shared>>
      %dma_start3A_153 = arith.constant 0 : i32
      %dma_start3A_154 = tpu.memref_slice %arg35[%dma_start3A_153] : memref<2048xf32, #tpu.memory_space<vmem>> -> memref<2048xf32, #tpu.memory_space<vmem>>
      %dma_start3A_155 = tpu.memref_slice %arg19[%add3A_132] : memref<100096xf32, #tpu.memory_space<vmem_shared>> -> memref<2048xf32, #tpu.memory_space<vmem_shared>>
      tpu.enqueue_dma source(%dma_start3A_155 : memref<2048xf32, #tpu.memory_space<vmem_shared>>) target(%dma_start3A_154 : memref<2048xf32, #tpu.memory_space<vmem>>) target_semaphore(%run_scoped3A : memref<!tpu.dma_semaphore, #tpu.memory_space<semaphore_mem>>)
      %dma_wait3A = arith.constant 0 : i32
      %dma_wait3A_156 = tpu.memref_slice %arg35[%dma_wait3A] : memref<2048xf32, #tpu.memory_space<vmem>> -> memref<2048xf32, #tpu.memory_space<vmem>>
      %dma_wait3A_157 = tpu.memref_slice %arg19[%add3A_132] : memref<100096xf32, #tpu.memory_space<vmem_shared>> -> memref<2048xf32, #tpu.memory_space<vmem_shared>>
      %dma_wait3A_158 = arith.constant 0 : i32
      %dma_wait3A_159 = tpu.memref_slice %arg35[%dma_wait3A_158] : memref<2048xf32, #tpu.memory_space<vmem>> -> memref<2048xf32, #tpu.memory_space<vmem>>
      %dma_wait3A_160 = tpu.memref_slice %arg19[%add3A_132] : memref<100096xf32, #tpu.memory_space<vmem_shared>> -> memref<2048xf32, #tpu.memory_space<vmem_shared>>
      tpu.wait_dma2 semaphore(%run_scoped3A : memref<!tpu.dma_semaphore, #tpu.memory_space<semaphore_mem>>) src(%dma_wait3A_160 : memref<2048xf32, #tpu.memory_space<vmem_shared>>) dst(%dma_wait3A_159 : memref<2048xf32, #tpu.memory_space<vmem>>)
      tpu.yield
    }) : () -> ()
    %mul3A_133 = arith.constant 100096 : i32
    %mul3A_134 = arith.muli %arg0, %mul3A_133 : i32
    %add3A_135 = arith.addi %mul3A_134, %add3A_132 : i32
    "tpu.region"() ({
      %run_scoped3A = tpu.sem_alloc : memref<!tpu.dma_semaphore, #tpu.memory_space<semaphore_mem>>
      %dma_start3A = arith.constant 0 : i32
      %dma_start3A_151 = tpu.memref_slice %arg35[%dma_start3A] : memref<2048xf32, #tpu.memory_space<vmem>> -> memref<2048xf32, #tpu.memory_space<vmem>>
      %dma_start3A_152 = tpu.memref_slice %arg11[%add3A_135] : memref<200192xf32, #tpu.memory_space<hbm>> -> memref<2048xf32, #tpu.memory_space<hbm>>
      %dma_start3A_153 = tpu.memref_slice %arg11[%add3A_135] : memref<200192xf32, #tpu.memory_space<hbm>> -> memref<2048xf32, #tpu.memory_space<hbm>>
      %dma_start3A_154 = arith.constant 0 : i32
      %dma_start3A_155 = tpu.memref_slice %arg35[%dma_start3A_154] : memref<2048xf32, #tpu.memory_space<vmem>> -> memref<2048xf32, #tpu.memory_space<vmem>>
      tpu.enqueue_dma source(%dma_start3A_155 : memref<2048xf32, #tpu.memory_space<vmem>>) target(%dma_start3A_153 : memref<2048xf32, #tpu.memory_space<hbm>>) target_semaphore(%run_scoped3A : memref<!tpu.dma_semaphore, #tpu.memory_space<semaphore_mem>>)
      %dma_wait3A = arith.constant 0 : i32
      %dma_wait3A_156 = tpu.memref_slice %arg35[%dma_wait3A] : memref<2048xf32, #tpu.memory_space<vmem>> -> memref<2048xf32, #tpu.memory_space<vmem>>
      %dma_wait3A_157 = tpu.memref_slice %arg11[%add3A_135] : memref<200192xf32, #tpu.memory_space<hbm>> -> memref<2048xf32, #tpu.memory_space<hbm>>
      %dma_wait3A_158 = tpu.memref_slice %arg11[%add3A_135] : memref<200192xf32, #tpu.memory_space<hbm>> -> memref<2048xf32, #tpu.memory_space<hbm>>
      %dma_wait3A_159 = arith.constant 0 : i32
      %dma_wait3A_160 = tpu.memref_slice %arg35[%dma_wait3A_159] : memref<2048xf32, #tpu.memory_space<vmem>> -> memref<2048xf32, #tpu.memory_space<vmem>>
      tpu.wait_dma2 semaphore(%run_scoped3A : memref<!tpu.dma_semaphore, #tpu.memory_space<semaphore_mem>>) src(%dma_wait3A_160 : memref<2048xf32, #tpu.memory_space<vmem>>) dst(%dma_wait3A_158 : memref<2048xf32, #tpu.memory_space<hbm>>)
      tpu.yield
    }) : () -> ()
    %add3A_136 = arith.constant 2048 : i32
    %add3A_137 = arith.addi %mul3A_2, %add3A_136 : i32
    "tpu.region"() ({
      %run_scoped3A = tpu.sem_alloc : memref<!tpu.dma_semaphore, #tpu.memory_space<semaphore_mem>>
      %dma_start3A = arith.constant 0 : i32
      %dma_start3A_151 = tpu.memref_slice %arg35[%dma_start3A] : memref<2048xf32, #tpu.memory_space<vmem>> -> memref<2048xf32, #tpu.memory_space<vmem>>
      %dma_start3A_152 = tpu.memref_slice %arg19[%add3A_137] : memref<100096xf32, #tpu.memory_space<vmem_shared>> -> memref<2048xf32, #tpu.memory_space<vmem_shared>>
      %dma_start3A_153 = arith.constant 0 : i32
      %dma_start3A_154 = tpu.memref_slice %arg35[%dma_start3A_153] : memref<2048xf32, #tpu.memory_space<vmem>> -> memref<2048xf32, #tpu.memory_space<vmem>>
      %dma_start3A_155 = tpu.memref_slice %arg19[%add3A_137] : memref<100096xf32, #tpu.memory_space<vmem_shared>> -> memref<2048xf32, #tpu.memory_space<vmem_shared>>
      tpu.enqueue_dma source(%dma_start3A_155 : memref<2048xf32, #tpu.memory_space<vmem_shared>>) target(%dma_start3A_154 : memref<2048xf32, #tpu.memory_space<vmem>>) target_semaphore(%run_scoped3A : memref<!tpu.dma_semaphore, #tpu.memory_space<semaphore_mem>>)
      %dma_wait3A = arith.constant 0 : i32
      %dma_wait3A_156 = tpu.memref_slice %arg35[%dma_wait3A] : memref<2048xf32, #tpu.memory_space<vmem>> -> memref<2048xf32, #tpu.memory_space<vmem>>
      %dma_wait3A_157 = tpu.memref_slice %arg19[%add3A_137] : memref<100096xf32, #tpu.memory_space<vmem_shared>> -> memref<2048xf32, #tpu.memory_space<vmem_shared>>
      %dma_wait3A_158 = arith.constant 0 : i32
      %dma_wait3A_159 = tpu.memref_slice %arg35[%dma_wait3A_158] : memref<2048xf32, #tpu.memory_space<vmem>> -> memref<2048xf32, #tpu.memory_space<vmem>>
      %dma_wait3A_160 = tpu.memref_slice %arg19[%add3A_137] : memref<100096xf32, #tpu.memory_space<vmem_shared>> -> memref<2048xf32, #tpu.memory_space<vmem_shared>>
      tpu.wait_dma2 semaphore(%run_scoped3A : memref<!tpu.dma_semaphore, #tpu.memory_space<semaphore_mem>>) src(%dma_wait3A_160 : memref<2048xf32, #tpu.memory_space<vmem_shared>>) dst(%dma_wait3A_159 : memref<2048xf32, #tpu.memory_space<vmem>>)
      tpu.yield
    }) : () -> ()
    %mul3A_138 = arith.constant 100096 : i32
    %mul3A_139 = arith.muli %arg0, %mul3A_138 : i32
    %add3A_140 = arith.addi %mul3A_139, %add3A_137 : i32
    "tpu.region"() ({
      %run_scoped3A = tpu.sem_alloc : memref<!tpu.dma_semaphore, #tpu.memory_space<semaphore_mem>>
      %dma_start3A = arith.constant 0 : i32
      %dma_start3A_151 = tpu.memref_slice %arg35[%dma_start3A] : memref<2048xf32, #tpu.memory_space<vmem>> -> memref<2048xf32, #tpu.memory_space<vmem>>
      %dma_start3A_152 = tpu.memref_slice %arg11[%add3A_140] : memref<200192xf32, #tpu.memory_space<hbm>> -> memref<2048xf32, #tpu.memory_space<hbm>>
      %dma_start3A_153 = tpu.memref_slice %arg11[%add3A_140] : memref<200192xf32, #tpu.memory_space<hbm>> -> memref<2048xf32, #tpu.memory_space<hbm>>
      %dma_start3A_154 = arith.constant 0 : i32
      %dma_start3A_155 = tpu.memref_slice %arg35[%dma_start3A_154] : memref<2048xf32, #tpu.memory_space<vmem>> -> memref<2048xf32, #tpu.memory_space<vmem>>
      tpu.enqueue_dma source(%dma_start3A_155 : memref<2048xf32, #tpu.memory_space<vmem>>) target(%dma_start3A_153 : memref<2048xf32, #tpu.memory_space<hbm>>) target_semaphore(%run_scoped3A : memref<!tpu.dma_semaphore, #tpu.memory_space<semaphore_mem>>)
      %dma_wait3A = arith.constant 0 : i32
      %dma_wait3A_156 = tpu.memref_slice %arg35[%dma_wait3A] : memref<2048xf32, #tpu.memory_space<vmem>> -> memref<2048xf32, #tpu.memory_space<vmem>>
      %dma_wait3A_157 = tpu.memref_slice %arg11[%add3A_140] : memref<200192xf32, #tpu.memory_space<hbm>> -> memref<2048xf32, #tpu.memory_space<hbm>>
      %dma_wait3A_158 = tpu.memref_slice %arg11[%add3A_140] : memref<200192xf32, #tpu.memory_space<hbm>> -> memref<2048xf32, #tpu.memory_space<hbm>>
      %dma_wait3A_159 = arith.constant 0 : i32
      %dma_wait3A_160 = tpu.memref_slice %arg35[%dma_wait3A_159] : memref<2048xf32, #tpu.memory_space<vmem>> -> memref<2048xf32, #tpu.memory_space<vmem>>
      tpu.wait_dma2 semaphore(%run_scoped3A : memref<!tpu.dma_semaphore, #tpu.memory_space<semaphore_mem>>) src(%dma_wait3A_160 : memref<2048xf32, #tpu.memory_space<vmem>>) dst(%dma_wait3A_158 : memref<2048xf32, #tpu.memory_space<hbm>>)
      tpu.yield
    }) : () -> ()
    %add3A_141 = arith.constant 4096 : i32
    %add3A_142 = arith.addi %mul3A_2, %add3A_141 : i32
    "tpu.region"() ({
      %run_scoped3A = tpu.sem_alloc : memref<!tpu.dma_semaphore, #tpu.memory_space<semaphore_mem>>
      %dma_start3A = arith.constant 0 : i32
      %dma_start3A_151 = tpu.memref_slice %arg35[%dma_start3A] : memref<2048xf32, #tpu.memory_space<vmem>> -> memref<2048xf32, #tpu.memory_space<vmem>>
      %dma_start3A_152 = tpu.memref_slice %arg19[%add3A_142] : memref<100096xf32, #tpu.memory_space<vmem_shared>> -> memref<2048xf32, #tpu.memory_space<vmem_shared>>
      %dma_start3A_153 = arith.constant 0 : i32
      %dma_start3A_154 = tpu.memref_slice %arg35[%dma_start3A_153] : memref<2048xf32, #tpu.memory_space<vmem>> -> memref<2048xf32, #tpu.memory_space<vmem>>
      %dma_start3A_155 = tpu.memref_slice %arg19[%add3A_142] : memref<100096xf32, #tpu.memory_space<vmem_shared>> -> memref<2048xf32, #tpu.memory_space<vmem_shared>>
      tpu.enqueue_dma source(%dma_start3A_155 : memref<2048xf32, #tpu.memory_space<vmem_shared>>) target(%dma_start3A_154 : memref<2048xf32, #tpu.memory_space<vmem>>) target_semaphore(%run_scoped3A : memref<!tpu.dma_semaphore, #tpu.memory_space<semaphore_mem>>)
      %dma_wait3A = arith.constant 0 : i32
      %dma_wait3A_156 = tpu.memref_slice %arg35[%dma_wait3A] : memref<2048xf32, #tpu.memory_space<vmem>> -> memref<2048xf32, #tpu.memory_space<vmem>>
      %dma_wait3A_157 = tpu.memref_slice %arg19[%add3A_142] : memref<100096xf32, #tpu.memory_space<vmem_shared>> -> memref<2048xf32, #tpu.memory_space<vmem_shared>>
      %dma_wait3A_158 = arith.constant 0 : i32
      %dma_wait3A_159 = tpu.memref_slice %arg35[%dma_wait3A_158] : memref<2048xf32, #tpu.memory_space<vmem>> -> memref<2048xf32, #tpu.memory_space<vmem>>
      %dma_wait3A_160 = tpu.memref_slice %arg19[%add3A_142] : memref<100096xf32, #tpu.memory_space<vmem_shared>> -> memref<2048xf32, #tpu.memory_space<vmem_shared>>
      tpu.wait_dma2 semaphore(%run_scoped3A : memref<!tpu.dma_semaphore, #tpu.memory_space<semaphore_mem>>) src(%dma_wait3A_160 : memref<2048xf32, #tpu.memory_space<vmem_shared>>) dst(%dma_wait3A_159 : memref<2048xf32, #tpu.memory_space<vmem>>)
      tpu.yield
    }) : () -> ()
    %mul3A_143 = arith.constant 100096 : i32
    %mul3A_144 = arith.muli %arg0, %mul3A_143 : i32
    %add3A_145 = arith.addi %mul3A_144, %add3A_142 : i32
    "tpu.region"() ({
      %run_scoped3A = tpu.sem_alloc : memref<!tpu.dma_semaphore, #tpu.memory_space<semaphore_mem>>
      %dma_start3A = arith.constant 0 : i32
      %dma_start3A_151 = tpu.memref_slice %arg35[%dma_start3A] : memref<2048xf32, #tpu.memory_space<vmem>> -> memref<2048xf32, #tpu.memory_space<vmem>>
      %dma_start3A_152 = tpu.memref_slice %arg11[%add3A_145] : memref<200192xf32, #tpu.memory_space<hbm>> -> memref<2048xf32, #tpu.memory_space<hbm>>
      %dma_start3A_153 = tpu.memref_slice %arg11[%add3A_145] : memref<200192xf32, #tpu.memory_space<hbm>> -> memref<2048xf32, #tpu.memory_space<hbm>>
      %dma_start3A_154 = arith.constant 0 : i32
      %dma_start3A_155 = tpu.memref_slice %arg35[%dma_start3A_154] : memref<2048xf32, #tpu.memory_space<vmem>> -> memref<2048xf32, #tpu.memory_space<vmem>>
      tpu.enqueue_dma source(%dma_start3A_155 : memref<2048xf32, #tpu.memory_space<vmem>>) target(%dma_start3A_153 : memref<2048xf32, #tpu.memory_space<hbm>>) target_semaphore(%run_scoped3A : memref<!tpu.dma_semaphore, #tpu.memory_space<semaphore_mem>>)
      %dma_wait3A = arith.constant 0 : i32
      %dma_wait3A_156 = tpu.memref_slice %arg35[%dma_wait3A] : memref<2048xf32, #tpu.memory_space<vmem>> -> memref<2048xf32, #tpu.memory_space<vmem>>
      %dma_wait3A_157 = tpu.memref_slice %arg11[%add3A_145] : memref<200192xf32, #tpu.memory_space<hbm>> -> memref<2048xf32, #tpu.memory_space<hbm>>
      %dma_wait3A_158 = tpu.memref_slice %arg11[%add3A_145] : memref<200192xf32, #tpu.memory_space<hbm>> -> memref<2048xf32, #tpu.memory_space<hbm>>
      %dma_wait3A_159 = arith.constant 0 : i32
      %dma_wait3A_160 = tpu.memref_slice %arg35[%dma_wait3A_159] : memref<2048xf32, #tpu.memory_space<vmem>> -> memref<2048xf32, #tpu.memory_space<vmem>>
      tpu.wait_dma2 semaphore(%run_scoped3A : memref<!tpu.dma_semaphore, #tpu.memory_space<semaphore_mem>>) src(%dma_wait3A_160 : memref<2048xf32, #tpu.memory_space<vmem>>) dst(%dma_wait3A_158 : memref<2048xf32, #tpu.memory_space<hbm>>)
      tpu.yield
    }) : () -> ()
    %add3A_146 = arith.constant 6144 : i32
    %add3A_147 = arith.addi %mul3A_2, %add3A_146 : i32
    "tpu.region"() ({
      %run_scoped3A = tpu.sem_alloc : memref<!tpu.dma_semaphore, #tpu.memory_space<semaphore_mem>>
      %dma_start3A = arith.constant 0 : i32
      %dma_start3A_151 = tpu.memref_slice %arg35[%dma_start3A] : memref<2048xf32, #tpu.memory_space<vmem>> -> memref<112xf32, #tpu.memory_space<vmem>>
      %dma_start3A_152 = tpu.memref_slice %arg19[%add3A_147] : memref<100096xf32, #tpu.memory_space<vmem_shared>> -> memref<112xf32, #tpu.memory_space<vmem_shared>>
      %dma_start3A_153 = arith.constant 0 : i32
      %dma_start3A_154 = tpu.memref_slice %arg35[%dma_start3A_153] : memref<2048xf32, #tpu.memory_space<vmem>> -> memref<112xf32, #tpu.memory_space<vmem>>
      %dma_start3A_155 = tpu.memref_slice %arg19[%add3A_147] : memref<100096xf32, #tpu.memory_space<vmem_shared>> -> memref<112xf32, #tpu.memory_space<vmem_shared>>
      tpu.enqueue_dma source(%dma_start3A_155 : memref<112xf32, #tpu.memory_space<vmem_shared>>) target(%dma_start3A_154 : memref<112xf32, #tpu.memory_space<vmem>>) target_semaphore(%run_scoped3A : memref<!tpu.dma_semaphore, #tpu.memory_space<semaphore_mem>>)
      %dma_wait3A = arith.constant 0 : i32
      %dma_wait3A_156 = tpu.memref_slice %arg35[%dma_wait3A] : memref<2048xf32, #tpu.memory_space<vmem>> -> memref<112xf32, #tpu.memory_space<vmem>>
      %dma_wait3A_157 = tpu.memref_slice %arg19[%add3A_147] : memref<100096xf32, #tpu.memory_space<vmem_shared>> -> memref<112xf32, #tpu.memory_space<vmem_shared>>
      %dma_wait3A_158 = arith.constant 0 : i32
      %dma_wait3A_159 = tpu.memref_slice %arg35[%dma_wait3A_158] : memref<2048xf32, #tpu.memory_space<vmem>> -> memref<112xf32, #tpu.memory_space<vmem>>
      %dma_wait3A_160 = tpu.memref_slice %arg19[%add3A_147] : memref<100096xf32, #tpu.memory_space<vmem_shared>> -> memref<112xf32, #tpu.memory_space<vmem_shared>>
      tpu.wait_dma2 semaphore(%run_scoped3A : memref<!tpu.dma_semaphore, #tpu.memory_space<semaphore_mem>>) src(%dma_wait3A_160 : memref<112xf32, #tpu.memory_space<vmem_shared>>) dst(%dma_wait3A_159 : memref<112xf32, #tpu.memory_space<vmem>>)
      tpu.yield
    }) : () -> ()
    %mul3A_148 = arith.constant 100096 : i32
    %mul3A_149 = arith.muli %arg0, %mul3A_148 : i32
    %add3A_150 = arith.addi %mul3A_149, %add3A_147 : i32
    "tpu.region"() ({
      %run_scoped3A = tpu.sem_alloc : memref<!tpu.dma_semaphore, #tpu.memory_space<semaphore_mem>>
      %dma_start3A = arith.constant 0 : i32
      %dma_start3A_151 = tpu.memref_slice %arg35[%dma_start3A] : memref<2048xf32, #tpu.memory_space<vmem>> -> memref<112xf32, #tpu.memory_space<vmem>>
      %dma_start3A_152 = tpu.memref_slice %arg11[%add3A_150] : memref<200192xf32, #tpu.memory_space<hbm>> -> memref<112xf32, #tpu.memory_space<hbm>>
      %dma_start3A_153 = tpu.memref_slice %arg11[%add3A_150] : memref<200192xf32, #tpu.memory_space<hbm>> -> memref<112xf32, #tpu.memory_space<hbm>>
      %dma_start3A_154 = arith.constant 0 : i32
      %dma_start3A_155 = tpu.memref_slice %arg35[%dma_start3A_154] : memref<2048xf32, #tpu.memory_space<vmem>> -> memref<112xf32, #tpu.memory_space<vmem>>
      tpu.enqueue_dma source(%dma_start3A_155 : memref<112xf32, #tpu.memory_space<vmem>>) target(%dma_start3A_153 : memref<112xf32, #tpu.memory_space<hbm>>) target_semaphore(%run_scoped3A : memref<!tpu.dma_semaphore, #tpu.memory_space<semaphore_mem>>)
      %dma_wait3A = arith.constant 0 : i32
      %dma_wait3A_156 = tpu.memref_slice %arg35[%dma_wait3A] : memref<2048xf32, #tpu.memory_space<vmem>> -> memref<112xf32, #tpu.memory_space<vmem>>
      %dma_wait3A_157 = tpu.memref_slice %arg11[%add3A_150] : memref<200192xf32, #tpu.memory_space<hbm>> -> memref<112xf32, #tpu.memory_space<hbm>>
      %dma_wait3A_158 = tpu.memref_slice %arg11[%add3A_150] : memref<200192xf32, #tpu.memory_space<hbm>> -> memref<112xf32, #tpu.memory_space<hbm>>
      %dma_wait3A_159 = arith.constant 0 : i32
      %dma_wait3A_160 = tpu.memref_slice %arg35[%dma_wait3A_159] : memref<2048xf32, #tpu.memory_space<vmem>> -> memref<112xf32, #tpu.memory_space<vmem>>
      tpu.wait_dma2 semaphore(%run_scoped3A : memref<!tpu.dma_semaphore, #tpu.memory_space<semaphore_mem>>) src(%dma_wait3A_160 : memref<112xf32, #tpu.memory_space<vmem>>) dst(%dma_wait3A_158 : memref<112xf32, #tpu.memory_space<hbm>>)
      tpu.yield
    }) : () -> ()
    return
  }
}

module attributes {stable_mosaic.version = 14 : i64} {
  func.func @_combine_body(%arg0: memref<200192xf32, #tpu.memory_space<vmem>>, %arg1: memref<200192xf32, #tpu.memory_space<vmem>>, %arg2: memref<200192xf32, #tpu.memory_space<vmem>>, %arg3: memref<200192xf32, #tpu.memory_space<vmem>>, %arg4: memref<512xf32, #tpu.memory_space<vmem>>, %arg5: memref<1x100096xf32, #tpu.memory_space<vmem>>, %arg6: memref<3x100096xf32, #tpu.memory_space<vmem>>, %arg7: memref<1x1xf32, #tpu.memory_space<vmem>>) attributes {dimension_semantics = [], scalar_prefetch = 0 : i64, scratch_operands = 0 : i64, tpu.core_type = #tpu.core_type<tc>} {
    %get3A = arith.constant 0 : index
    %get3A_0 = vector.load %arg0[%get3A] : memref<200192xf32, #tpu.memory_space<vmem>>, vector<100096xf32>
    %get3A_1 = arith.constant 100096 : index
    %get3A_2 = vector.load %arg0[%get3A_1] : memref<200192xf32, #tpu.memory_space<vmem>>, vector<100096xf32>
    %add3A = arith.addf %get3A_0, %get3A_2 : vector<100096xf32>
    %swap3A = arith.constant 0 : index
    %swap3A_3 = arith.constant 0 : index
    %swap3A_4 = vector.load %arg5[%swap3A, %swap3A_3] : memref<1x100096xf32, #tpu.memory_space<vmem>>, vector<1x100096xf32>
    %swap3A_5 = vector.shape_cast %swap3A_4 : vector<1x100096xf32> to vector<100096xf32>
    %swap3A_6 = vector.shape_cast %add3A : vector<100096xf32> to vector<1x100096xf32>
    tpu.vector_store %arg5[%swap3A, %swap3A_3], %swap3A_6 {strides = array<i32>} : memref<1x100096xf32, #tpu.memory_space<vmem>>, vector<1x100096xf32>,
    %get3A_7 = arith.constant 0 : index
    %get3A_8 = vector.load %arg1[%get3A_7] : memref<200192xf32, #tpu.memory_space<vmem>>, vector<100096xf32>
    %get3A_9 = arith.constant 100096 : index
    %get3A_10 = vector.load %arg1[%get3A_9] : memref<200192xf32, #tpu.memory_space<vmem>>, vector<100096xf32>
    %add3A_11 = arith.addf %get3A_8, %get3A_10 : vector<100096xf32>
    %swap3A_12 = arith.constant 0 : index
    %swap3A_13 = arith.constant 0 : index
    %swap3A_14 = vector.load %arg6[%swap3A_12, %swap3A_13] : memref<3x100096xf32, #tpu.memory_space<vmem>>, vector<1x100096xf32>
    %swap3A_15 = vector.shape_cast %swap3A_14 : vector<1x100096xf32> to vector<100096xf32>
    %swap3A_16 = vector.shape_cast %add3A_11 : vector<100096xf32> to vector<1x100096xf32>
    tpu.vector_store %arg6[%swap3A_12, %swap3A_13], %swap3A_16 {strides = array<i32>} : memref<3x100096xf32, #tpu.memory_space<vmem>>, vector<1x100096xf32>,
    %get3A_17 = arith.constant 0 : index
    %get3A_18 = vector.load %arg2[%get3A_17] : memref<200192xf32, #tpu.memory_space<vmem>>, vector<100096xf32>
    %get3A_19 = arith.constant 100096 : index
    %get3A_20 = vector.load %arg2[%get3A_19] : memref<200192xf32, #tpu.memory_space<vmem>>, vector<100096xf32>
    %add3A_21 = arith.addf %get3A_18, %get3A_20 : vector<100096xf32>
    %swap3A_22 = arith.constant 1 : index
    %swap3A_23 = arith.constant 0 : index
    %swap3A_24 = vector.load %arg6[%swap3A_22, %swap3A_23] : memref<3x100096xf32, #tpu.memory_space<vmem>>, vector<1x100096xf32>
    %swap3A_25 = vector.shape_cast %swap3A_24 : vector<1x100096xf32> to vector<100096xf32>
    %swap3A_26 = vector.shape_cast %add3A_21 : vector<100096xf32> to vector<1x100096xf32>
    tpu.vector_store %arg6[%swap3A_22, %swap3A_23], %swap3A_26 {strides = array<i32>} : memref<3x100096xf32, #tpu.memory_space<vmem>>, vector<1x100096xf32>,
    %get3A_27 = arith.constant 0 : index
    %get3A_28 = vector.load %arg3[%get3A_27] : memref<200192xf32, #tpu.memory_space<vmem>>, vector<100096xf32>
    %get3A_29 = arith.constant 100096 : index
    %get3A_30 = vector.load %arg3[%get3A_29] : memref<200192xf32, #tpu.memory_space<vmem>>, vector<100096xf32>
    %add3A_31 = arith.addf %get3A_28, %get3A_30 : vector<100096xf32>
    %swap3A_32 = arith.constant 2 : index
    %swap3A_33 = arith.constant 0 : index
    %swap3A_34 = vector.load %arg6[%swap3A_32, %swap3A_33] : memref<3x100096xf32, #tpu.memory_space<vmem>>, vector<1x100096xf32>
    %swap3A_35 = vector.shape_cast %swap3A_34 : vector<1x100096xf32> to vector<100096xf32>
    %swap3A_36 = vector.shape_cast %add3A_31 : vector<100096xf32> to vector<1x100096xf32>
    tpu.vector_store %arg6[%swap3A_32, %swap3A_33], %swap3A_36 {strides = array<i32>} : memref<3x100096xf32, #tpu.memory_space<vmem>>, vector<1x100096xf32>,
    %get3A_37 = arith.constant 0 : index
    %get3A_38 = vector.load %arg4[%get3A_37] : memref<512xf32, #tpu.memory_space<vmem>>, vector<512xf32>
    %reduce_sum3A = vector.shape_cast %get3A_38 : vector<512xf32> to vector<1x512xf32>
    %reduce_sum3A_39 = arith.constant dense<0.000000e+00> : vector<1xf32>
    %reduce_sum3A_40 = vector.multi_reduction <add>, %reduce_sum3A, %reduce_sum3A_39 [1] : vector<1x512xf32> to vector<1xf32>
    %reduce_sum3A_41 = vector.shape_cast %reduce_sum3A_40 : vector<1xf32> to vector<1x1xf32>
    %reduce_sum3A_42 = vector.extract %reduce_sum3A_41[0, 0] : f32 from vector<1x1xf32>
    %mul3A = arith.constant 5.000000e-01 : f32
    %mul3A_43 = arith.mulf %mul3A, %reduce_sum3A_42 : f32
    %reshape3A = vector.broadcast %mul3A_43 : f32 to vector<1x1xf32>
    %swap3A_44 = arith.constant 0 : index
    %swap3A_45 = arith.constant 0 : index
    %swap3A_46 = vector.load %arg7[%swap3A_44, %swap3A_45] : memref<1x1xf32, #tpu.memory_space<vmem>>, vector<1x1xf32>
    tpu.vector_store %arg7[%swap3A_44, %swap3A_45], %reshape3A {strides = array<i32>} : memref<1x1xf32, #tpu.memory_space<vmem>>, vector<1x1xf32>,
    return
  }
}

</mosaic_0001>

<sc_bundles>
// kernel: kernel.4.cloned.1.call-start
scs
__scs_entry_jumppad:
0x0: {  	(pc) =	sbr.rel $0x88, $3  }
0x1: {  	(tag) =	ssettag $0x0;
	lr =	simm.s32 $0x1  }
0x2: {  	[smem:$0x3F9F] =	sst lr;
	_ =	strace $0xD0000000  }
0x3: {  	_ = 	snop  }
0x4: {  	_ = 	snop  }
0x5: {  	_ = 	snop  }
0x6: {  	_ = 	snop  }
0x7: {  	_ = 	snop  }
__scs_overlays_trampoline_lowered:
0x8: {  	[smem:$0x3FAE] =	sst s0  }
0x9: {  	[smem:$0x3FAF] =	sst s1  }
0xa: {  	[smem:$0x3FB0] =	sst s2  }
0xb: {  	[smem:$0x3FB1] =	sst s3  }
0xc: {  	[smem:$0x3FB2] =	sst s4  }
0xd: {  	[smem:$0x3FB3] =	sst s5  }
0xe: {  	[smem:$0x3FB4] =	sst s6  }
0xf: {  	[smem:$0x3FB5] =	sst s7  }
0x10: {  	[smem:$0x3FB6] =	sst s8  }
0x11: {  	[smem:$0x3FB7] =	sst s9;
	s0 =	simm.s32 @!p0 $0x0  }
0x12: {  	s1 =	sld [smem:$0x3F9D];
	s0 =	simm.s32 @p0 $0x1  }
0x13: {  	[smem:$0x3FB8] =	sst s0;
	s0 =	simm.s32 @!p1 $0x0  }
0x14: {  	s2 =	sld [smem:$0x3F9C];
	s0 =	simm.s32 @p1 $0x1  }
0x15: {  	[smem:$0x3FB9] =	sst s0;
	s0 =	simm.s32 @!p2 $0x0  }
0x16: {  	s3 =	sld [smem:$0x3FDB];
	s0 =	simm.s32 @p2 $0x1  }
0x17: {  	s4 =	simm.s32 $0x1BF5;
	[smem:$0x3FBB] =	sst s0  }
0x18: {  	s0 =	sld [smem:$0x3F9E];
	_ =	swait.ge [sflag:s4], $0x0  }
0x19: {  	s7 =	sld [smem:$0x3F9F]  }
0x1a: {  	s8 =	sadd.s32 $0xFFFFE003, lr  }
0x1b: {  	s9 =	sadd.s32 $0xFFFFFEF7, lr;
	s5 =	simm.s32 $0xFFFFFFFF;
	p2 =	slt.u32 s8, $0xFFFFF086  }
0x1c: {  	p1 =	slt.u32 s9, $0xF7A;
	s5 =	simm.s32 @!p2 $0x0  }
0x1d: {  	s5 =	simm.s32 @p1 $0x1;
	p0 =	seq.s32 s7, s2  }
0x1e: {  	s7 =	smul.u32 @!p0 $0xF7A, s2;
	p2 =	seq.s32 @!p0 s5, $0x0  }
0x1f: {  	s9 =	smul.u32 $0xF7A, s1;
	s8 =	simm.s32 @!p0 $0x1BF5;
	p2 =	por !p2, p0  }
0x20: {  	[sflag:s8] =	ssyncset.s32 @!p0 $0xFFFFF086;
	s6 =	sadd.s32 @!p0 s3, s7;
	s7 =	simm.s32 @!p0 $0x108  }
0x21: {  	s3 =	sadd.s32 s3, s9;
	s6 =	sadd.s32 @!p0 $0x88, s6;
	s7 =	simm.s32 @p2 $0x1082  }
0x22: {  	[simem:s7], [sflag:s8] =	dma.local @!p0 [hbm:s6], $0xF7A  }
0x23: {  	s9 =	sor.u32 $0xD0000000, s2;
	s6 =	simm.s32 $0x108;
	_ =	swait.ge @!p0 [sflag:s8], $0x0  }
0x24: {  	s3 =	sadd.s32 $0x88, s3;
	s6 =	simm.s32 @!p1 $0x1082;
	[sflag:s4] =	ssyncset.s32 $0xFFFFF086  }
0x25: {  	[simem:s6], [sflag:s4] =	dma.local [hbm:s3], $0xF7A  }
0x26: {  	[smem:$0x3F9F] =	sst s1;
	(tag) =	ssettag s2;
	_ =	strace s9  }
0x27: {  	s1 =	sld [smem:$0x3FAF]  }
0x28: {  	s2 =	sld [smem:$0x3FB0]  }
0x29: {  	s4 =	sld [smem:$0x3FB2]  }
0x2a: {  	p0 =	seq.s32 s5, $0x0;
	s5 =	sld [smem:$0x3FB3]  }
0x2b: {  	s6 =	sld [smem:$0x3FB4]  }
0x2c: {  	s7 =	sld [smem:$0x3FB5]  }
0x2d: {  	s3 =	simm.s32 $0x108;
	s8 =	sld [smem:$0x3FB6]  }
0x2e: {  	s3 =	simm.s32 @!p0 $0x1082;
	s9 =	sld [smem:$0x3FB7]  }
0x2f: {  	lr =	sadd.s32 s0, s3;
	s0 =	sld [smem:$0x3FAE]  }
0x30: {  	s3 =	sld [smem:$0x3FB1]  }
0x31: {  	[smem:$0x3FBA] =	sst s10  }
0x32: {  	s10 =	sld [smem:$0x3FB8];
	_ =	sdelay $0x3  }
0x33: {  	p0 =	seq.s32 s10, $0x1;
	s10 =	sld [smem:$0x3FBA];
	_ =	sdelay $0x3  }
0x34: {  	[smem:$0x3FBA] =	sst s10  }
0x35: {  	s10 =	sld [smem:$0x3FB9];
	_ =	sdelay $0x3  }
0x36: {  	p1 =	seq.s32 s10, $0x1;
	s10 =	sld [smem:$0x3FBA];
	_ =	sdelay $0x3  }
0x37: {  	[smem:$0x3FBA] =	sst s10  }
0x38: {  	s10 =	sld [smem:$0x3FBB]  }
0x39: {  	_ = 	snop;
	(pc) =	sbr.ind lr, $3  }
0x3a: {  	_ = 	snop  }
0x3b: {  	_ = 	snop  }
0x3c: {  	p2 =	seq.s32 s10, $0x1;
	s10 =	sld [smem:$0x3FBA]  }
0x3d: {  	_ =	shalt  }
0x3e: {  	_ =	shalt  }
0x3f: {  	_ =	shalt  }
0x40: {  	_ =	shalt  }
0x41: {  	_ =	shalt  }
0x42: {  	_ =	shalt  }
0x43: {  	_ =	shalt  }
0x44: {  	_ =	shalt  }
0x45: {  	_ =	shalt  }
0x46: {  	_ =	shalt  }
0x47: {  	_ =	shalt  }
0x48: {  	_ =	shalt  }
0x49: {  	_ =	shalt  }
0x4a: {  	_ =	shalt  }
0x4b: {  	_ =	shalt  }
0x4c: {  	_ =	shalt  }
0x4d: {  	_ =	shalt  }
0x4e: {  	_ =	shalt  }
0x4f: {  	_ =	shalt  }
0x50: {  	_ =	shalt  }
0x51: {  	_ =	shalt  }
0x52: {  	_ =	shalt  }
0x53: {  	_ =	shalt  }
0x54: {  	_ =	shalt  }
0x55: {  	_ =	shalt  }
0x56: {  	_ =	shalt  }
0x57: {  	_ =	shalt  }
0x58: {  	_ =	shalt  }
0x59: {  	_ =	shalt  }
0x5a: {  	_ =	shalt  }
0x5b: {  	_ =	shalt  }
0x5c: {  	_ =	shalt  }
0x5d: {  	_ =	shalt  }
0x5e: {  	_ =	shalt  }
0x5f: {  	_ =	shalt  }
0x60: {  	_ =	shalt  }
0x61: {  	_ =	shalt  }
0x62: {  	_ =	shalt  }
0x63: {  	_ =	shalt  }
0x64: {  	_ =	shalt  }
0x65: {  	_ =	shalt  }
0x66: {  	_ =	shalt  }
0x67: {  	_ =	shalt  }
0x68: {  	_ =	shalt  }
0x69: {  	_ =	shalt  }
0x6a: {  	_ =	shalt  }
0x6b: {  	_ =	shalt  }
0x6c: {  	_ =	shalt  }
0x6d: {  	_ =	shalt  }
0x6e: {  	_ =	shalt  }
0x6f: {  	_ =	shalt  }
0x70: {  	_ =	shalt  }
0x71: {  	_ =	shalt  }
0x72: {  	_ =	shalt  }
0x73: {  	_ =	shalt  }
0x74: {  	_ =	shalt  }
0x75: {  	_ =	shalt  }
0x76: {  	_ =	shalt  }
0x77: {  	_ =	shalt  }
0x78: {  	_ =	shalt  }
0x79: {  	_ =	shalt  }
0x7a: {  	_ =	shalt  }
0x7b: {  	_ =	shalt  }
0x7c: {  	_ =	shalt  }
0x7d: {  	_ =	shalt  }
0x7e: {  	_ =	shalt  }
0x7f: {  	_ =	shalt  }
0x80: {  	_ =	shalt  }
0x81: {  	_ =	shalt  }
0x82: {  	_ =	shalt  }
0x83: {  	_ =	shalt  }
0x84: {  	_ =	shalt  }
0x85: {  	_ =	shalt  }
0x86: {  	_ =	shalt  }
0x87: {  	_ =	shalt  }
.Lfunc_end0:
.L_simem_size_0:
called_computation_lowered:
.L_overlay_start_0:
0x88: {  	s2 =	sld [smem:$0x3FD9]  }
0x89: {  	s3 =	sld [smem:$0x3FFE];
	_ =	sdelay $0x1  }
0x8a: {  	s1 =	srdreg.scid  }
0x8b: {  	s0 =	sand.u32 $0x1, s1  }
0x8c: {  	s14 =	sshll.u32 s0, $0xA;
	s2 =	sadd.s32 s3, s2  }
0x8d: {  	s2 =	sadd.s32 s2, s14  }
0x8e: {  	[smem:$0x3FC6] =	sst s2  }
0x8f: {  	_ = 	snop  }
0x90: {  	s2 =	sld [smem:$0x3FD0];
	_ =	sdelay $0x2  }
0x91: {  	s15 =	simm.s32 $0xA;
	s4 =	simm.s32 $0x10  }
0x92: {  	[smem:s4], [sflag:s15] =	dma.local [hbm:s2], $0x1  }
0x93: {  	_ =	swait.eq [sflag:s15], $0x1  }
0x94: {  	[sflag:s15] =	ssyncset.done $0x0  }
0x95: {  	s16 =	sld [smem:$0x11];
	[sflag:s15] =	ssyncadd.s32 $0xFFFFFFFF  }
0x96: {  	s17 =	sld [smem:$0x12];
	(tm) =	ssettm $0x1  }
0x97: {  	s18 =	sld [smem:$0x3FFB];
	_ =	sdelay $0x3  }
0x98: {  	_ =	strace s18  }
0x99: {  	s4 =	sld [smem:$0x3FFC];
	_ =	sdelay $0x3  }
0x9a: {  	_ =	strace s4  }
0x9b: {  	s4 =	sld [smem:$0x3FFD];
	_ =	sdelay $0x3  }
0x9c: {  	_ =	strace s4  }
0x9d: {  	_ =	strace $0x8FFFFFFF  }
0x9e: {  	s19 =	sld [smem:$0x3FDB];
	_ =	sdelay $0x1  }
0x9f: {  	s5 =	simm.s32 $_scs_section_size  }
0xa0: {  	s6 =	simm.s32 $_size__tile_overlayer_lowered;
	s7 =	simm.s32 $_tile_overlayer_lowered  }
0xa1: {  	s22 =	simm.s32 $0x1BFF;
	s21 =	sshll.u32 s7, $0x1;
	s4 =	sadd.s32 s5, s19  }
0xa2: {  	s8 =	simm.s32 $0x0;
	s20 =	sshll.u32 s6, $0x1;
	s6 =	sadd.s32 s21, s4  }
0xa3: {  	[timem:s8], [sflag:s22] =	dma.local [hbm:s6], s20  }
0xa4: {  	_ =	swait.ge [sflag:s22], s20  }
0xa5: {  	s5 =	ssub.s32 $0x0, s20;
	[sflag:s22] =	ssyncset.done $0x0  }
0xa6: {  	[sflag:s22] =	ssyncadd.s32 s5;
	_ =	sdelay $0x1  }
0xa7: {  	s23 =	simm.s32 $0x1B8B  }
0xa8: {  	_ =	swait.ge [sflag:s23], $0x1  }
0xa9: {  	[sflag:s23] =	ssyncset.done $0x0  }
0xaa: {  	s25 =	simm.s32 $0x1B8E;
	s24 =	sld [smem:$0x3FFE];
	[sflag:s23] =	ssyncadd.s32 $0xFFFFFFFF  }
0xab: {  	s26 =	simm.s32 $execute0_lowered;
	[smem:$0x3FD2] =	sst s25  }
0xac: {  	s6 =	sshll.u32 s26, $0x1;
	_ =	strace $0x80000046;
	[dreg:$0x1] =	wrdreg $0xFFFFFFFF  }
0xad: {  	s28 =	simm.s32 $_size_execute0_lowered;
	s4 =	sadd.s32 s4, s6;
	[dreg:$0x0] =	wrdreg $0x0  }
0xae: {  	s6 =	sshll.u32 s28, $0x1;
	[dreg:$0x2] =	wrdreg s4  }
0xaf: {  	[dreg:$0x3] =	wrdreg s6  }
0xb0: {  	[dreg:$0x4] =	wrdreg $0xC0  }
0xb1: {  	_ =	task [dreg:s8], $0x5FFFF  }
0xb2: {  	[dreg:$0x1] =	wrdreg $0xFFFFFFFF  }
0xb3: {  	[dreg:$0x0] =	wrdreg $0x60  }
0xb4: {  	[dreg:$0x2] =	wrdreg s16  }
0xb5: {  	[dreg:$0x3] =	wrdreg s24  }
0xb6: {  	[dreg:$0x4] =	wrdreg s17  }
0xb7: {  	[dreg:$0x5] =	wrdreg $0x49500  }
0xb8: {  	[dreg:$0x6] =	wrdreg $0x61C00  }
0xb9: {  	[dreg:$0x7] =	wrdreg $0x7A300  }
0xba: {  	[dreg:$0x8] =	wrdreg $0x92A00  }
0xbb: {  	[dreg:$0x9] =	wrdreg $0x0  }
0xbc: {  	[dreg:$0xa] =	wrdreg $0x18700  }
0xbd: {  	[dreg:$0xb] =	wrdreg $0x30E00  }
0xbe: {  	[dreg:$0xc] =	wrdreg $0x9  }
0xbf: {  	_ =	task.clear_ibuf [dreg:s8], $0xDFFFF;
	_ =	strace $0x90000046  }
0xc0: {  	s29 =	simm.s32 $0x9;
	_ =	strace $0x80000048  }
0xc1: {  	_ =	swait.ge [sflag:s29], $0x1  }
0xc2: {  	[sflag:s29] =	ssyncadd.s32 $0xFFFFFFFF  }
0xc3: {  	_ =	strace $0x90000048  }
0xc4: {  	_ =	sfence  }
0xc5: {  	s30 =	sld [smem:$0x0];
	_ =	sdelay $0x2  }
0xc6: {  	s31 =	sshll.u32 s1, $0xD;
	s1 =	sshrl.u32 s1, $0x2  }
0xc7: {  	s3 =	sand.u32 $0x4000, s31;
	s1 =	sadd.s32 s1, s30  }
0xc8: {  	s0 =	sor.u32 s3, s0;
	s1 =	sshll.u32 s1, $0x11  }
0xc9: {  	s0 =	sor.u32 s1, s0  }
0xca: {  	s0 =	sadd.s32 $0x8F2B, s0  }
0xcb: {  	[sflag:s0] =	ssyncadd.remote.s32 $0x1  }
0xcc: {  	_ =	sfence.sel $0xFFFF  }
0xcd: {  	[dreg:$0x0] =	wrdreg $0xFFFFFFFF;
	(pc) =	sbr.abs _section_cstart, $3  }
0xce: {  	[dreg:$0x1] =	wrdreg $0xFFFFFFFF  }
0xcf: {  	_ =	task.clear_ibuf [dreg:s8], $0x2FFFF;
	_ =	strace $0x9FFFFFFF  }
0xd0: {  	(tm) =	ssettm $0x7FFFFFFF  }
0xd1: {  	_ =	shalt  }
tec
execute0_lowered:
.L_overlay_start_1:
0x0: {  	(tag) =	ssettag $0x1  }
0x1: {  	s3 =	rddreg [dreg:$0x0]  }
0x2: {  	s5 =	rddreg [dreg:$0x1]  }
0x3: {  	s7 =	rddreg [dreg:$0x2]  }
0x4: {  	s19 =	simm.s32 $0x0;
	s0 =	srdreg.scid;
	s28 =	rddreg [dreg:$0x8]  }
0x5: {  	s4 =	stileid.u32;
	[smem:$0x7FF] =	sst s19  }
0x6: {  	s8 =	sand.u32 $0x1, s0;
	s10 =	sadd.s32 $0x3400, s5;
	s9 =	smul.u32 $0x1870, s4  }
0x7: {  	s11 =	sadd.s32 $0x200, s5;
	s0 =	ssub.s32 $0x2, s8;
	s1 =	sshll.u32 s8, $0x4  }
0x8: {  	s2 =	sshrl.u32 s0, $0x1;
	s25 =	sor.u32 s4, s1;
	s6 =	sadd.s32 $0x800, s9  }
0x9: {  	s24 =	sadd.s32 $0x1000, s9;
	s12 =	sshrl.u32 s9, $0x3;
	s29 =	sadd.s32 $0x1800, s9  }
0xa: {  	s0 =	ssub.s32 s0, s2;
	s13 =	sadd.s32 s3, s12;
	s1 =	sshrl.u32 s6, $0x3  }
0xb: {  	s2 =	sshrl.u32 s24, $0x3;
	s15 =	sshrl.u32 s29, $0x3;
	s4 =	sadd.s32 s10, s12  }
0xc: {  	s21 =	sadd.s32 s11, s12;
	[dreg:$0xb] =	wrdreg s13;
	s14 =	sadd.s32 s3, s1  }
0xd: {  	s16 =	sadd.s32 s3, s2;
	s3 =	sadd.s32 s3, s15;
	[dreg:$0xf] =	wrdreg s4  }
0xe: {  	s20 =	sadd.s32 s10, s15;
	[dreg:$0x13] =	wrdreg s21;
	s22 =	sadd.s32 s11, s1  }
0xf: {  	s23 =	sadd.s32 s11, s2;
	s11 =	sadd.s32 s11, s15;
	s15 =	rddreg [dreg:$0x4]  }
0x10: {  	s21 =	rddreg [dreg:$0x6]  }
0x11: {  	[dreg:$0xc] =	wrdreg s14  }
0x12: {  	[dreg:$0xd] =	wrdreg s16  }
0x13: {  	s17 =	sadd.s32 s10, s2;
	[dreg:$0xe] =	wrdreg s3  }
0x14: {  	[dreg:$0x11] =	wrdreg s17  }
0x15: {  	s18 =	smul.u32 $0x18700, s8;
	[dreg:$0x12] =	wrdreg s20  }
0x16: {  	[dreg:$0x14] =	wrdreg s22  }
0x17: {  	s26 =	sadd.s32 s9, s18;
	[dreg:$0x15] =	wrdreg s23  }
0x18: {  	s8 =	sshrl.u32 s26, $0x3;
	[dreg:$0x16] =	wrdreg s11  }
0x19: {  	s2 =	sadd.s32 s18, s24;
	s16 =	sadd.s32 s10, s1;
	s14 =	rddreg [dreg:$0x3]  }
0x1a: {  	s1 =	sadd.s32 s18, s6;
	s3 =	sadd.s32 s18, s29;
	s20 =	rddreg [dreg:$0x5]  }
0x1b: {  	s11 =	sshrl.u32 s2, $0x3;
	s4 =	sadd.s32 s7, s8;
	[dreg:$0x10] =	wrdreg s16  }
0x1c: {  	s18 =	sadd.s32 $0x18D400, s5;
	[dreg:$0x17] =	wrdreg s4;
	s16 =	sadd.s32 s7, s11  }
0x1d: {  	s22 =	sadd.s32 s18, s8;
	[dreg:$0x19] =	wrdreg s16  }
0x1e: {  	s26 =	sadd.s32 s18, s11;
	[dreg:$0x1b] =	wrdreg s22  }
0x1f: {  	s10 =	sshrl.u32 s1, $0x3;
	[dreg:$0x1d] =	wrdreg s26  }
0x20: {  	s12 =	sshrl.u32 s3, $0x3;
	s13 =	sadd.s32 s7, s10;
	s26 =	rddreg [dreg:$0x7]  }
0x21: {  	s17 =	sadd.s32 s7, s12;
	[dreg:$0x18] =	wrdreg s13  }
0x22: {  	s23 =	sadd.s32 s18, s10;
	[dreg:$0x1a] =	wrdreg s17  }
0x23: {  	s1 =	sadd.s32 $0x193600, s5;
	s3 =	sadd.s32 s18, s12;
	[dreg:$0x1c] =	wrdreg s23  }
0x24: {  	s4 =	sadd.s32 s1, s8;
	[dreg:$0x1e] =	wrdreg s3  }
0x25: {  	s2 =	sadd.s32 $0x199800, s5;
	s16 =	sadd.s32 s1, s10;
	[dreg:$0x1f] =	wrdreg s4  }
0x26: {  	s18 =	sadd.s32 s2, s8;
	[smem:$0x7D7] =	sst s16  }
0x27: {  	s22 =	sadd.s32 s2, s10;
	[smem:$0x7DA] =	sst s18  }
0x28: {  	s7 =	sadd.s32 s2, s12;
	[smem:$0x7DB] =	sst s22  }
0x29: {  	s17 =	sadd.s32 s1, s11;
	[smem:$0x7DD] =	sst s7  }
0x2a: {  	s3 =	sadd.s32 s1, s12;
	[smem:$0x7D8] =	sst s17  }
0x2b: {  	s8 =	sadd.s32 $0x6600, s5;
	s23 =	sadd.s32 s2, s11;
	[smem:$0x7D9] =	sst s3  }
0x2c: {  	s1 =	sshll.u32 s25, $0x1;
	s7 =	sadd.s32 $0xC9C00, s5;
	s3 =	rddreg [dreg:$0x9]  }
0x2d: {  	[smem:$0x7DC] =	sst s23;
	s10 =	sadd.s32 s1, s5;
	s5 =	sadd.s32 $0x18D200, s5  }
0x2e: {  	s2 =	sadd.s32 s9, s15;
	_ =	strace $0x80000047;
	[smem:$0x7DE] =	sst s5  }
0x2f: {  	s4 =	sadd.s32 s9, s26;
	[smem:$0x7DF] =	sst s2  }
0x30: {  	s11 =	sadd.s32 s9, s28;
	[smem:$0x7E0] =	sst s4  }
0x31: {  	s16 =	sadd.s32 s6, s14;
	[smem:$0x7E1] =	sst s11  }
0x32: {  	s17 =	sadd.s32 s6, s15;
	[smem:$0x7E3] =	sst s16  }
0x33: {  	s18 =	sadd.s32 s6, s26;
	[smem:$0x7E4] =	sst s17  }
0x34: {  	s1 =	sadd.s32 s6, s28;
	[smem:$0x7E5] =	sst s18  }
0x35: {  	s0 =	smax.u32 s0, $0x1;
	[smem:$0x7E6] =	sst s1  }
0x36: {  	s23 =	sadd.s32 s9, s14;
	[smem:$0x7F1] =	sst s0  }
0x37: {  	s13 =	sadd.s32 s9, s20;
	[smem:$0x7F3] =	sst s23  }
0x38: {  	s22 =	sadd.s32 s9, s21;
	[smem:$0x7F4] =	sst s13  }
0x39: {  	s12 =	sadd.s32 s9, s3;
	[smem:$0x7F5] =	sst s22  }
0x3a: {  	s9 =	sadd.s32 s6, s3;
	[smem:$0x7E2] =	sst s12  }
0x3b: {  	s11 =	sadd.s32 s24, s14;
	[smem:$0x7E7] =	sst s9  }
0x3c: {  	s16 =	sadd.s32 s24, s28;
	[smem:$0x7E8] =	sst s11  }
0x3d: {  	s1 =	sadd.s32 s24, s3;
	[smem:$0x7EA] =	sst s16  }
0x3e: {  	s2 =	sadd.s32 s6, s20;
	s5 =	sadd.s32 s29, s14;
	[smem:$0x7EB] =	sst s1  }
0x3f: {  	s4 =	sadd.s32 s6, s21;
	s6 =	sadd.s32 s29, s26;
	[smem:$0x7EC] =	sst s5  }
0x40: {  	s0 =	simm.s32 $0x0;
	[smem:$0x7ED] =	sst s6  }
0x41: {  	[smem:$0x7F2] =	sst s0  }
0x42: {  	[smem:$0x7F6] =	sst s2  }
0x43: {  	s17 =	sadd.s32 s24, s15;
	[smem:$0x7F7] =	sst s4  }
0x44: {  	s18 =	sadd.s32 s24, s20;
	[smem:$0x7F8] =	sst s17  }
0x45: {  	s12 =	sadd.s32 s24, s26;
	[smem:$0x7F9] =	sst s18  }
0x46: {  	s30 =	simm.s32 $0x19B10;
	s9 =	sadd.s32 s29, s28;
	[smem:$0x7E9] =	sst s12  }
0x47: {  	s11 =	sadd.s32 s24, s21;
	s24 =	sadd.s32 s29, s3;
	[smem:$0x7EE] =	sst s9  }
0x48: {  	s6 =	smul.u32 $0x30D40, s25;
	s25 =	sadd.s32 $0x19FA00, s10;
	[smem:$0x7EF] =	sst s24  }
0x49: {  	s31 =	simm.s32 $0x12B10;
	s16 =	sadd.s32 s29, s20;
	[smem:$0x7F0] =	sst s25  }
0x4a: {  	s1 =	sadd.s32 s29, s21;
	s5 =	simm.s32 $0x3;
	[smem:$0x7FA] =	sst s11  }
0x4b: {  	s10 =	simm.s32 $0xFA0;
	s12 =	sadd.s32 s29, s15;
	[smem:$0x7FC] =	sst s16  }
0x4c: {  	s9 =	simm.s32 $0xAB10;
	s29 =	simm.s32 $0xBB10;
	[smem:$0x7FD] =	sst s1  }
0x4d: {  	s24 =	simm.s32 $0x1;
	s25 =	simm.s32 $0x2;
	[smem:$0x7FB] =	sst s12  }
.LBB2_1:
0x4e: {  	s0 =	sld [smem:$0x7DE];
	_ =	sdelay $0x2  }
0x4f: {  	[tilespmem:s30], [sflag:$0x3] =	stream.linear.gather [hbm4b:s0+s19], $0x800, $0x38;
	[tilespmem:$0x1A390] =	vst v63  }
0x50: {  	_ =	swait.ge [sflag:s5], $0x800  }
0x51: {  	[sflag:s5] =	ssyncset.done $0x0  }
0x52: {  	[sflag:s5] =	ssyncadd.s32 $0xFFFFF800  }
0x53: {  	[spmem:s23] =	stream.linear.scatter [tilespmem:s30], [sflag:$0x3], $0x800, $0x38;
	[tilespmem:$0x1A390] =	vst v63  }
0x54: {  	_ =	swait.ge [sflag:s5], $0x800  }
0x55: {  	s23 =	sld [smem:$0x7E3]  }
0x56: {  	[sflag:s5] =	ssyncset.done $0x0  }
0x57: {  	[sflag:s5] =	ssyncadd.s32 $0xFFFFF800  }
0x58: {  	[spmem:s23] =	stream.linear.scatter [tilespmem:s30], [sflag:$0x3], $0x800, $0x38;
	[tilespmem:$0x1A390] =	vst v63  }
0x59: {  	_ =	swait.ge [sflag:s5], $0x800  }
0x5a: {  	s23 =	sld [smem:$0x7E8]  }
0x5b: {  	[sflag:s5] =	ssyncset.done $0x0  }
0x5c: {  	[sflag:s5] =	ssyncadd.s32 $0xFFFFF800  }
0x5d: {  	[spmem:s23] =	stream.linear.scatter [tilespmem:s30], [sflag:$0x3], $0x800, $0x38;
	[tilespmem:$0x1A390] =	vst v63  }
0x5e: {  	_ =	swait.ge [sflag:s5], $0x800  }
0x5f: {  	s23 =	sld [smem:$0x7EC]  }
0x60: {  	[sflag:s5] =	ssyncset.done $0x0  }
0x61: {  	[sflag:s5] =	ssyncadd.s32 $0xFFFFF800  }
0x62: {  	[spmem:s23] =	stream.linear.scatter [tilespmem:s30], [sflag:$0x3], $0x70, $0x38;
	[tilespmem:$0x1A390] =	vst v63  }
0x63: {  	_ =	swait.ge [sflag:s5], $0x70  }
0x64: {  	s23 =	sld [smem:$0x7DF]  }
0x65: {  	[sflag:s5] =	ssyncset.done $0x0  }
0x66: {  	[sflag:s5] =	ssyncadd.s32 $0xFFFFFF90  }
0x67: {  	[spmem:s23] =	stream.linear.scatter [tilespmem:s30], [sflag:$0x3], $0x800, $0x38;
	[tilespmem:$0x1A390] =	vst v63  }
0x68: {  	_ =	swait.ge [sflag:s5], $0x800  }
0x69: {  	s23 =	sld [smem:$0x7E4]  }
0x6a: {  	[sflag:s5] =	ssyncset.done $0x0  }
0x6b: {  	[sflag:s5] =	ssyncadd.s32 $0xFFFFF800  }
0x6c: {  	[spmem:s23] =	stream.linear.scatter [tilespmem:s30], [sflag:$0x3], $0x800, $0x38;
	[tilespmem:$0x1A390] =	vst v63  }
0x6d: {  	_ =	swait.ge [sflag:s5], $0x800  }
0x6e: {  	[sflag:s5] =	ssyncset.done $0x0  }
0x6f: {  	[sflag:s5] =	ssyncadd.s32 $0xFFFFF800  }
0x70: {  	[spmem:s17] =	stream.linear.scatter [tilespmem:s30], [sflag:$0x3], $0x800, $0x38;
	[tilespmem:$0x1A390] =	vst v63  }
0x71: {  	_ =	swait.ge [sflag:s5], $0x800  }
0x72: {  	[sflag:s5] =	ssyncset.done $0x0  }
0x73: {  	[sflag:s5] =	ssyncadd.s32 $0xFFFFF800  }
0x74: {  	[spmem:s12] =	stream.linear.scatter [tilespmem:s30], [sflag:$0x3], $0x70, $0x38;
	[tilespmem:$0x1A390] =	vst v63  }
0x75: {  	_ =	swait.ge [sflag:s5], $0x70  }
0x76: {  	[sflag:s5] =	ssyncset.done $0x0  }
0x77: {  	[sflag:s5] =	ssyncadd.s32 $0xFFFFFF90  }
0x78: {  	[spmem:s13] =	stream.linear.scatter [tilespmem:s30], [sflag:$0x3], $0x800, $0x38;
	[tilespmem:$0x1A390] =	vst v63  }
0x79: {  	_ =	swait.ge [sflag:s5], $0x800  }
0x7a: {  	[sflag:s5] =	ssyncset.done $0x0  }
0x7b: {  	[sflag:s5] =	ssyncadd.s32 $0xFFFFF800  }
0x7c: {  	[spmem:s2] =	stream.linear.scatter [tilespmem:s30], [sflag:$0x3], $0x800, $0x38;
	[tilespmem:$0x1A390] =	vst v63  }
0x7d: {  	_ =	swait.ge [sflag:s5], $0x800  }
0x7e: {  	[sflag:s5] =	ssyncset.done $0x0  }
0x7f: {  	[sflag:s5] =	ssyncadd.s32 $0xFFFFF800  }
0x80: {  	[spmem:s18] =	stream.linear.scatter [tilespmem:s30], [sflag:$0x3], $0x800, $0x38;
	[tilespmem:$0x1A390] =	vst v63  }
0x81: {  	_ =	swait.ge [sflag:s5], $0x800  }
0x82: {  	[sflag:s5] =	ssyncset.done $0x0  }
0x83: {  	[sflag:s5] =	ssyncadd.s32 $0xFFFFF800  }
0x84: {  	[spmem:s16] =	stream.linear.scatter [tilespmem:s30], [sflag:$0x3], $0x70, $0x38;
	[tilespmem:$0x1A390] =	vst v63  }
0x85: {  	_ =	swait.ge [sflag:s5], $0x70  }
0x86: {  	[sflag:s5] =	ssyncset.done $0x0  }
0x87: {  	[sflag:s5] =	ssyncadd.s32 $0xFFFFFF90  }
0x88: {  	[spmem:s22] =	stream.linear.scatter [tilespmem:s30], [sflag:$0x3], $0x800, $0x38;
	[tilespmem:$0x1A390] =	vst v63  }
0x89: {  	_ =	swait.ge [sflag:s5], $0x800  }
0x8a: {  	[sflag:s5] =	ssyncset.done $0x0  }
0x8b: {  	[sflag:s5] =	ssyncadd.s32 $0xFFFFF800  }
0x8c: {  	[spmem:s4] =	stream.linear.scatter [tilespmem:s30], [sflag:$0x3], $0x800, $0x38;
	[tilespmem:$0x1A390] =	vst v63  }
0x8d: {  	_ =	swait.ge [sflag:s5], $0x800  }
0x8e: {  	[sflag:s5] =	ssyncset.done $0x0  }
0x8f: {  	[sflag:s5] =	ssyncadd.s32 $0xFFFFF800  }
0x90: {  	[spmem:s11] =	stream.linear.scatter [tilespmem:s30], [sflag:$0x3], $0x800, $0x38;
	[tilespmem:$0x1A390] =	vst v63  }
0x91: {  	_ =	swait.ge [sflag:s5], $0x800  }
0x92: {  	[sflag:s5] =	ssyncset.done $0x0  }
0x93: {  	[sflag:s5] =	ssyncadd.s32 $0xFFFFF800  }
0x94: {  	[spmem:s1] =	stream.linear.scatter [tilespmem:s30], [sflag:$0x3], $0x70, $0x38;
	[tilespmem:$0x1A390] =	vst v63  }
0x95: {  	_ =	swait.ge [sflag:s5], $0x70  }
0x96: {  	[sflag:s5] =	ssyncset.done $0x0  }
0x97: {  	s22 =	rddreg [dreg:$0xb];
	[sflag:s5] =	ssyncadd.s32 $0xFFFFFF90  }
0x98: {  	[tilespmem:s30], [sflag:$0x3] =	stream.linear.gather [hbm4b:s22+s19], $0x800, $0x38;
	[tilespmem:$0x1A390] =	vst v63  }
0x99: {  	_ =	swait.ge [sflag:s5], $0x800  }
0x9a: {  	s23 =	sld [smem:$0x7E0]  }
0x9b: {  	[sflag:s5] =	ssyncset.done $0x0  }
0x9c: {  	[sflag:s5] =	ssyncadd.s32 $0xFFFFF800  }
0x9d: {  	[spmem:s23] =	stream.linear.scatter [tilespmem:s30], [sflag:$0x3], $0x800, $0x38;
	[tilespmem:$0x1A390] =	vst v63  }
0x9e: {  	_ =	swait.ge [sflag:s5], $0x800  }
0x9f: {  	[sflag:s5] =	ssyncset.done $0x0  }
0xa0: {  	s1 =	rddreg [dreg:$0xc];
	[sflag:s5] =	ssyncadd.s32 $0xFFFFF800  }
0xa1: {  	[tilespmem:s30], [sflag:$0x3] =	stream.linear.gather [hbm4b:s1+s19], $0x800, $0x38;
	[tilespmem:$0x1A390] =	vst v63  }
0xa2: {  	_ =	swait.ge [sflag:s5], $0x800  }
0xa3: {  	s2 =	sld [smem:$0x7E5]  }
0xa4: {  	[sflag:s5] =	ssyncset.done $0x0  }
0xa5: {  	[sflag:s5] =	ssyncadd.s32 $0xFFFFF800  }
0xa6: {  	[spmem:s2] =	stream.linear.scatter [tilespmem:s30], [sflag:$0x3], $0x800, $0x38;
	[tilespmem:$0x1A390] =	vst v63  }
0xa7: {  	_ =	swait.ge [sflag:s5], $0x800  }
0xa8: {  	[sflag:s5] =	ssyncset.done $0x0  }
0xa9: {  	s4 =	rddreg [dreg:$0xd];
	[sflag:s5] =	ssyncadd.s32 $0xFFFFF800  }
0xaa: {  	[tilespmem:s30], [sflag:$0x3] =	stream.linear.gather [hbm4b:s4+s19], $0x800, $0x38;
	[tilespmem:$0x1A390] =	vst v63  }
0xab: {  	_ =	swait.ge [sflag:s5], $0x800  }
0xac: {  	s11 =	sld [smem:$0x7E9]  }
0xad: {  	[sflag:s5] =	ssyncset.done $0x0  }
0xae: {  	[sflag:s5] =	ssyncadd.s32 $0xFFFFF800  }
0xaf: {  	[spmem:s11] =	stream.linear.scatter [tilespmem:s30], [sflag:$0x3], $0x800, $0x38;
	[tilespmem:$0x1A390] =	vst v63  }
0xb0: {  	_ =	swait.ge [sflag:s5], $0x800  }
0xb1: {  	[sflag:s5] =	ssyncset.done $0x0  }
0xb2: {  	s12 =	rddreg [dreg:$0xe];
	[sflag:s5] =	ssyncadd.s32 $0xFFFFF800  }
0xb3: {  	[tilespmem:s30], [sflag:$0x3] =	stream.linear.gather [hbm4b:s12+s19], $0x70, $0x38;
	[tilespmem:$0x1A390] =	vst v63  }
0xb4: {  	_ =	swait.ge [sflag:s5], $0x70  }
0xb5: {  	s13 =	sld [smem:$0x7ED]  }
0xb6: {  	[sflag:s5] =	ssyncset.done $0x0  }
0xb7: {  	[sflag:s5] =	ssyncadd.s32 $0xFFFFFF90  }
0xb8: {  	[spmem:s13] =	stream.linear.scatter [tilespmem:s30], [sflag:$0x3], $0x70, $0x38;
	[tilespmem:$0x1A390] =	vst v63  }
0xb9: {  	_ =	swait.ge [sflag:s5], $0x70  }
0xba: {  	[sflag:s5] =	ssyncset.done $0x0  }
0xbb: {  	s16 =	rddreg [dreg:$0xf];
	[sflag:s5] =	ssyncadd.s32 $0xFFFFFF90  }
0xbc: {  	[tilespmem:s30], [sflag:$0x3] =	stream.linear.gather [hbm4b:s16+s19], $0x800, $0x38;
	[tilespmem:$0x1A390] =	vst v63  }
0xbd: {  	_ =	swait.ge [sflag:s5], $0x800  }
0xbe: {  	s17 =	sld [smem:$0x7E1]  }
0xbf: {  	[sflag:s5] =	ssyncset.done $0x0  }
0xc0: {  	[sflag:s5] =	ssyncadd.s32 $0xFFFFF800  }
0xc1: {  	[spmem:s17] =	stream.linear.scatter [tilespmem:s30], [sflag:$0x3], $0x800, $0x38;
	[tilespmem:$0x1A390] =	vst v63  }
0xc2: {  	_ =	swait.ge [sflag:s5], $0x800  }
0xc3: {  	[sflag:s5] =	ssyncset.done $0x0  }
0xc4: {  	s18 =	rddreg [dreg:$0x10];
	[sflag:s5] =	ssyncadd.s32 $0xFFFFF800  }
0xc5: {  	[tilespmem:s30], [sflag:$0x3] =	stream.linear.gather [hbm4b:s18+s19], $0x800, $0x38;
	[tilespmem:$0x1A390] =	vst v63  }
0xc6: {  	_ =	swait.ge [sflag:s5], $0x800  }
0xc7: {  	s22 =	sld [smem:$0x7E6]  }
0xc8: {  	[sflag:s5] =	ssyncset.done $0x0  }
0xc9: {  	[sflag:s5] =	ssyncadd.s32 $0xFFFFF800  }
0xca: {  	[spmem:s22] =	stream.linear.scatter [tilespmem:s30], [sflag:$0x3], $0x800, $0x38;
	[tilespmem:$0x1A390] =	vst v63  }
0xcb: {  	_ =	swait.ge [sflag:s5], $0x800  }
0xcc: {  	[sflag:s5] =	ssyncset.done $0x0  }
0xcd: {  	s23 =	rddreg [dreg:$0x11];
	[sflag:s5] =	ssyncadd.s32 $0xFFFFF800  }
0xce: {  	[tilespmem:s30], [sflag:$0x3] =	stream.linear.gather [hbm4b:s23+s19], $0x800, $0x38;
	[tilespmem:$0x1A390] =	vst v63  }
0xcf: {  	_ =	swait.ge [sflag:s5], $0x800  }
0xd0: {  	s1 =	sld [smem:$0x7EA]  }
0xd1: {  	[sflag:s5] =	ssyncset.done $0x0  }
0xd2: {  	[sflag:s5] =	ssyncadd.s32 $0xFFFFF800  }
0xd3: {  	[spmem:s1] =	stream.linear.scatter [tilespmem:s30], [sflag:$0x3], $0x800, $0x38;
	[tilespmem:$0x1A390] =	vst v63  }
0xd4: {  	_ =	swait.ge [sflag:s5], $0x800  }
0xd5: {  	[sflag:s5] =	ssyncset.done $0x0  }
0xd6: {  	s2 =	rddreg [dreg:$0x12];
	[sflag:s5] =	ssyncadd.s32 $0xFFFFF800  }
0xd7: {  	[tilespmem:s30], [sflag:$0x3] =	stream.linear.gather [hbm4b:s2+s19], $0x70, $0x38;
	[tilespmem:$0x1A390] =	vst v63  }
0xd8: {  	_ =	swait.ge [sflag:s5], $0x70  }
0xd9: {  	s4 =	sld [smem:$0x7EE]  }
0xda: {  	[sflag:s5] =	ssyncset.done $0x0  }
0xdb: {  	[sflag:s5] =	ssyncadd.s32 $0xFFFFFF90  }
0xdc: {  	[spmem:s4] =	stream.linear.scatter [tilespmem:s30], [sflag:$0x3], $0x70, $0x38;
	[tilespmem:$0x1A390] =	vst v63  }
0xdd: {  	_ =	swait.ge [sflag:s5], $0x70  }
0xde: {  	[sflag:s5] =	ssyncset.done $0x0  }
0xdf: {  	s11 =	rddreg [dreg:$0x13];
	[sflag:s5] =	ssyncadd.s32 $0xFFFFFF90  }
0xe0: {  	[tilespmem:s30], [sflag:$0x3] =	stream.linear.gather [hbm4b:s11+s19], $0x800, $0x38;
	[tilespmem:$0x1A390] =	vst v63  }
0xe1: {  	_ =	swait.ge [sflag:s5], $0x800  }
0xe2: {  	s12 =	sld [smem:$0x7E2]  }
0xe3: {  	[sflag:s5] =	ssyncset.done $0x0  }
0xe4: {  	[sflag:s5] =	ssyncadd.s32 $0xFFFFF800  }
0xe5: {  	[spmem:s12] =	stream.linear.scatter [tilespmem:s30], [sflag:$0x3], $0x800, $0x38;
	[tilespmem:$0x1A390] =	vst v63  }
0xe6: {  	_ =	swait.ge [sflag:s5], $0x800  }
0xe7: {  	[sflag:s5] =	ssyncset.done $0x0  }
0xe8: {  	s13 =	rddreg [dreg:$0x14];
	[sflag:s5] =	ssyncadd.s32 $0xFFFFF800  }
0xe9: {  	[tilespmem:s30], [sflag:$0x3] =	stream.linear.gather [hbm4b:s13+s19], $0x800, $0x38;
	[tilespmem:$0x1A390] =	vst v63  }
0xea: {  	_ =	swait.ge [sflag:s5], $0x800  }
0xeb: {  	s16 =	sld [smem:$0x7E7]  }
0xec: {  	[sflag:s5] =	ssyncset.done $0x0  }
0xed: {  	[sflag:s5] =	ssyncadd.s32 $0xFFFFF800  }
0xee: {  	[spmem:s16] =	stream.linear.scatter [tilespmem:s30], [sflag:$0x3], $0x800, $0x38;
	[tilespmem:$0x1A390] =	vst v63  }
0xef: {  	_ =	swait.ge [sflag:s5], $0x800  }
0xf0: {  	[sflag:s5] =	ssyncset.done $0x0  }
0xf1: {  	s17 =	rddreg [dreg:$0x15];
	[sflag:s5] =	ssyncadd.s32 $0xFFFFF800  }
0xf2: {  	[tilespmem:s30], [sflag:$0x3] =	stream.linear.gather [hbm4b:s17+s19], $0x800, $0x38;
	[tilespmem:$0x1A390] =	vst v63  }
0xf3: {  	_ =	swait.ge [sflag:s5], $0x800  }
0xf4: {  	s18 =	sld [smem:$0x7EB]  }
0xf5: {  	[sflag:s5] =	ssyncset.done $0x0  }
0xf6: {  	[sflag:s5] =	ssyncadd.s32 $0xFFFFF800  }
0xf7: {  	[spmem:s18] =	stream.linear.scatter [tilespmem:s30], [sflag:$0x3], $0x800, $0x38;
	[tilespmem:$0x1A390] =	vst v63  }
0xf8: {  	_ =	swait.ge [sflag:s5], $0x800  }
0xf9: {  	[sflag:s5] =	ssyncset.done $0x0  }
0xfa: {  	s22 =	rddreg [dreg:$0x16];
	[sflag:s5] =	ssyncadd.s32 $0xFFFFF800  }
0xfb: {  	[tilespmem:s30], [sflag:$0x3] =	stream.linear.gather [hbm4b:s22+s19], $0x70, $0x38;
	[tilespmem:$0x1A390] =	vst v63  }
0xfc: {  	_ =	swait.ge [sflag:s5], $0x70  }
0xfd: {  	s23 =	sld [smem:$0x7EF]  }
0xfe: {  	[sflag:s5] =	ssyncset.done $0x0  }
0xff: {  	[sflag:s5] =	ssyncadd.s32 $0xFFFFFF90  }
0x100: {  	[spmem:s23] =	stream.linear.scatter [tilespmem:s30], [sflag:$0x3], $0x70, $0x38;
	[tilespmem:$0x1A390] =	vst v63  }
0x101: {  	s0 =	simm.s32 $0x0;
	_ =	swait.ge [sflag:s5], $0x70  }
0x102: {  	s1 =	simm.s32 $0xCB10;
	s2 =	simm.s32 $0xDB10;
	[sflag:s5] =	ssyncset.done $0x0  }
0x103: {  	s4 =	simm.s32 $0xEB10;
	s16 =	simm.s32 $0xFB10;
	[sflag:s5] =	ssyncadd.s32 $0xFFFFFF90  }
0x104: {  	v0 =	vimm.f32 $0.0e+00;
	s17 =	simm.s32 $0x10B10;
	s18 =	simm.s32 $0x11B10;
	[bflag:$0x0] =	sbarrier.arrive $0xFFFF  }
.LBB2_2:
0x105: {  	s11 =	smul.u32 $0xFA0, s0;
	_ =	sdelay $0x1  }
0x106: {  	s11 =	sadd.s32 s6, s11  }
0x107: {  	s11 =	sshrl.u32 s11, $0x3  }
0x108: {  	s13 =	simm.s32 $0x0;
	s12 =	sadd.s32 s7, s11  }
0x109: {  	[tilespmem:s9], [sflag:$0x3] =	stream.linear.gather [hbm4b:s12+s13], $0xFA0, $0x38;
	[tilespmem:$0x1A390] =	vst v63  }
0x10a: {  	_ =	swait.ge [sflag:s5], $0xFA0  }
0x10b: {  	[sflag:s5] =	ssyncset.done $0x0  }
0x10c: {  	s11 =	sadd.s32 s8, s11;
	[sflag:s5] =	ssyncadd.s32 $0xFFFFF060  }
0x10d: {  	[tilespmem:s29], [sflag:$0x3] =	stream.linear.gather [hbm4b:s11+s13], $0xFA0, $0x38;
	[tilespmem:$0x1A390] =	vst v63  }
0x10e: {  	_ =	swait.ge [sflag:s5], $0xFA0  }
0x10f: {  	[sflag:s5] =	ssyncset.done $0x0  }
0x110: {  	[sflag:s5] =	ssyncadd.s32 $0xFFFFF060  }
0x111: {  	[tilespmem:s1], [sflag:$0x1] =	stream.indirect.gather [spmem:s26], $0x1, s9, s10, $0xb8;
	[tilespmem:$0x1A390] =	vst v63  }
0x112: {  	_ = 	snop  }
0x113: {  	[tilespmem:s2], [sflag:$0x1] =	stream.indirect.gather [spmem:s28], $0x1, s9, s10, $0xb8;
	[tilespmem:$0x1A390] =	vst v63  }
0x114: {  	_ = 	snop  }
0x115: {  	[tilespmem:s4], [sflag:$0x1] =	stream.indirect.gather [spmem:s3], $0x1, s9, s10, $0xb8;
	[tilespmem:$0x1A390] =	vst v63  }
0x116: {  	_ = 	snop  }
0x117: {  	[tilespmem:s16], [sflag:$0x1] =	stream.indirect.gather [spmem:s26], $0x1, s29, s10, $0xb8;
	[tilespmem:$0x1A390] =	vst v63  }
0x118: {  	_ = 	snop  }
0x119: {  	[tilespmem:s17], [sflag:$0x1] =	stream.indirect.gather [spmem:s28], $0x1, s29, s10, $0xb8;
	[tilespmem:$0x1A390] =	vst v63  }
0x11a: {  	_ = 	snop  }
0x11b: {  	[tilespmem:s18], [sflag:$0x1] =	stream.indirect.gather [spmem:s3], $0x1, s29, s10, $0xb8;
	[tilespmem:$0x1A390] =	vst v63  }
0x11c: {  	_ =	swait.ge [sflag:s24], $0xFA0  }
0x11d: {  	[sflag:s24] =	ssyncset.done $0x0  }
0x11e: {  	[sflag:s24] =	ssyncadd.s32 $0xFFFFF060  }
0x11f: {  	_ =	swait.ge [sflag:s24], $0xFA0  }
0x120: {  	[sflag:s24] =	ssyncset.done $0x0  }
0x121: {  	[sflag:s24] =	ssyncadd.s32 $0xFFFFF060  }
0x122: {  	_ =	swait.ge [sflag:s24], $0xFA0  }
0x123: {  	[sflag:s24] =	ssyncset.done $0x0  }
0x124: {  	[sflag:s24] =	ssyncadd.s32 $0xFFFFF060  }
0x125: {  	_ =	swait.ge [sflag:s24], $0xFA0  }
0x126: {  	[sflag:s24] =	ssyncset.done $0x0  }
0x127: {  	[sflag:s24] =	ssyncadd.s32 $0xFFFFF060  }
0x128: {  	_ =	swait.ge [sflag:s24], $0xFA0  }
0x129: {  	[sflag:s24] =	ssyncset.done $0x0  }
0x12a: {  	[sflag:s24] =	ssyncadd.s32 $0xFFFFF060  }
0x12b: {  	_ =	swait.ge [sflag:s24], $0xFA0  }
0x12c: {  	[sflag:s24] =	ssyncset.done $0x0  }
0x12d: {  	s19 =	simm.s32 $0x0;
	[sflag:s24] =	ssyncadd.s32 $0xFFFFF060  }
0x12e: {  	v1 =	vld [tilespmem:s19+$0xFB10]  }
0x12f: {  	v2 =	vld [tilespmem:s19+$0xCB10]  }
0x130: {  	v3 =	vld [tilespmem:s19+$0x10B10]  }
0x131: {  	v4 =	vld [tilespmem:s19+$0xDB10]  }
0x132: {  	v5 =	vld [tilespmem:s19+$0x11B10]  }
0x133: {  	v6 =	vld [tilespmem:s19+$0xEB10];
	_ =	sdelay $0x2  }
0x134: {  	v14 =	vsub.f32 v1, v2;
	v20 =	vsub.f32 v3, v4;
	_ =	sdelay $0x1  }
0x135: {  	v18 =	vsub.f32 v5, v6;
	v1 =	vmul.f32 v14, v14;
	v2 =	vmul.f32 v20, v20;
	_ =	sdelay $0x1  }
0x136: {  	v3 =	vmul.f32 v18, v18;
	v1 =	vadd.f32 v2, v1;
	_ =	sdelay $0x1  }
0x137: {  	s12 =	simm.s32 $0x10;
	v13 =	vadd.f32 v3, v1  }
0x138: {  	v7 =	vld [tilespmem:s12+$0xDB10]  }
0x139: {  	v6 =	vld [tilespmem:s12+$0x10B10];
	v3 =	vshra.s32 v13, $0x1;
	v4 =	vmul.f32 $5.000000000e-01, v13  }
0x13a: {  	v2 =	vld [tilespmem:s12+$0xCB10];
	v3 =	vsub.s32 $0x5F3759DF, v3  }
0x13b: {  	v1 =	vld [tilespmem:s12+$0xFB10];
	v5 =	vmul.f32 v3, v4  }
0x13c: {  	v8 =	vld [tilespmem:s12+$0x11B10]  }
0x13d: {  	v9 =	vld [tilespmem:s12+$0xEB10];
	v5 =	vmul.f32 v3, v5;
	_ =	sdelay $0x1  }
0x13e: {  	v10 =	vsub.f32 $1.500000000e+00, v5  }
0x13f: {  	v7 =	vsub.f32 v6, v7;
	v5 =	vsub.f32 v1, v2  }
0x140: {  	v1 =	vmul.f32 v3, v10  }
0x141: {  	v9 =	vsub.f32 v8, v9;
	v2 =	vmul.f32 v5, v5;
	v3 =	vmul.f32 v7, v7  }
0x142: {  	v4 =	vmul.f32 v1, v4  }
0x143: {  	v6 =	vmul.f32 v9, v9;
	v2 =	vadd.f32 v3, v2  }
0x144: {  	v3 =	vmul.f32 v4, v1  }
0x145: {  	s11 =	simm.s32 $0x20;
	v10 =	vadd.f32 v6, v2  }
0x146: {  	v11 =	vld [tilespmem:s11+$0x10B10];
	v3 =	vsub.f32 $1.500000000e+00, v3  }
0x147: {  	v2 =	vld [tilespmem:s11+$0xFB10];
	v6 =	vshra.s32 v10, $0x1;
	v8 =	vmul.f32 $5.000000000e-01, v10  }
0x148: {  	v4 =	vld [tilespmem:s11+$0xCB10];
	v6 =	vsub.s32 $0x5F3759DF, v6;
	v15 =	vmul.f32 v3, v1  }
0x149: {  	v1 =	vld [tilespmem:s11+$0xDB10];
	v3 =	vmul.f32 v6, v8  }
0x14a: {  	v12 =	vld [tilespmem:s11+$0x11B10];
	v16 =	vmul.f32 v15, v13  }
0x14b: {  	v17 =	vld [tilespmem:s11+$0xEB10];
	v3 =	vmul.f32 v6, v3  }
0x14c: {  	v16 =	vadd.f32 $-1.000000000e+00, v16  }
0x14d: {  	v4 =	vsub.f32 v2, v4;
	v2 =	vsub.f32 $1.500000000e+00, v3  }
0x14e: {  	v1 =	vsub.f32 v11, v1;
	v11 =	vmul.f32 $-5.000000000e+00, v16  }
0x14f: {  	v16 =	vmul.f32 v4, v4;
	v2 =	vmul.f32 v6, v2  }
0x150: {  	v3 =	vsub.f32 v12, v17;
	v6 =	vmul.f32 v1, v1;
	v11 =	vmul.f32 $1.442695020e+00, v11  }
0x151: {  	v8 =	vmul.f32 v2, v8  }
0x152: {  	s13 =	simm.s32 $0x30;
	v12 =	vmul.f32 v3, v3;
	v6 =	vadd.f32 v6, v16;
	(erf) = vpow2.f32 v11  }
0x153: {  	v19 =	vld [tilespmem:s13+$0xEB10];
	v8 =	vmul.f32 v8, v2  }
0x154: {  	v21 =	vld [tilespmem:s13+$0xCB10];
	v11 =	vadd.f32 v12, v6  }
0x155: {  	v16 =	vld [tilespmem:s13+$0xFB10];
	v8 =	vsub.f32 $1.500000000e+00, v8  }
0x156: {  	v17 =	vld [tilespmem:s13+$0x11B10];
	v12 =	vshra.s32 v11, $0x1;
	v23 =	vmul.f32 $5.000000000e-01, v11  }
0x157: {  	v22 =	vld [tilespmem:s13+$0xDB10];
	v24 =	vsub.s32 $0x5F3759DF, v12;
	v12 =	vmul.f32 v8, v2  }
0x158: {  	v6 =	vld [tilespmem:s13+$0x10B10];
	v25 =	vmul.f32 v24, v23  }
0x159: {  	v26 =	vmul.f32 v12, v10  }
0x15a: {  	v2 =	vsub.f32 v16, v21;
	v16 =	vmul.f32 v24, v25  }
0x15b: {  	vm0 =	vgt.f32 v13, $0.0e+00;
	v8 =	vsub.f32 v17, v19;
	v17 =	vadd.f32 $-1.000000000e+00, v26;
	v19 =	vpop (erf)  }
0x15c: {  	v16 =	vsub.f32 $1.500000000e+00, v16;
	v21 =	vsub.f32 $1.000000000e+00, v19;
	v19 =	vmul.f32 $-5.000000000e+01, v19  }
0x15d: {  	v6 =	vsub.f32 v6, v22;
	v25 =	vmul.f32 v2, v2;
	v17 =	vmul.f32 $-5.000000000e+00, v17  }
0x15e: {  	vm1 =	vlt.f32 v13, $6.250000000e+00;
	v28 =	vmul.f32 v24, v16;
	v13 =	vmul.f32 v21, v19  }
0x15f: {  	s22 =	simm.s32 $0x40;
	vm0 =	vmand vm0, vm1;
	v16 =	vmul.f32 v6, v6;
	v19 =	vmul.f32 $1.442695020e+00, v17  }
0x160: {  	v22 =	vld [tilespmem:s22+$0xEB10];
	v24 =	vmul.f32 v8, v8;
	v23 =	vmul.f32 v28, v23;
	v13 =	vnsel vm0, $0x0, v13  }
0x161: {  	v26 =	vld [tilespmem:s22+$0x10B10];
	v25 =	vadd.f32 v16, v25;
	(erf) = vpow2.f32 v19;
	v27 =	vmul.f32 v13, v15  }
0x162: {  	v17 =	vld [tilespmem:s22+$0x11B10];
	v29 =	vmul.f32 $5.000000000e+00, v21;
	v23 =	vmul.f32 v23, v28  }
0x163: {  	v16 =	vld [tilespmem:s22+$0xCB10];
	v13 =	vadd.f32 v24, v25;
	v19 =	vmul.f32 v27, v14;
	v18 =	vmul.f32 v27, v18  }
0x164: {  	v15 =	vld [tilespmem:s22+$0xFB10];
	v25 =	vmul.f32 v29, v21;
	v14 =	vsub.f32 $1.500000000e+00, v23;
	v21 =	vmul.f32 v27, v20  }
0x165: {  	v27 =	vld [tilespmem:s22+$0xDB10];
	v24 =	vshra.s32 v13, $0x1;
	v20 =	vmul.f32 $5.000000000e-01, v13;
	[tilespmem:s19+$0x13B10] =	vst v19;
	v23 =	vsub.f32 $0.0e+00, v18  }
0x166: {  	s23 =	simm.s32 $0x140;
	v25 =	vadd.f32 $-5.000000000e+00, v25;
	v24 =	vsub.s32 $0x5F3759DF, v24;
	v14 =	vmul.f32 v14, v28;
	[tilespmem:s19+$0x14B10] =	vst v21  }
.LBB2_3:
0x167: {  	p0 =	sne.s32 s23, $0x3E40;
	v28 =	vmul.f32 v24, v20;
	v19 =	vsub.f32 $0.0e+00, v19;
	v21 =	vsub.f32 $0.0e+00, v21;
	[tilespmem:s19+$0x18B10] =	vst v23;
	v29 =	vmovc v1;
	v1 =	vmovc v6  }
0x168: {  	v23 =	vmul.f32 v14, v11;
	v25 =	vnsel vm0, $0x0, v25;
	[tilespmem:s19+$0x15B10] =	vst v18  }
0x169: {  	v31 =	vsub.f32 v17, v22;
	v30 =	vsub.f32 v15, v16;
	v15 =	vmul.f32 v24, v28;
	[tilespmem:s19+$0x16B10] =	vst v19  }
0x16a: {  	v18 =	vmul.f32 $5.000000000e-01, v25;
	v6 =	vsub.f32 v26, v27;
	v16 =	vadd.f32 $-1.000000000e+00, v23;
	v17 =	vpop (erf);
	[tilespmem:s19+$0x17B10] =	vst v21  }
0x16b: {  	v15 =	vsub.f32 $1.500000000e+00, v15;
	v21 =	vsub.f32 $1.000000000e+00, v17;
	v17 =	vmul.f32 $-5.000000000e+01, v17  }
0x16c: {  	vm0 =	vgt.f32 v10, $0.0e+00;
	v19 =	vmul.f32 v30, v30;
	v16 =	vmul.f32 $-5.000000000e+00, v16;
	[tilespmem:s19+$0x12B10] =	vst v18;
	s19 =	smov.u32 s12;
	s12 =	smov.u32 s11;
	s11 =	smov.u32 s13  }
0x16d: {  	vm1 =	vlt.f32 v10, $6.250000000e+00;
	v10 =	vmovc v11;
	v11 =	vmovc v13;
	s13 =	smov.u32 s22;
	v28 =	vmul.f32 v24, v15;
	v15 =	vmul.f32 v21, v17  }
0x16e: {  	vm0 =	vmand vm0, vm1;
	s22 =	sshra.s32 s23, $0x2;
	v13 =	vmul.f32 v6, v6;
	v16 =	vmul.f32 $1.442695020e+00, v16  }
0x16f: {  	v18 =	vmul.f32 v31, v31;
	v17 =	vld [tilespmem:s22+$0x11B10];
	v20 =	vmul.f32 v28, v20;
	v15 =	vnsel vm0, $0x0, v15  }
0x170: {  	v13 =	vadd.f32 v13, v19;
	v22 =	vld [tilespmem:s22+$0xEB10];
	(erf) = vpow2.f32 v16;
	v23 =	vmul.f32 v15, v12;
	v12 =	vmovc v14  }
.Ltmp0:
0x171: {  	v0 =	vadd.f32 v25, v0;
	v15 =	vld [tilespmem:s22+$0xFB10];
	v14 =	vmul.f32 v20, v28;
	v20 =	vmul.f32 $5.000000000e+00, v21;
	(pc) =	sbr.rel @p0 .LBB2_3-.Ltmp0, $4  }
0x172: {  	v13 =	vadd.f32 v18, v13;
	v16 =	vld [tilespmem:s22+$0xCB10];
	v19 =	vmul.f32 v23, v5;
	v18 =	vmul.f32 v23, v9;
	v5 =	vmovc v4  }
0x173: {  	v4 =	vmovc v2;
	v2 =	vmovc v30;
	v26 =	vld [tilespmem:s22+$0x10B10];
	v14 =	vsub.f32 $1.500000000e+00, v14;
	v25 =	vmul.f32 v20, v21;
	v21 =	vmul.f32 v23, v7  }
0x174: {  	v30 =	vshra.s32 v13, $0x1;
	v9 =	vmovc v3;
	v3 =	vmovc v8;
	v20 =	vmul.f32 $5.000000000e-01, v13;
	v27 =	vld [tilespmem:s22+$0xDB10];
	[tilespmem:s19+$0x13B10] =	vst v19;
	v23 =	vsub.f32 $0.0e+00, v18  }
0x175: {  	s23 =	sadd.s32 $0x40, s23;
	v8 =	vmovc v31;
	v24 =	vsub.s32 $0x5F3759DF, v30;
	v7 =	vmovc v29;
	v14 =	vmul.f32 v14, v28;
	v25 =	vadd.f32 $-5.000000000e+00, v25;
	[tilespmem:s19+$0x14B10] =	vst v21  }
0x176: {  	_ =	sdelay $0x2  }
0x177: {  	v16 =	vsub.f32 v15, v16;
	v15 =	vsub.f32 v26, v27;
	_ =	sdelay $0x1  }
0x178: {  	v17 =	vsub.f32 v17, v22;
	v55 =	vmul.f32 v16, v16;
	v27 =	vmul.f32 v15, v15  }
0x179: {  	v54 =	vmul.f32 v24, v20  }
0x17a: {  	v28 =	vmul.f32 v17, v17;
	v22 =	vadd.f32 v27, v55  }
0x17b: {  	v26 =	vmul.f32 v24, v54  }
0x17c: {  	v22 =	vadd.f32 v28, v22  }
0x17d: {  	v26 =	vsub.f32 $1.500000000e+00, v26  }
0x17e: {  	v57 =	vshra.s32 v22, $0x1;
	v58 =	vmul.f32 $5.000000000e-01, v22  }
0x17f: {  	v56 =	vmul.f32 v24, v26;
	v26 =	vsub.s32 $0x5F3759DF, v57  }
0x180: {  	v29 =	vmul.f32 v26, v58  }
0x181: {  	v59 =	vmul.f32 v14, v11;
	v60 =	vmul.f32 v56, v20  }
0x182: {  	v29 =	vmul.f32 v26, v29  }
0x183: {  	v28 =	vadd.f32 $-1.000000000e+00, v59;
	v20 =	vmul.f32 v60, v56  }
0x184: {  	v29 =	vsub.f32 $1.500000000e+00, v29  }
0x185: {  	v28 =	vmul.f32 $-5.000000000e+00, v28;
	v20 =	vsub.f32 $1.500000000e+00, v20  }
0x186: {  	v61 =	vmul.f32 v26, v29  }
0x187: {  	v28 =	vmul.f32 $1.442695020e+00, v28;
	v20 =	vmul.f32 v20, v56  }
0x188: {  	v27 =	vmul.f32 v61, v58  }
0x189: {  	(erf) = vpow2.f32 v28;
	v63 =	vmul.f32 v20, v13  }
0x18a: {  	v27 =	vmul.f32 v27, v61  }
0x18b: {  	v62 =	vpop (erf);
	v28 =	vadd.f32 $-1.000000000e+00, v63  }
0x18c: {  	vm1 =	vgt.f32 v10, $0.0e+00;
	v32 =	vsub.f32 $1.000000000e+00, v62;
	v27 =	vsub.f32 $1.500000000e+00, v27  }
0x18d: {  	vm2 =	vlt.f32 v10, $6.250000000e+00;
	v26 =	vmul.f32 $-5.000000000e+01, v62;
	v28 =	vmul.f32 $-5.000000000e+00, v28  }
0x18e: {  	v19 =	vsub.f32 $0.0e+00, v19;
	v38 =	vmul.f32 $5.000000000e+00, v32;
	v24 =	vmul.f32 v27, v61  }
0x18f: {  	v21 =	vsub.f32 $0.0e+00, v21;
	v26 =	vmul.f32 v32, v26;
	v35 =	vmul.f32 $1.442695020e+00, v28  }
0x190: {  	vm10 =	vgt.f32 v11, $0.0e+00;
	vm1 =	vmand vm1, vm2;
	v37 =	vmul.f32 v24, v22  }
0x191: {  	[tilespmem:s19+$0x18B10] =	vst v23;
	v41 =	vmul.f32 v38, v32;
	v34 =	vnsel vm1, $0x0, v26;
	(erf) = vpow2.f32 v35  }
0x192: {  	[tilespmem:s19+$0x15B10] =	vst v18;
	v33 =	vnsel vm0, $0x0, v25;
	v12 =	vmul.f32 v34, v12;
	v39 =	vpop (erf);
	v25 =	vadd.f32 $-1.000000000e+00, v37  }
0x193: {  	v36 =	vmul.f32 $5.000000000e-01, v33;
	[tilespmem:s19+$0x16B10] =	vst v19;
	v44 =	vadd.f32 $-5.000000000e+00, v41;
	v26 =	vmul.f32 $-5.000000000e+01, v39  }
0x194: {  	[tilespmem:s19+$0x17B10] =	vst v21;
	v40 =	vsub.f32 $1.000000000e+00, v39;
	v5 =	vmul.f32 v12, v5;
	v43 =	vmul.f32 $-5.000000000e+00, v25  }
0x195: {  	vm11 =	vlt.f32 v11, $6.250000000e+00;
	[tilespmem:s19+$0x12B10] =	vst v36;
	v9 =	vmul.f32 v12, v9;
	v7 =	vmul.f32 v12, v7  }
0x196: {  	v12 =	vnsel vm1, $0x0, v44;
	v42 =	vmul.f32 v40, v26;
	[tilespmem:s12+$0x13B10] =	vst v5;
	v21 =	vmul.f32 $1.442695020e+00, v43  }
0x197: {  	vm0 =	vmand vm10, vm11;
	v46 =	vmul.f32 $5.000000000e-01, v12;
	v48 =	vmul.f32 $5.000000000e+00, v40;
	[tilespmem:s12+$0x14B10] =	vst v7  }
0x198: {  	v45 =	vsub.f32 $0.0e+00, v9;
	[tilespmem:s12+$0x15B10] =	vst v9;
	v11 =	vnsel vm0, $0x0, v42;
	(erf) = vpow2.f32 v21  }
0x199: {  	v5 =	vsub.f32 $0.0e+00, v5;
	[tilespmem:s12+$0x12B10] =	vst v46;
	v11 =	vmul.f32 v11, v14  }
0x19a: {  	v7 =	vsub.f32 $0.0e+00, v7;
	v50 =	vmul.f32 v48, v40;
	[tilespmem:s12+$0x18B10] =	vst v45;
	v47 =	vpop (erf)  }
0x19b: {  	[tilespmem:s12+$0x16B10] =	vst v5;
	v4 =	vmul.f32 v11, v4;
	v49 =	vsub.f32 $1.000000000e+00, v47;
	v19 =	vmul.f32 $-5.000000000e+01, v47  }
0x19c: {  	[tilespmem:s12+$0x17B10] =	vst v7;
	v7 =	vadd.f32 $-5.000000000e+00, v50;
	v3 =	vmul.f32 v11, v3;
	v1 =	vmul.f32 v11, v1  }
0x19d: {  	vm12 =	vgt.f32 v13, $0.0e+00;
	vm13 =	vlt.f32 v13, $6.250000000e+00;
	[tilespmem:s11+$0x13B10] =	vst v4;
	v51 =	vmul.f32 v49, v19  }
0x19e: {  	vm1 =	vmand vm12, vm13;
	v7 =	vnsel vm0, $0x0, v7;
	v52 =	vsub.f32 $0.0e+00, v3;
	[tilespmem:s11+$0x14B10] =	vst v1  }
0x19f: {  	[tilespmem:s11+$0x15B10] =	vst v3;
	v3 =	vmul.f32 $5.000000000e-01, v7;
	v53 =	vmul.f32 $5.000000000e+00, v49;
	v9 =	vnsel vm1, $0x0, v51  }
0x1a0: {  	v1 =	vsub.f32 $0.0e+00, v1;
	[tilespmem:s11+$0x18B10] =	vst v52;
	v9 =	vmul.f32 v9, v20  }
0x1a1: {  	vm14 =	vgt.f32 v22, $0.0e+00;
	v4 =	vsub.f32 $0.0e+00, v4;
	[tilespmem:s11+$0x12B10] =	vst v3;
	v3 =	vmul.f32 v53, v49;
	v54 =	vpop (erf)  }
0x1a2: {  	[tilespmem:s11+$0x17B10] =	vst v1;
	v1 =	vmul.f32 v9, v2;
	v2 =	vsub.f32 $1.000000000e+00, v54;
	v11 =	vmul.f32 $-5.000000000e+01, v54  }
0x1a3: {  	vm15 =	vlt.f32 v22, $6.250000000e+00;
	[tilespmem:s11+$0x16B10] =	vst v4;
	v3 =	vadd.f32 $-5.000000000e+00, v3;
	v55 =	vmul.f32 v9, v6  }
0x1a4: {  	v8 =	vmul.f32 v9, v8;
	[tilespmem:s13+$0x13B10] =	vst v1;
	v1 =	vsub.f32 $0.0e+00, v1;
	v57 =	vmul.f32 v2, v11  }
0x1a5: {  	vm0 =	vmand vm14, vm15;
	v3 =	vnsel vm1, $0x0, v3;
	[tilespmem:s13+$0x14B10] =	vst v55  }
0x1a6: {  	v56 =	vsub.f32 $0.0e+00, v8;
	[tilespmem:s13+$0x16B10] =	vst v1;
	v1 =	vmul.f32 $5.000000000e-01, v3;
	v58 =	vnsel vm0, $0x0, v57  }
0x1a7: {  	[tilespmem:s13+$0x15B10] =	vst v8;
	v59 =	vmul.f32 $5.000000000e+00, v2;
	v5 =	vmul.f32 v58, v24  }
0x1a8: {  	v4 =	vsub.f32 $0.0e+00, v55;
	[tilespmem:s13+$0x18B10] =	vst v56  }
0x1a9: {  	[tilespmem:s13+$0x12B10] =	vst v1;
	v1 =	vmul.f32 v59, v2;
	v60 =	vmul.f32 v5, v16  }
0x1aa: {  	[tilespmem:s13+$0x17B10] =	vst v4;
	v61 =	vmul.f32 v5, v17;
	v2 =	vmul.f32 v5, v15  }
0x1ab: {  	[tilespmem:s22+$0x13B10] =	vst v60  }
0x1ac: {  	v1 =	vadd.f32 $-5.000000000e+00, v1;
	v62 =	vsub.f32 $0.0e+00, v61;
	[tilespmem:s22+$0x14B10] =	vst v2  }
0x1ad: {  	v4 =	vsub.f32 $0.0e+00, v60;
	[tilespmem:s22+$0x15B10] =	vst v61  }
0x1ae: {  	v1 =	vnsel vm0, $0x0, v1;
	v2 =	vsub.f32 $0.0e+00, v2;
	[tilespmem:s22+$0x18B10] =	vst v62  }
0x1af: {  	v63 =	vmul.f32 $5.000000000e-01, v1;
	[tilespmem:s22+$0x16B10] =	vst v4  }
0x1b0: {  	[tilespmem:s22+$0x17B10] =	vst v2  }
0x1b1: {  	[tilespmem:s22+$0x12B10] =	vst v63  }
0x1b2: {  	[spmem:s14] =	stream.indirect.scatter.add.f32 [tilespmem:s31], [sflag:$0x2], $0x1, s9, s10, $0xb8;
	[tilespmem:$0x1A390] =	vst v63  }
0x1b3: {  	_ = 	snop  }
0x1b4: {  	[spmem:s14] =	stream.indirect.scatter.add.f32 [tilespmem:s31], [sflag:$0x2], $0x1, s29, s10, $0xb8;
	[tilespmem:$0x1A390] =	vst v63  }
0x1b5: {  	s23 =	simm.s32 $0x16B10  }
0x1b6: {  	[spmem:s15] =	stream.indirect.scatter.add.f32 [tilespmem:s23], [sflag:$0x2], $0x1, s9, s10, $0xb8;
	[tilespmem:$0x1A390] =	vst v63  }
0x1b7: {  	s12 =	simm.s32 $0x13B10  }
0x1b8: {  	[spmem:s15] =	stream.indirect.scatter.add.f32 [tilespmem:s12], [sflag:$0x2], $0x1, s29, s10, $0xb8;
	[tilespmem:$0x1A390] =	vst v63  }
0x1b9: {  	s13 =	simm.s32 $0x17B10  }
0x1ba: {  	[spmem:s20] =	stream.indirect.scatter.add.f32 [tilespmem:s13], [sflag:$0x2], $0x1, s9, s10, $0xb8;
	[tilespmem:$0x1A390] =	vst v63  }
0x1bb: {  	s19 =	simm.s32 $0x14B10  }
0x1bc: {  	[spmem:s20] =	stream.indirect.scatter.add.f32 [tilespmem:s19], [sflag:$0x2], $0x1, s29, s10, $0xb8;
	[tilespmem:$0x1A390] =	vst v63  }
0x1bd: {  	s22 =	simm.s32 $0x18B10  }
0x1be: {  	[spmem:s21] =	stream.indirect.scatter.add.f32 [tilespmem:s22], [sflag:$0x2], $0x1, s9, s10, $0xb8;
	[tilespmem:$0x1A390] =	vst v63  }
0x1bf: {  	s23 =	simm.s32 $0x15B10  }
0x1c0: {  	[spmem:s21] =	stream.indirect.scatter.add.f32 [tilespmem:s23], [sflag:$0x2], $0x1, s29, s10, $0xb8;
	[tilespmem:$0x1A390] =	vst v63  }
0x1c1: {  	_ =	swait.ge [sflag:s25], $0xFA0  }
0x1c2: {  	[sflag:s25] =	ssyncset.done $0x0  }
0x1c3: {  	[sflag:s25] =	ssyncadd.s32 $0xFFFFF060  }
0x1c4: {  	_ =	swait.ge [sflag:s25], $0xFA0  }
0x1c5: {  	[sflag:s25] =	ssyncset.done $0x0  }
0x1c6: {  	[sflag:s25] =	ssyncadd.s32 $0xFFFFF060  }
0x1c7: {  	_ =	swait.ge [sflag:s25], $0xFA0  }
0x1c8: {  	[sflag:s25] =	ssyncset.done $0x0  }
0x1c9: {  	[sflag:s25] =	ssyncadd.s32 $0xFFFFF060  }
0x1ca: {  	_ =	swait.ge [sflag:s25], $0xFA0  }
0x1cb: {  	[sflag:s25] =	ssyncset.done $0x0  }
0x1cc: {  	[sflag:s25] =	ssyncadd.s32 $0xFFFFF060  }
0x1cd: {  	_ =	swait.ge [sflag:s25], $0xFA0  }
0x1ce: {  	[sflag:s25] =	ssyncset.done $0x0  }
0x1cf: {  	[sflag:s25] =	ssyncadd.s32 $0xFFFFF060  }
0x1d0: {  	v0 =	vadd.f32 v33, v0;
	_ =	swait.ge [sflag:s25], $0xFA0  }
0x1d1: {  	[sflag:s25] =	ssyncset.done $0x0  }
0x1d2: {  	s0 =	sadd.s32 $0x1, s0;
	v0 =	vadd.f32 v12, v0;
	[sflag:s25] =	ssyncadd.s32 $0xFFFFF060  }
0x1d3: {  	p0 =	sne.s32 s0, $0x32;
	_ =	swait.ge [sflag:s25], $0xFA0  }
.Ltmp1:
0x1d4: {  	v0 =	vadd.f32 v7, v0;
	[sflag:s25] =	ssyncset.done $0x0;
	(pc) =	sbr.rel @p0 .LBB2_2-.Ltmp1, $4  }
0x1d5: {  	[sflag:s25] =	ssyncadd.s32 $0xFFFFF060  }
0x1d6: {  	v0 =	vadd.f32 v3, v0;
	_ =	swait.ge [sflag:s25], $0xFA0  }
0x1d7: {  	[sflag:s25] =	ssyncset.done $0x0  }
0x1d8: {  	v0 =	vadd.f32 v1, v0;
	[sflag:s25] =	ssyncadd.s32 $0xFFFFF060  }
0x1d9: {  	s0 =	sld [smem:$0x7F0];
	_ =	sdelay $0x1  }
0x1da: {  	s19 =	simm.s32 $0x0;
	s1 =	simm.s32 $0x1A310;
	[tilespmem:$0x1A310] =	vst v0  }
0x1db: {  	[hbm4b:s0+s19] =	stream.linear.scatter [tilespmem:s1], [sflag:$0x3], $0x10, $0x38;
	[tilespmem:$0x1A390] =	vst v63  }
0x1dc: {  	_ =	swait.ge [sflag:s5], $0x10  }
0x1dd: {  	[sflag:s5] =	ssyncset.done $0x0  }
0x1de: {  	[sflag:s5] =	ssyncadd.s32 $0xFFFFFFF0  }
0x1df: {  	[bflag:$0x0] =	sbarrier.arrive $0xFFFF  }
0x1e0: {  	s13 =	sld [smem:$0x7F3];
	_ =	sdelay $0x2  }
0x1e1: {  	[tilespmem:s30], [sflag:$0x3] =	stream.linear.gather [spmem:s13], $0x800, $0x38;
	[tilespmem:$0x1A390] =	vst v63  }
0x1e2: {  	_ =	swait.ge [sflag:s5], $0x800  }
0x1e3: {  	[sflag:s5] =	ssyncset.done $0x0  }
0x1e4: {  	s16 =	rddreg [dreg:$0x17];
	[sflag:s5] =	ssyncadd.s32 $0xFFFFF800  }
0x1e5: {  	[hbm4b:s16+s19] =	stream.linear.scatter [tilespmem:s30], [sflag:$0x3], $0x800, $0x38;
	[tilespmem:$0x1A390] =	vst v63  }
0x1e6: {  	_ =	swait.ge [sflag:s5], $0x800  }
0x1e7: {  	s17 =	sld [smem:$0x7E3]  }
0x1e8: {  	[sflag:s5] =	ssyncset.done $0x0  }
0x1e9: {  	[sflag:s5] =	ssyncadd.s32 $0xFFFFF800  }
0x1ea: {  	[tilespmem:s30], [sflag:$0x3] =	stream.linear.gather [spmem:s17], $0x800, $0x38;
	[tilespmem:$0x1A390] =	vst v63  }
0x1eb: {  	_ =	swait.ge [sflag:s5], $0x800  }
0x1ec: {  	[sflag:s5] =	ssyncset.done $0x0  }
0x1ed: {  	s18 =	rddreg [dreg:$0x18];
	[sflag:s5] =	ssyncadd.s32 $0xFFFFF800  }
0x1ee: {  	[hbm4b:s18+s19] =	stream.linear.scatter [tilespmem:s30], [sflag:$0x3], $0x800, $0x38;
	[tilespmem:$0x1A390] =	vst v63  }
0x1ef: {  	_ =	swait.ge [sflag:s5], $0x800  }
0x1f0: {  	s22 =	sld [smem:$0x7E8]  }
0x1f1: {  	[sflag:s5] =	ssyncset.done $0x0  }
0x1f2: {  	[sflag:s5] =	ssyncadd.s32 $0xFFFFF800  }
0x1f3: {  	[tilespmem:s30], [sflag:$0x3] =	stream.linear.gather [spmem:s22], $0x800, $0x38;
	[tilespmem:$0x1A390] =	vst v63  }
0x1f4: {  	_ =	swait.ge [sflag:s5], $0x800  }
0x1f5: {  	[sflag:s5] =	ssyncset.done $0x0  }
0x1f6: {  	s23 =	rddreg [dreg:$0x19];
	[sflag:s5] =	ssyncadd.s32 $0xFFFFF800  }
0x1f7: {  	[hbm4b:s23+s19] =	stream.linear.scatter [tilespmem:s30], [sflag:$0x3], $0x800, $0x38;
	[tilespmem:$0x1A390] =	vst v63  }
0x1f8: {  	_ =	swait.ge [sflag:s5], $0x800  }
0x1f9: {  	s1 =	sld [smem:$0x7EC]  }
0x1fa: {  	[sflag:s5] =	ssyncset.done $0x0  }
0x1fb: {  	[sflag:s5] =	ssyncadd.s32 $0xFFFFF800  }
0x1fc: {  	[tilespmem:s30], [sflag:$0x3] =	stream.linear.gather [spmem:s1], $0x70, $0x38;
	[tilespmem:$0x1A390] =	vst v63  }
0x1fd: {  	_ =	swait.ge [sflag:s5], $0x70  }
0x1fe: {  	[sflag:s5] =	ssyncset.done $0x0  }
0x1ff: {  	s2 =	rddreg [dreg:$0x1a];
	[sflag:s5] =	ssyncadd.s32 $0xFFFFFF90  }
0x200: {  	[hbm4b:s2+s19] =	stream.linear.scatter [tilespmem:s30], [sflag:$0x3], $0x70, $0x38;
	[tilespmem:$0x1A390] =	vst v63  }
0x201: {  	_ =	swait.ge [sflag:s5], $0x70  }
0x202: {  	s4 =	sld [smem:$0x7DF]  }
0x203: {  	[sflag:s5] =	ssyncset.done $0x0  }
0x204: {  	[sflag:s5] =	ssyncadd.s32 $0xFFFFFF90  }
0x205: {  	[tilespmem:s30], [sflag:$0x3] =	stream.linear.gather [spmem:s4], $0x800, $0x38;
	[tilespmem:$0x1A390] =	vst v63  }
0x206: {  	_ =	swait.ge [sflag:s5], $0x800  }
0x207: {  	[sflag:s5] =	ssyncset.done $0x0  }
0x208: {  	s11 =	rddreg [dreg:$0x1b];
	[sflag:s5] =	ssyncadd.s32 $0xFFFFF800  }
0x209: {  	[hbm4b:s11+s19] =	stream.linear.scatter [tilespmem:s30], [sflag:$0x3], $0x800, $0x38;
	[tilespmem:$0x1A390] =	vst v63  }
0x20a: {  	_ =	swait.ge [sflag:s5], $0x800  }
0x20b: {  	s12 =	sld [smem:$0x7E4]  }
0x20c: {  	[sflag:s5] =	ssyncset.done $0x0  }
0x20d: {  	[sflag:s5] =	ssyncadd.s32 $0xFFFFF800  }
0x20e: {  	[tilespmem:s30], [sflag:$0x3] =	stream.linear.gather [spmem:s12], $0x800, $0x38;
	[tilespmem:$0x1A390] =	vst v63  }
0x20f: {  	_ =	swait.ge [sflag:s5], $0x800  }
0x210: {  	[sflag:s5] =	ssyncset.done $0x0  }
0x211: {  	s13 =	rddreg [dreg:$0x1c];
	[sflag:s5] =	ssyncadd.s32 $0xFFFFF800  }
0x212: {  	[hbm4b:s13+s19] =	stream.linear.scatter [tilespmem:s30], [sflag:$0x3], $0x800, $0x38;
	[tilespmem:$0x1A390] =	vst v63  }
0x213: {  	_ =	swait.ge [sflag:s5], $0x800  }
0x214: {  	s17 =	sld [smem:$0x7F8]  }
0x215: {  	[sflag:s5] =	ssyncset.done $0x0  }
0x216: {  	[sflag:s5] =	ssyncadd.s32 $0xFFFFF800  }
0x217: {  	[tilespmem:s30], [sflag:$0x3] =	stream.linear.gather [spmem:s17], $0x800, $0x38;
	[tilespmem:$0x1A390] =	vst v63  }
0x218: {  	_ =	swait.ge [sflag:s5], $0x800  }
0x219: {  	[sflag:s5] =	ssyncset.done $0x0  }
0x21a: {  	s16 =	rddreg [dreg:$0x1d];
	[sflag:s5] =	ssyncadd.s32 $0xFFFFF800  }
0x21b: {  	[hbm4b:s16+s19] =	stream.linear.scatter [tilespmem:s30], [sflag:$0x3], $0x800, $0x38;
	[tilespmem:$0x1A390] =	vst v63  }
0x21c: {  	_ =	swait.ge [sflag:s5], $0x800  }
0x21d: {  	s12 =	sld [smem:$0x7FB]  }
0x21e: {  	[sflag:s5] =	ssyncset.done $0x0  }
0x21f: {  	[sflag:s5] =	ssyncadd.s32 $0xFFFFF800  }
0x220: {  	[tilespmem:s30], [sflag:$0x3] =	stream.linear.gather [spmem:s12], $0x70, $0x38;
	[tilespmem:$0x1A390] =	vst v63  }
0x221: {  	_ =	swait.ge [sflag:s5], $0x70  }
0x222: {  	[sflag:s5] =	ssyncset.done $0x0  }
0x223: {  	s18 =	rddreg [dreg:$0x1e];
	[sflag:s5] =	ssyncadd.s32 $0xFFFFFF90  }
0x224: {  	[hbm4b:s18+s19] =	stream.linear.scatter [tilespmem:s30], [sflag:$0x3], $0x70, $0x38;
	[tilespmem:$0x1A390] =	vst v63  }
0x225: {  	_ =	swait.ge [sflag:s5], $0x70  }
0x226: {  	s13 =	sld [smem:$0x7F4]  }
0x227: {  	[sflag:s5] =	ssyncset.done $0x0  }
0x228: {  	[sflag:s5] =	ssyncadd.s32 $0xFFFFFF90  }
0x229: {  	[tilespmem:s30], [sflag:$0x3] =	stream.linear.gather [spmem:s13], $0x800, $0x38;
	[tilespmem:$0x1A390] =	vst v63  }
0x22a: {  	_ =	swait.ge [sflag:s5], $0x800  }
0x22b: {  	[sflag:s5] =	ssyncset.done $0x0  }
0x22c: {  	s22 =	rddreg [dreg:$0x1f];
	[sflag:s5] =	ssyncadd.s32 $0xFFFFF800  }
0x22d: {  	[hbm4b:s22+s19] =	stream.linear.scatter [tilespmem:s30], [sflag:$0x3], $0x800, $0x38;
	[tilespmem:$0x1A390] =	vst v63  }
0x22e: {  	_ =	swait.ge [sflag:s5], $0x800  }
0x22f: {  	s2 =	sld [smem:$0x7F6]  }
0x230: {  	[sflag:s5] =	ssyncset.done $0x0  }
0x231: {  	[sflag:s5] =	ssyncadd.s32 $0xFFFFF800  }
0x232: {  	[tilespmem:s30], [sflag:$0x3] =	stream.linear.gather [spmem:s2], $0x800, $0x38;
	[tilespmem:$0x1A390] =	vst v63  }
0x233: {  	_ =	swait.ge [sflag:s5], $0x800  }
0x234: {  	s23 =	sld [smem:$0x7D7]  }
0x235: {  	[sflag:s5] =	ssyncset.done $0x0  }
0x236: {  	[sflag:s5] =	ssyncadd.s32 $0xFFFFF800  }
0x237: {  	[hbm4b:s23+s19] =	stream.linear.scatter [tilespmem:s30], [sflag:$0x3], $0x800, $0x38;
	[tilespmem:$0x1A390] =	vst v63  }
0x238: {  	_ =	swait.ge [sflag:s5], $0x800  }
0x239: {  	s18 =	sld [smem:$0x7F9]  }
0x23a: {  	[sflag:s5] =	ssyncset.done $0x0  }
0x23b: {  	[sflag:s5] =	ssyncadd.s32 $0xFFFFF800  }
0x23c: {  	[tilespmem:s30], [sflag:$0x3] =	stream.linear.gather [spmem:s18], $0x800, $0x38;
	[tilespmem:$0x1A390] =	vst v63  }
0x23d: {  	_ =	swait.ge [sflag:s5], $0x800  }
0x23e: {  	s1 =	sld [smem:$0x7D8]  }
0x23f: {  	[sflag:s5] =	ssyncset.done $0x0  }
0x240: {  	[sflag:s5] =	ssyncadd.s32 $0xFFFFF800  }
0x241: {  	[hbm4b:s1+s19] =	stream.linear.scatter [tilespmem:s30], [sflag:$0x3], $0x800, $0x38;
	[tilespmem:$0x1A390] =	vst v63  }
0x242: {  	_ =	swait.ge [sflag:s5], $0x800  }
0x243: {  	s16 =	sld [smem:$0x7FC]  }
0x244: {  	[sflag:s5] =	ssyncset.done $0x0  }
0x245: {  	[sflag:s5] =	ssyncadd.s32 $0xFFFFF800  }
0x246: {  	[tilespmem:s30], [sflag:$0x3] =	stream.linear.gather [spmem:s16], $0x70, $0x38;
	[tilespmem:$0x1A390] =	vst v63  }
0x247: {  	_ =	swait.ge [sflag:s5], $0x70  }
0x248: {  	s4 =	sld [smem:$0x7D9]  }
0x249: {  	[sflag:s5] =	ssyncset.done $0x0  }
0x24a: {  	[sflag:s5] =	ssyncadd.s32 $0xFFFFFF90  }
0x24b: {  	[hbm4b:s4+s19] =	stream.linear.scatter [tilespmem:s30], [sflag:$0x3], $0x70, $0x38;
	[tilespmem:$0x1A390] =	vst v63  }
0x24c: {  	_ =	swait.ge [sflag:s5], $0x70  }
0x24d: {  	s22 =	sld [smem:$0x7F5]  }
0x24e: {  	[sflag:s5] =	ssyncset.done $0x0  }
0x24f: {  	[sflag:s5] =	ssyncadd.s32 $0xFFFFFF90  }
0x250: {  	[tilespmem:s30], [sflag:$0x3] =	stream.linear.gather [spmem:s22], $0x800, $0x38;
	[tilespmem:$0x1A390] =	vst v63  }
0x251: {  	_ =	swait.ge [sflag:s5], $0x800  }
0x252: {  	s11 =	sld [smem:$0x7DA]  }
0x253: {  	[sflag:s5] =	ssyncset.done $0x0  }
0x254: {  	[sflag:s5] =	ssyncadd.s32 $0xFFFFF800  }
0x255: {  	[hbm4b:s11+s19] =	stream.linear.scatter [tilespmem:s30], [sflag:$0x3], $0x800, $0x38;
	[tilespmem:$0x1A390] =	vst v63  }
0x256: {  	_ =	swait.ge [sflag:s5], $0x800  }
0x257: {  	s4 =	sld [smem:$0x7F7]  }
0x258: {  	[sflag:s5] =	ssyncset.done $0x0  }
0x259: {  	[sflag:s5] =	ssyncadd.s32 $0xFFFFF800  }
0x25a: {  	[tilespmem:s30], [sflag:$0x3] =	stream.linear.gather [spmem:s4], $0x800, $0x38;
	[tilespmem:$0x1A390] =	vst v63  }
0x25b: {  	_ =	swait.ge [sflag:s5], $0x800  }
0x25c: {  	s23 =	sld [smem:$0x7DB]  }
0x25d: {  	[sflag:s5] =	ssyncset.done $0x0  }
0x25e: {  	[sflag:s5] =	ssyncadd.s32 $0xFFFFF800  }
0x25f: {  	[hbm4b:s23+s19] =	stream.linear.scatter [tilespmem:s30], [sflag:$0x3], $0x800, $0x38;
	[tilespmem:$0x1A390] =	vst v63  }
0x260: {  	_ =	swait.ge [sflag:s5], $0x800  }
0x261: {  	s11 =	sld [smem:$0x7FA]  }
0x262: {  	[sflag:s5] =	ssyncset.done $0x0  }
0x263: {  	[sflag:s5] =	ssyncadd.s32 $0xFFFFF800  }
0x264: {  	[tilespmem:s30], [sflag:$0x3] =	stream.linear.gather [spmem:s11], $0x800, $0x38;
	[tilespmem:$0x1A390] =	vst v63  }
0x265: {  	_ =	swait.ge [sflag:s5], $0x800  }
0x266: {  	s1 =	sld [smem:$0x7DC]  }
0x267: {  	[sflag:s5] =	ssyncset.done $0x0  }
0x268: {  	[sflag:s5] =	ssyncadd.s32 $0xFFFFF800  }
0x269: {  	[hbm4b:s1+s19] =	stream.linear.scatter [tilespmem:s30], [sflag:$0x3], $0x800, $0x38;
	[tilespmem:$0x1A390] =	vst v63  }
0x26a: {  	_ =	swait.ge [sflag:s5], $0x800  }
0x26b: {  	s1 =	sld [smem:$0x7FD]  }
0x26c: {  	[sflag:s5] =	ssyncset.done $0x0  }
0x26d: {  	[sflag:s5] =	ssyncadd.s32 $0xFFFFF800  }
0x26e: {  	[tilespmem:s30], [sflag:$0x3] =	stream.linear.gather [spmem:s1], $0x70, $0x38;
	[tilespmem:$0x1A390] =	vst v63  }
0x26f: {  	_ =	swait.ge [sflag:s5], $0x70  }
0x270: {  	s23 =	sld [smem:$0x7DD]  }
0x271: {  	[sflag:s5] =	ssyncset.done $0x0  }
0x272: {  	[sflag:s5] =	ssyncadd.s32 $0xFFFFFF90  }
0x273: {  	[hbm4b:s23+s19] =	stream.linear.scatter [tilespmem:s30], [sflag:$0x3], $0x70, $0x38;
	[tilespmem:$0x1A390] =	vst v63  }
0x274: {  	_ =	swait.ge [sflag:s5], $0x70  }
0x275: {  	s23 =	sld [smem:$0x7F2]  }
0x276: {  	s0 =	sld [smem:$0x7F1];
	_ =	sdelay $0x1  }
0x277: {  	s23 =	sadd.s32 $0x1, s23  }
0x278: {  	p0 =	sne.s32 s23, s0  }
.Ltmp2:
0x279: {  	_ = 	snop;
	(pc) =	sbr.rel @p0 .LBB2_1-.Ltmp2, $3  }
0x27a: {  	_ =	sdelay $0x1  }
0x27b: {  	[sflag:s5] =	ssyncset.done $0x0;
	[smem:$0x7F2] =	sst s23  }
0x27c: {  	[sflag:s5] =	ssyncadd.s32 $0xFFFFFF90;
	s23 =	sld [smem:$0x7F3]  }
0x27d: {  	_ =	sfence.sel $0x180000  }
0x27e: {  	[bflag:$0x0] =	sbarrier.arrive $0xFFFF  }
0x27f: {  	_ =	strace $0x90000047  }
0x280: {  	s0 =	stileid.u32;
	[bflag:$0x2] =	sbarrier.arrive $0xFFFF  }
0x281: {  	p0 =	sne.s32 s0, $0x0;
	s0 =	rddreg [dreg:$0xa]  }
0x282: {  	s0 =	sadd.s32 @!p0 $0x100000, s0  }
0x283: {  	[sflag:s0] =	ssyncadd.tile.s32 @!p0 $0x1;
	_ =	shalt  }
.Lfunc_end2:
_tile_overlayer_lowered:
.L_overlay_start_2:
0x284: {  	(tag) =	ssettag $0x2  }
0x285: {  	s0 =	rddreg [dreg:$0x0];
	s2 =	stileid.u32  }
0x286: {  	s1 =	rddreg [dreg:$0x1];
	p0 =	sne.s32 s2, $0x0  }
0x287: {  	s3 =	rddreg [dreg:$0x2];
	[bflag:$0x3] =	sbarrier.arrive $0xFFFF;
	s2 =	simm.s32 @!p0 $0x1C03  }
0x288: {  	[timem:s3], [sflag:s2] =	dma.local @!p0 [hbm:s0], s1  }
0x289: {  	s0 =	simm.s32 @!p0 $0x3  }
0x28a: {  	_ =	swait.ge @!p0 [sflag:s0], s1  }
0x28b: {  	s1 =	ssub.s32 @!p0 $0x0, s1;
	[sflag:s0] =	ssyncset.done @!p0 $0x0  }
0x28c: {  	[sflag:s0] =	ssyncadd.s32 @!p0 s1  }
0x28d: {  	[bflag:$0x3] =	sbarrier.arrive $0xFFFF  }
0x28e: {  	_ =	shalt  }

</sc_bundles>
